<compile_context>
chip_gen: v7x
topology: tpu7x:2x2x1
jax: 0.10.2.dev20260603
libtpu: 0.0.44.dev20260713+nightly
codegen_flags: <defaults>
</compile_context>

<pallas_src>
import jax
import jax.numpy as jnp
from jax import lax
from jax.experimental import pallas as pl
from jax.experimental.pallas import tpu as pltpu
from jax.experimental.pallas import tpu_sc as plsc

D = 128
E_TOTAL = 640000
CHUNK = 128
NCHUNKS = E_TOTAL // CHUNK
NPOS_CHUNKS = 320000 // CHUNK
NC, NS = 2, 16
NW = NC * NS
ITERS = -(-NCHUNKS // NW)
NCHUNKS_PAD = NW * ITERS
E_PAD = NCHUNKS_PAD * CHUNK
HBITS = 17
NBUCK = 1 << HBITS
HISTLEN = 2 * NBUCK
STRIPE = HISTLEN // NS


NBUF = 3


def _sc_body(emb, pos, neg, zeros, scores_out, hist_out,
             idx_u0, idx_v0, idx_u1, idx_v1, idx_u2, idx_v2,
             rows_u0, rows_v0, rows_u1, rows_v1, rows_u2, rows_v2,
             sbuf0, sbuf1, sbuf2, bbuf0, bbuf1, bbuf2, ones, hist_sh,
             sem_i0, sem_i1, sem_i2,
             sem_gu0, sem_gv0, sem_gu1, sem_gv1, sem_gu2, sem_gv2,
             sem_sc0, sem_sc1, sem_sc2, sem_sw0, sem_sw1, sem_sw2):
    cid = lax.axis_index("c")
    sid = lax.axis_index("s")
    wid = sid * NC + cid

    idx_u = [idx_u0, idx_u1, idx_u2]
    idx_v = [idx_v0, idx_v1, idx_v2]
    rows_u = [rows_u0, rows_u1, rows_u2]
    rows_v = [rows_v0, rows_v1, rows_v2]
    sbuf_r = [sbuf0, sbuf1, sbuf2]
    bbuf_r = [bbuf0, bbuf1, bbuf2]
    sem_i = [sem_i0, sem_i1, sem_i2]
    sem_gu = [sem_gu0, sem_gu1, sem_gu2]
    sem_gv = [sem_gv0, sem_gv1, sem_gv2]
    sem_sc = [sem_sc0, sem_sc1, sem_sc2]
    sem_sw = [sem_sw0, sem_sw1, sem_sw2]

    pltpu.sync_copy(zeros, hist_sh.at[pl.ds(sid * STRIPE, STRIPE)])
    for j in range(CHUNK // 16):
        ones[pl.ds(j * 16, 16)] = jnp.full((16,), 1.0, jnp.float32)
    plsc.subcore_barrier()

    def cix(i):
        return wid + NW * i

    def fire_idx(i, s):
        c = cix(i)
        base = c * CHUNK

        @pl.when(c < NPOS_CHUNKS)
        def _():
            pltpu.async_copy(pos.at[0, pl.ds(base, CHUNK)], idx_u[s], sem_i[s])
            pltpu.async_copy(pos.at[1, pl.ds(base, CHUNK)], idx_v[s], sem_i[s])

        @pl.when((c >= NPOS_CHUNKS) & (c < NCHUNKS))
        def _():
            nbase = base - NPOS_CHUNKS * CHUNK
            pltpu.async_copy(neg.at[0, pl.ds(nbase, CHUNK)], idx_u[s], sem_i[s])
            pltpu.async_copy(neg.at[1, pl.ds(nbase, CHUNK)], idx_v[s], sem_i[s])

        @pl.when(c >= NCHUNKS)
        def _():
            pltpu.async_copy(neg.at[0, pl.ds(0, CHUNK)], idx_u[s], sem_i[s])
            pltpu.async_copy(neg.at[1, pl.ds(0, CHUNK)], idx_v[s], sem_i[s])

    def wait_idx(s):
        pltpu.make_async_copy(pos.at[0, pl.ds(0, CHUNK)], idx_u[s], sem_i[s]).wait()
        pltpu.make_async_copy(pos.at[1, pl.ds(0, CHUNK)], idx_v[s], sem_i[s]).wait()

    def fire_gather(s):
        pltpu.async_copy(emb.at[idx_u[s]], rows_u[s], sem_gu[s])
        pltpu.async_copy(emb.at[idx_v[s]], rows_v[s], sem_gv[s])

    def wait_gather(s):
        pltpu.make_async_copy(emb.at[idx_u[s]], rows_u[s], sem_gu[s]).wait()
        pltpu.make_async_copy(emb.at[idx_v[s]], rows_v[s], sem_gv[s]).wait()

    lane = lax.iota(jnp.int32, 16)

    def compute(i, s):
        c = cix(i)
        ru, rv = rows_u[s], rows_v[s]
        sbuf, bbuf = sbuf_r[s], bbuf_r[s]

        @pl.when(i >= NBUF)
        def _():
            pltpu.make_async_copy(ones, hist_sh.at[bbuf], sem_sc[s]).wait()
            pltpu.make_async_copy(
                sbuf, scores_out.at[pl.ds(0, CHUNK)], sem_sw[s]).wait()
        def group_body(g, carry2):
            rows16 = g * 16 + lane

            z = jnp.zeros((16,), jnp.float32)

            @plsc.parallel_loop(0, D // 4, unroll=8, carry=(z, z, z, z))
            def accs(db, accs_in):
                new = []
                for k in range(4):
                    col = (lane + (db * 4 + k)) & jnp.int32(D - 1)
                    cu = plsc.load_gather(ru, [rows16, col])
                    cv = plsc.load_gather(rv, [rows16, col])
                    new.append(accs_in[k] + cu * cv)
                return tuple(new)
            vec = (accs[0] + accs[1]) + (accs[2] + accs[3])
            sbuf[pl.ds(g * 16, 16)] = vec
            return carry2

        lax.fori_loop(0, CHUNK // 16, group_body, 0)

        off = jnp.where(c < NPOS_CHUNKS, 0, NBUCK).astype(jnp.int32)
        is_pad = c >= NCHUNKS
        for j in range(CHUNK // 16):
            sv = sbuf[pl.ds(j * 16, 16)]
            b = plsc.bitcast(sv, jnp.int32)
            key = jnp.where(b < 0, b ^ jnp.int32(0x7FFFFFFF), b)
            bkt = lax.shift_right_arithmetic(key, 32 - HBITS)
            bkt = bkt + jnp.int32(NBUCK // 2)
            bkt = jnp.where(is_pad, HISTLEN + (bkt & jnp.int32(127)),
                            bkt + off)
            bbuf[pl.ds(j * 16, 16)] = bkt

        pltpu.async_copy(ones, hist_sh.at[bbuf], sem_sc[s], add=True)
        pltpu.async_copy(sbuf, scores_out.at[pl.ds(c * CHUNK, CHUNK)],
                         sem_sw[s])

    for s in range(NBUF):
        fire_idx(s, s)
    wait_idx(0)
    fire_gather(0)
    wait_idx(1)
    fire_gather(1)

    def loop_body(j, carry):
        for t in range(NBUF):
            i = NBUF * j + t

            @pl.when(i <= ITERS - 1)
            def _(i=i, t=t):
                @pl.when(i + 2 <= ITERS - 1)
                def _():
                    wait_idx((t + 2) % NBUF)
                    fire_gather((t + 2) % NBUF)

                wait_gather(t)

                @pl.when(i + NBUF <= ITERS - 1)
                def _():
                    fire_idx(i + NBUF, t)

                compute(i, t)

        return carry

    lax.fori_loop(0, -(-ITERS // NBUF), loop_body, 0)

    for s in range(NBUF):
        pltpu.make_async_copy(ones, hist_sh.at[bbuf_r[s]], sem_sc[s]).wait()
        pltpu.make_async_copy(
            sbuf_r[s], scores_out.at[pl.ds(0, CHUNK)], sem_sw[s]).wait()

    plsc.subcore_barrier()
    pltpu.sync_copy(hist_sh.at[pl.ds(sid * STRIPE, STRIPE)],
                    hist_out.at[cid, pl.ds(sid * STRIPE, STRIPE)])


_SC_SCORE_CACHE = []


def _sc_score_fn():
    if not _SC_SCORE_CACHE:
        _SC_SCORE_CACHE.append(_build_sc_score())
    return _SC_SCORE_CACHE[0]


def _build_sc_score():
  return pl.kernel(
    _sc_body,
    out_type=(
        jax.ShapeDtypeStruct((E_PAD,), jnp.float32),
        jax.ShapeDtypeStruct((NC, HISTLEN), jnp.float32),
    ),
    mesh=plsc.VectorSubcoreMesh(core_axis_name="c", subcore_axis_name="s",
                                num_cores=NC, num_subcores=NS),
    compiler_params=pltpu.CompilerParams(needs_layout_passes=False),
    scratch_types=(
        [pltpu.VMEM((CHUNK,), jnp.int32)] * (2 * NBUF)
        + [pltpu.VMEM((CHUNK, D), jnp.float32)] * (2 * NBUF)
        + [pltpu.VMEM((CHUNK,), jnp.float32)] * NBUF
        + [pltpu.VMEM((CHUNK,), jnp.int32)] * NBUF
        + [pltpu.VMEM((CHUNK,), jnp.float32)]
        + [pltpu.VMEM_SHARED((HISTLEN + 128,), jnp.float32)]
        + [pltpu.SemaphoreType.DMA] * (5 * NBUF)
    ),
  )


R = 512
C = NBUCK // R


def _tc_body(scores_ref, hp_ref, hn_ref, out_ref):
    s = scores_ref[...]
    rows = lax.broadcasted_iota(jnp.int32, s.shape, 0)
    lbl = (rows < NPOS_CHUNKS).astype(jnp.float32)
    valid = (rows < NCHUNKS).astype(jnp.float32)
    bce = (jnp.maximum(s, 0.0) - s * lbl
           + jnp.log1p(jnp.exp(-jnp.abs(s)))) * valid
    loss = jnp.sum(bce) * (1.0 / E_TOTAL)

    p = hp_ref[0] + hp_ref[1]
    n = hn_ref[0] + hn_ref[1]
    ic = lax.broadcasted_iota(jnp.int32, (C, C), 0)
    jc = lax.broadcasted_iota(jnp.int32, (C, C), 1)
    upper = (ic < jc).astype(jnp.float32)
    ir = lax.broadcasted_iota(jnp.int32, (R, R), 0)
    jr = lax.broadcasted_iota(jnp.int32, (R, R), 1)
    lower = (ir > jr).astype(jnp.float32)
    cum_in_row = jnp.dot(n, upper, preferred_element_type=jnp.float32)
    rowsum = jnp.sum(n, axis=1, keepdims=True)
    rowprev = jnp.dot(lower, rowsum, preferred_element_type=jnp.float32)
    cum_excl = cum_in_row + rowprev

    inv = 1.0 / 320000.0
    term1 = jnp.sum(p * (cum_excl * inv))
    term2 = 0.5 * inv * jnp.sum(p * n)
    auc = (term1 + term2) * inv

    ij = lax.broadcasted_iota(jnp.int32, (8, 128), 1)
    i0 = lax.broadcasted_iota(jnp.int32, (8, 128), 0)
    out = jnp.where((i0 == 0) & (ij == 0), loss,
                    jnp.where((i0 == 0) & (ij == 1), auc, 0.0))
    out_ref[...] = out


def kernel(embeddings, pos_edges, neg_edges):
    zeros = jnp.zeros((STRIPE,), jnp.float32)
    scores, hist = _sc_score_fn()(
        embeddings, pos_edges.astype(jnp.int32), neg_edges.astype(jnp.int32),
        zeros)

    scores2d = scores.reshape(NCHUNKS_PAD, CHUNK)
    hp = hist[:, :NBUCK].reshape(NC, R, C)
    hn = hist[:, NBUCK:].reshape(NC, R, C)
    out = pl.pallas_call(
        _tc_body,
        out_shape=jax.ShapeDtypeStruct((8, 128), jnp.float32),
    )(scores2d, hp, hn)
    return out[0, 0], out[0, 1]

# --- scband reference (transcript-rebuilt; emitter-appended) ---
"""Pipeline reference for scband-link-pred-head-43293270343899 (READ-ONLY COPY).

The authoritative reference and input builder live on the scoring server;
editing this copy changes nothing except your own understanding.
"""

import jax, jax.numpy as jnp
import numpy as np

N_NODES = 100000
D = 128
N_EDGES = 320000


def setup_inputs(seed: int = 0) -> dict:
    key = jax.random.key(seed)
    k1, k2, k3 = jax.random.split(key, 3)
    embeddings = jax.random.normal(k1, (N_NODES, D), dtype=jnp.float32)
    pos_edges = jax.random.randint(k2, (2, N_EDGES), 0, N_NODES)
    neg_edges = jax.random.randint(k3, (2, N_EDGES), 0, N_NODES)
    return {"embeddings": embeddings, "pos_edges": pos_edges, "neg_edges": neg_edges}


def _bce_with_logits_mean(scores, labels):
    # numerically stable BCE-with-logits, mean reduction (matches F.binary_cross_entropy_with_logits)
    return jnp.mean(jnp.maximum(scores, 0.0) - scores * labels + jnp.log1p(jnp.exp(-jnp.abs(scores))))


def _rank_auc(scores, labels):
    n = scores.shape[0]
    n_pos = labels.sum()
    n_neg = n - n_pos
    order = jnp.argsort(scores)  # ascending
    ranks = jnp.zeros((n,), dtype=scores.dtype).at[order].set(jnp.arange(1, n + 1, dtype=scores.dtype))
    sum_pos = jnp.sum(ranks * labels)
    return (sum_pos - n_pos * (n_pos + 1.0) / 2.0) / (n_pos * n_neg)


def reference(embeddings, pos_edges, neg_edges):
    pos_score = jnp.sum(embeddings[pos_edges[0]] * embeddings[pos_edges[1]], axis=-1)
    neg_score = jnp.sum(embeddings[neg_edges[0]] * embeddings[neg_edges[1]], axis=-1)
    scores = jnp.concatenate([pos_score, neg_score])
    labels = jnp.concatenate([jnp.ones_like(pos_score), jnp.zeros_like(neg_score)])
    loss = _bce_with_logits_mean(scores, labels)
    auc = _rank_auc(jax.lax.stop_gradient(scores), labels)
    return (loss, auc)

if __name__ == "__main__":
    import jax
    _d = setup_inputs()
    print(jax.jit(kernel)(*tuple(_d.values())))

</pallas_src>

<mosaic_0001>
#map = affine_map<(d0, d1) -> (0, 0)>
#map1 = affine_map<(d0, d1) -> (0)>
module attributes {stable_mosaic.version = 14 : i64} {
  func.func @_sc_body(%arg0: i32, %arg1: i32, %arg2: memref<100000x128xf32, #tpu.memory_space<hbm>>, %arg3: memref<2x320000xi32, #tpu.memory_space<hbm>>, %arg4: memref<2x320000xi32, #tpu.memory_space<hbm>>, %arg5: memref<16384xf32, #tpu.memory_space<hbm>>, %arg6: memref<643072xf32, #tpu.memory_space<hbm>>, %arg7: memref<2x262144xf32, #tpu.memory_space<hbm>>, %arg8: memref<128xi32, #tpu.memory_space<vmem>>, %arg9: memref<128xi32, #tpu.memory_space<vmem>>, %arg10: memref<128xi32, #tpu.memory_space<vmem>>, %arg11: memref<128xi32, #tpu.memory_space<vmem>>, %arg12: memref<128xi32, #tpu.memory_space<vmem>>, %arg13: memref<128xi32, #tpu.memory_space<vmem>>, %arg14: memref<128x128xf32, #tpu.memory_space<vmem>>, %arg15: memref<128x128xf32, #tpu.memory_space<vmem>>, %arg16: memref<128x128xf32, #tpu.memory_space<vmem>>, %arg17: memref<128x128xf32, #tpu.memory_space<vmem>>, %arg18: memref<128x128xf32, #tpu.memory_space<vmem>>, %arg19: memref<128x128xf32, #tpu.memory_space<vmem>>, %arg20: memref<128xf32, #tpu.memory_space<vmem>>, %arg21: memref<128xf32, #tpu.memory_space<vmem>>, %arg22: memref<128xf32, #tpu.memory_space<vmem>>, %arg23: memref<128xi32, #tpu.memory_space<vmem>>, %arg24: memref<128xi32, #tpu.memory_space<vmem>>, %arg25: memref<128xi32, #tpu.memory_space<vmem>>, %arg26: memref<128xf32, #tpu.memory_space<vmem>>, %arg27: memref<262272xf32, #tpu.memory_space<vmem_shared>>, %arg28: memref<!tpu.dma_semaphore, #tpu.memory_space<semaphore_mem>>, %arg29: memref<!tpu.dma_semaphore, #tpu.memory_space<semaphore_mem>>, %arg30: memref<!tpu.dma_semaphore, #tpu.memory_space<semaphore_mem>>, %arg31: memref<!tpu.dma_semaphore, #tpu.memory_space<semaphore_mem>>, %arg32: memref<!tpu.dma_semaphore, #tpu.memory_space<semaphore_mem>>, %arg33: memref<!tpu.dma_semaphore, #tpu.memory_space<semaphore_mem>>, %arg34: memref<!tpu.dma_semaphore, #tpu.memory_space<semaphore_mem>>, %arg35: memref<!tpu.dma_semaphore, #tpu.memory_space<semaphore_mem>>, %arg36: memref<!tpu.dma_semaphore, #tpu.memory_space<semaphore_mem>>, %arg37: memref<!tpu.dma_semaphore, #tpu.memory_space<semaphore_mem>>, %arg38: memref<!tpu.dma_semaphore, #tpu.memory_space<semaphore_mem>>, %arg39: memref<!tpu.dma_semaphore, #tpu.memory_space<semaphore_mem>>, %arg40: memref<!tpu.dma_semaphore, #tpu.memory_space<semaphore_mem>>, %arg41: memref<!tpu.dma_semaphore, #tpu.memory_space<semaphore_mem>>, %arg42: memref<!tpu.dma_semaphore, #tpu.memory_space<semaphore_mem>>) attributes {dimension_semantics = [#tpu.dimension_semantics<core_parallel>, #tpu.dimension_semantics<subcore_parallel>], iteration_bounds = array<i64: 2, 16>, scalar_prefetch = 0 : i64, scratch_operands = 35 : i64, tpu.core_type = #tpu.core_type<sc_vector_subcore>, window_params = [{transform_indices = #map}, {transform_indices = #map}, {transform_indices = #map}, {transform_indices = #map1}, {transform_indices = #map1}, {transform_indices = #map}]} {
    %mul3A = arith.constant 2 : i32
    %mul3A_0 = arith.muli %arg1, %mul3A : i32
    %add3A = arith.addi %mul3A_0, %arg0 : i32
    %mul3A_1 = arith.constant 16384 : i32
    %mul3A_2 = arith.muli %arg1, %mul3A_1 : i32
    "tpu.region"() ({
      %run_scoped3A = tpu.sem_alloc : memref<!tpu.dma_semaphore, #tpu.memory_space<semaphore_mem>>
      %dma_start3A_160 = tpu.memref_slice %arg27[%mul3A_2] : memref<262272xf32, #tpu.memory_space<vmem_shared>> -> memref<16384xf32, #tpu.memory_space<vmem_shared>>
      tpu.enqueue_dma source(%arg5 : memref<16384xf32, #tpu.memory_space<hbm>>) target(%dma_start3A_160 : memref<16384xf32, #tpu.memory_space<vmem_shared>>) target_semaphore(%run_scoped3A : memref<!tpu.dma_semaphore, #tpu.memory_space<semaphore_mem>>)
      %dma_wait3A_161 = tpu.memref_slice %arg27[%mul3A_2] : memref<262272xf32, #tpu.memory_space<vmem_shared>> -> memref<16384xf32, #tpu.memory_space<vmem_shared>>
      tpu.wait_dma2 semaphore(%run_scoped3A : memref<!tpu.dma_semaphore, #tpu.memory_space<semaphore_mem>>) src(%arg5 : memref<16384xf32, #tpu.memory_space<hbm>>) dst(%dma_wait3A_161 : memref<16384xf32, #tpu.memory_space<vmem_shared>>)
      tpu.yield
    }) : () -> ()
    %broadcast_in_dim3A = arith.constant 1.000000e+00 : f32
    %broadcast_in_dim3A_3 = vector.broadcast %broadcast_in_dim3A : f32 to vector<16xf32>
    %swap3A = arith.constant 0 : index
    %swap3A_4 = tpu.vector_load %arg26[%swap3A] {strides = array<i32>} : memref<128xf32, #tpu.memory_space<vmem>>, vector<16xf32>,
    tpu.vector_store %arg26[%swap3A], %broadcast_in_dim3A_3 {strides = array<i32>} : memref<128xf32, #tpu.memory_space<vmem>>, vector<16xf32>,
    %broadcast_in_dim3A_5 = arith.constant 1.000000e+00 : f32
    %broadcast_in_dim3A_6 = vector.broadcast %broadcast_in_dim3A_5 : f32 to vector<16xf32>
    %swap3A_7 = arith.constant 16 : index
    %swap3A_8 = tpu.vector_load %arg26[%swap3A_7] {strides = array<i32>} : memref<128xf32, #tpu.memory_space<vmem>>, vector<16xf32>,
    tpu.vector_store %arg26[%swap3A_7], %broadcast_in_dim3A_6 {strides = array<i32>} : memref<128xf32, #tpu.memory_space<vmem>>, vector<16xf32>,
    %broadcast_in_dim3A_9 = arith.constant 1.000000e+00 : f32
    %broadcast_in_dim3A_10 = vector.broadcast %broadcast_in_dim3A_9 : f32 to vector<16xf32>
    %swap3A_11 = arith.constant 32 : index
    %swap3A_12 = tpu.vector_load %arg26[%swap3A_11] {strides = array<i32>} : memref<128xf32, #tpu.memory_space<vmem>>, vector<16xf32>,
    tpu.vector_store %arg26[%swap3A_11], %broadcast_in_dim3A_10 {strides = array<i32>} : memref<128xf32, #tpu.memory_space<vmem>>, vector<16xf32>,
    %broadcast_in_dim3A_13 = arith.constant 1.000000e+00 : f32
    %broadcast_in_dim3A_14 = vector.broadcast %broadcast_in_dim3A_13 : f32 to vector<16xf32>
    %swap3A_15 = arith.constant 48 : index
    %swap3A_16 = tpu.vector_load %arg26[%swap3A_15] {strides = array<i32>} : memref<128xf32, #tpu.memory_space<vmem>>, vector<16xf32>,
    tpu.vector_store %arg26[%swap3A_15], %broadcast_in_dim3A_14 {strides = array<i32>} : memref<128xf32, #tpu.memory_space<vmem>>, vector<16xf32>,
    %broadcast_in_dim3A_17 = arith.constant 1.000000e+00 : f32
    %broadcast_in_dim3A_18 = vector.broadcast %broadcast_in_dim3A_17 : f32 to vector<16xf32>
    %swap3A_19 = arith.constant 64 : index
    %swap3A_20 = tpu.vector_load %arg26[%swap3A_19] {strides = array<i32>} : memref<128xf32, #tpu.memory_space<vmem>>, vector<16xf32>,
    tpu.vector_store %arg26[%swap3A_19], %broadcast_in_dim3A_18 {strides = array<i32>} : memref<128xf32, #tpu.memory_space<vmem>>, vector<16xf32>,
    %broadcast_in_dim3A_21 = arith.constant 1.000000e+00 : f32
    %broadcast_in_dim3A_22 = vector.broadcast %broadcast_in_dim3A_21 : f32 to vector<16xf32>
    %swap3A_23 = arith.constant 80 : index
    %swap3A_24 = tpu.vector_load %arg26[%swap3A_23] {strides = array<i32>} : memref<128xf32, #tpu.memory_space<vmem>>, vector<16xf32>,
    tpu.vector_store %arg26[%swap3A_23], %broadcast_in_dim3A_22 {strides = array<i32>} : memref<128xf32, #tpu.memory_space<vmem>>, vector<16xf32>,
    %broadcast_in_dim3A_25 = arith.constant 1.000000e+00 : f32
    %broadcast_in_dim3A_26 = vector.broadcast %broadcast_in_dim3A_25 : f32 to vector<16xf32>
    %swap3A_27 = arith.constant 96 : index
    %swap3A_28 = tpu.vector_load %arg26[%swap3A_27] {strides = array<i32>} : memref<128xf32, #tpu.memory_space<vmem>>, vector<16xf32>,
    tpu.vector_store %arg26[%swap3A_27], %broadcast_in_dim3A_26 {strides = array<i32>} : memref<128xf32, #tpu.memory_space<vmem>>, vector<16xf32>,
    %broadcast_in_dim3A_29 = arith.constant 1.000000e+00 : f32
    %broadcast_in_dim3A_30 = vector.broadcast %broadcast_in_dim3A_29 : f32 to vector<16xf32>
    %swap3A_31 = arith.constant 112 : index
    %swap3A_32 = tpu.vector_load %arg26[%swap3A_31] {strides = array<i32>} : memref<128xf32, #tpu.memory_space<vmem>>, vector<16xf32>,
    tpu.vector_store %arg26[%swap3A_31], %broadcast_in_dim3A_30 {strides = array<i32>} : memref<128xf32, #tpu.memory_space<vmem>>, vector<16xf32>,
    %barrier3A = arith.constant 0 : index
    tpu.barrier barrier_id(%barrier3A)
    %iota3A = tpu.iota {dimensions = array<i32: 0>} : vector<16xi32>
    %add3A_33 = arith.constant 0 : i32
    %add3A_34 = arith.addi %add3A, %add3A_33 : i32
    %mul3A_35 = arith.constant 128 : i32
    %mul3A_36 = arith.muli %add3A_34, %mul3A_35 : i32
    %lt3A = arith.constant 2500 : i32
    %lt3A_37 = arith.cmpi slt, %add3A_34, %lt3A : i32
    %convert_element_type3A = arith.extui %lt3A_37 : i1 to i32
    %cond3A = arith.constant 0 : i32
    %cond3A_38 = arith.cmpi ne, %convert_element_type3A, %cond3A : i32
    scf.if %cond3A_38 {
      %dma_start3A_160 = arith.constant 0 : i32
      %dma_start3A_161 = tpu.memref_slice %arg3[%dma_start3A_160, %mul3A_36] : memref<2x320000xi32, #tpu.memory_space<hbm>> -> memref<1x128xi32, #tpu.memory_space<hbm>>
      %dma_start3A_162 = tpu.memref_squeeze %dma_start3A_161 : memref<1x128xi32, #tpu.memory_space<hbm>> -> memref<128xi32, #tpu.memory_space<hbm>>
      %dma_start3A_163 = tpu.memref_slice %arg3[%dma_start3A_160, %mul3A_36] : memref<2x320000xi32, #tpu.memory_space<hbm>> -> memref<1x128xi32, #tpu.memory_space<hbm>>
      %dma_start3A_164 = tpu.memref_squeeze %dma_start3A_163 : memref<1x128xi32, #tpu.memory_space<hbm>> -> memref<128xi32, #tpu.memory_space<hbm>>
      tpu.enqueue_dma source(%dma_start3A_164 : memref<128xi32, #tpu.memory_space<hbm>>) target(%arg8 : memref<128xi32, #tpu.memory_space<vmem>>) target_semaphore(%arg28 : memref<!tpu.dma_semaphore, #tpu.memory_space<semaphore_mem>>)
      %dma_start3A_165 = arith.constant 1 : i32
      %dma_start3A_166 = tpu.memref_slice %arg3[%dma_start3A_165, %mul3A_36] : memref<2x320000xi32, #tpu.memory_space<hbm>> -> memref<1x128xi32, #tpu.memory_space<hbm>>
      %dma_start3A_167 = tpu.memref_squeeze %dma_start3A_166 : memref<1x128xi32, #tpu.memory_space<hbm>> -> memref<128xi32, #tpu.memory_space<hbm>>
      %dma_start3A_168 = tpu.memref_slice %arg3[%dma_start3A_165, %mul3A_36] : memref<2x320000xi32, #tpu.memory_space<hbm>> -> memref<1x128xi32, #tpu.memory_space<hbm>>
      %dma_start3A_169 = tpu.memref_squeeze %dma_start3A_168 : memref<1x128xi32, #tpu.memory_space<hbm>> -> memref<128xi32, #tpu.memory_space<hbm>>
      tpu.enqueue_dma source(%dma_start3A_169 : memref<128xi32, #tpu.memory_space<hbm>>) target(%arg9 : memref<128xi32, #tpu.memory_space<vmem>>) target_semaphore(%arg28 : memref<!tpu.dma_semaphore, #tpu.memory_space<semaphore_mem>>)
    } else {
    }
    %ge3A = arith.constant 2500 : i32
    %ge3A_39 = arith.cmpi sge, %add3A_34, %ge3A : i32
    %lt3A_40 = arith.constant 5000 : i32
    %lt3A_41 = arith.cmpi slt, %add3A_34, %lt3A_40 : i32
    %and3A = arith.andi %ge3A_39, %lt3A_41 : i1
    %convert_element_type3A_42 = arith.extui %and3A : i1 to i32
    %cond3A_43 = arith.constant 0 : i32
    %cond3A_44 = arith.cmpi ne, %convert_element_type3A_42, %cond3A_43 : i32
    scf.if %cond3A_44 {
      %sub3A = arith.constant 320000 : i32
      %sub3A_160 = arith.subi %mul3A_36, %sub3A : i32
      %dma_start3A_161 = arith.constant 0 : i32
      %dma_start3A_162 = tpu.memref_slice %arg4[%dma_start3A_161, %sub3A_160] : memref<2x320000xi32, #tpu.memory_space<hbm>> -> memref<1x128xi32, #tpu.memory_space<hbm>>
      %dma_start3A_163 = tpu.memref_squeeze %dma_start3A_162 : memref<1x128xi32, #tpu.memory_space<hbm>> -> memref<128xi32, #tpu.memory_space<hbm>>
      %dma_start3A_164 = tpu.memref_slice %arg4[%dma_start3A_161, %sub3A_160] : memref<2x320000xi32, #tpu.memory_space<hbm>> -> memref<1x128xi32, #tpu.memory_space<hbm>>
      %dma_start3A_165 = tpu.memref_squeeze %dma_start3A_164 : memref<1x128xi32, #tpu.memory_space<hbm>> -> memref<128xi32, #tpu.memory_space<hbm>>
      tpu.enqueue_dma source(%dma_start3A_165 : memref<128xi32, #tpu.memory_space<hbm>>) target(%arg8 : memref<128xi32, #tpu.memory_space<vmem>>) target_semaphore(%arg28 : memref<!tpu.dma_semaphore, #tpu.memory_space<semaphore_mem>>)
      %dma_start3A_166 = arith.constant 1 : i32
      %dma_start3A_167 = tpu.memref_slice %arg4[%dma_start3A_166, %sub3A_160] : memref<2x320000xi32, #tpu.memory_space<hbm>> -> memref<1x128xi32, #tpu.memory_space<hbm>>
      %dma_start3A_168 = tpu.memref_squeeze %dma_start3A_167 : memref<1x128xi32, #tpu.memory_space<hbm>> -> memref<128xi32, #tpu.memory_space<hbm>>
      %dma_start3A_169 = tpu.memref_slice %arg4[%dma_start3A_166, %sub3A_160] : memref<2x320000xi32, #tpu.memory_space<hbm>> -> memref<1x128xi32, #tpu.memory_space<hbm>>
      %dma_start3A_170 = tpu.memref_squeeze %dma_start3A_169 : memref<1x128xi32, #tpu.memory_space<hbm>> -> memref<128xi32, #tpu.memory_space<hbm>>
      tpu.enqueue_dma source(%dma_start3A_170 : memref<128xi32, #tpu.memory_space<hbm>>) target(%arg9 : memref<128xi32, #tpu.memory_space<vmem>>) target_semaphore(%arg28 : memref<!tpu.dma_semaphore, #tpu.memory_space<semaphore_mem>>)
    } else {
    }
    %ge3A_45 = arith.constant 5000 : i32
    %ge3A_46 = arith.cmpi sge, %add3A_34, %ge3A_45 : i32
    %convert_element_type3A_47 = arith.extui %ge3A_46 : i1 to i32
    %cond3A_48 = arith.constant 0 : i32
    %cond3A_49 = arith.cmpi ne, %convert_element_type3A_47, %cond3A_48 : i32
    scf.if %cond3A_49 {
      %dma_start3A_160 = arith.constant 0 : i32
      %dma_start3A_161 = arith.constant 0 : i32
      %dma_start3A_162 = tpu.memref_slice %arg4[%dma_start3A_160, %dma_start3A_161] : memref<2x320000xi32, #tpu.memory_space<hbm>> -> memref<1x128xi32, #tpu.memory_space<hbm>>
      %dma_start3A_163 = tpu.memref_squeeze %dma_start3A_162 : memref<1x128xi32, #tpu.memory_space<hbm>> -> memref<128xi32, #tpu.memory_space<hbm>>
      %dma_start3A_164 = arith.constant 0 : i32
      %dma_start3A_165 = tpu.memref_slice %arg4[%dma_start3A_160, %dma_start3A_164] : memref<2x320000xi32, #tpu.memory_space<hbm>> -> memref<1x128xi32, #tpu.memory_space<hbm>>
      %dma_start3A_166 = tpu.memref_squeeze %dma_start3A_165 : memref<1x128xi32, #tpu.memory_space<hbm>> -> memref<128xi32, #tpu.memory_space<hbm>>
      tpu.enqueue_dma source(%dma_start3A_166 : memref<128xi32, #tpu.memory_space<hbm>>) target(%arg8 : memref<128xi32, #tpu.memory_space<vmem>>) target_semaphore(%arg28 : memref<!tpu.dma_semaphore, #tpu.memory_space<semaphore_mem>>)
      %dma_start3A_167 = arith.constant 1 : i32
      %dma_start3A_168 = arith.constant 0 : i32
      %dma_start3A_169 = tpu.memref_slice %arg4[%dma_start3A_167, %dma_start3A_168] : memref<2x320000xi32, #tpu.memory_space<hbm>> -> memref<1x128xi32, #tpu.memory_space<hbm>>
      %dma_start3A_170 = tpu.memref_squeeze %dma_start3A_169 : memref<1x128xi32, #tpu.memory_space<hbm>> -> memref<128xi32, #tpu.memory_space<hbm>>
      %dma_start3A_171 = arith.constant 0 : i32
      %dma_start3A_172 = tpu.memref_slice %arg4[%dma_start3A_167, %dma_start3A_171] : memref<2x320000xi32, #tpu.memory_space<hbm>> -> memref<1x128xi32, #tpu.memory_space<hbm>>
      %dma_start3A_173 = tpu.memref_squeeze %dma_start3A_172 : memref<1x128xi32, #tpu.memory_space<hbm>> -> memref<128xi32, #tpu.memory_space<hbm>>
      tpu.enqueue_dma source(%dma_start3A_173 : memref<128xi32, #tpu.memory_space<hbm>>) target(%arg9 : memref<128xi32, #tpu.memory_space<vmem>>) target_semaphore(%arg28 : memref<!tpu.dma_semaphore, #tpu.memory_space<semaphore_mem>>)
    } else {
    }
    %add3A_50 = arith.constant 32 : i32
    %add3A_51 = arith.addi %add3A, %add3A_50 : i32
    %mul3A_52 = arith.constant 128 : i32
    %mul3A_53 = arith.muli %add3A_51, %mul3A_52 : i32
    %lt3A_54 = arith.constant 2500 : i32
    %lt3A_55 = arith.cmpi slt, %add3A_51, %lt3A_54 : i32
    %convert_element_type3A_56 = arith.extui %lt3A_55 : i1 to i32
    %cond3A_57 = arith.constant 0 : i32
    %cond3A_58 = arith.cmpi ne, %convert_element_type3A_56, %cond3A_57 : i32
    scf.if %cond3A_58 {
      %dma_start3A_160 = arith.constant 0 : i32
      %dma_start3A_161 = tpu.memref_slice %arg3[%dma_start3A_160, %mul3A_53] : memref<2x320000xi32, #tpu.memory_space<hbm>> -> memref<1x128xi32, #tpu.memory_space<hbm>>
      %dma_start3A_162 = tpu.memref_squeeze %dma_start3A_161 : memref<1x128xi32, #tpu.memory_space<hbm>> -> memref<128xi32, #tpu.memory_space<hbm>>
      %dma_start3A_163 = tpu.memref_slice %arg3[%dma_start3A_160, %mul3A_53] : memref<2x320000xi32, #tpu.memory_space<hbm>> -> memref<1x128xi32, #tpu.memory_space<hbm>>
      %dma_start3A_164 = tpu.memref_squeeze %dma_start3A_163 : memref<1x128xi32, #tpu.memory_space<hbm>> -> memref<128xi32, #tpu.memory_space<hbm>>
      tpu.enqueue_dma source(%dma_start3A_164 : memref<128xi32, #tpu.memory_space<hbm>>) target(%arg10 : memref<128xi32, #tpu.memory_space<vmem>>) target_semaphore(%arg29 : memref<!tpu.dma_semaphore, #tpu.memory_space<semaphore_mem>>)
      %dma_start3A_165 = arith.constant 1 : i32
      %dma_start3A_166 = tpu.memref_slice %arg3[%dma_start3A_165, %mul3A_53] : memref<2x320000xi32, #tpu.memory_space<hbm>> -> memref<1x128xi32, #tpu.memory_space<hbm>>
      %dma_start3A_167 = tpu.memref_squeeze %dma_start3A_166 : memref<1x128xi32, #tpu.memory_space<hbm>> -> memref<128xi32, #tpu.memory_space<hbm>>
      %dma_start3A_168 = tpu.memref_slice %arg3[%dma_start3A_165, %mul3A_53] : memref<2x320000xi32, #tpu.memory_space<hbm>> -> memref<1x128xi32, #tpu.memory_space<hbm>>
      %dma_start3A_169 = tpu.memref_squeeze %dma_start3A_168 : memref<1x128xi32, #tpu.memory_space<hbm>> -> memref<128xi32, #tpu.memory_space<hbm>>
      tpu.enqueue_dma source(%dma_start3A_169 : memref<128xi32, #tpu.memory_space<hbm>>) target(%arg11 : memref<128xi32, #tpu.memory_space<vmem>>) target_semaphore(%arg29 : memref<!tpu.dma_semaphore, #tpu.memory_space<semaphore_mem>>)
    } else {
    }
    %ge3A_59 = arith.constant 2500 : i32
    %ge3A_60 = arith.cmpi sge, %add3A_51, %ge3A_59 : i32
    %lt3A_61 = arith.constant 5000 : i32
    %lt3A_62 = arith.cmpi slt, %add3A_51, %lt3A_61 : i32
    %and3A_63 = arith.andi %ge3A_60, %lt3A_62 : i1
    %convert_element_type3A_64 = arith.extui %and3A_63 : i1 to i32
    %cond3A_65 = arith.constant 0 : i32
    %cond3A_66 = arith.cmpi ne, %convert_element_type3A_64, %cond3A_65 : i32
    scf.if %cond3A_66 {
      %sub3A = arith.constant 320000 : i32
      %sub3A_160 = arith.subi %mul3A_53, %sub3A : i32
      %dma_start3A_161 = arith.constant 0 : i32
      %dma_start3A_162 = tpu.memref_slice %arg4[%dma_start3A_161, %sub3A_160] : memref<2x320000xi32, #tpu.memory_space<hbm>> -> memref<1x128xi32, #tpu.memory_space<hbm>>
      %dma_start3A_163 = tpu.memref_squeeze %dma_start3A_162 : memref<1x128xi32, #tpu.memory_space<hbm>> -> memref<128xi32, #tpu.memory_space<hbm>>
      %dma_start3A_164 = tpu.memref_slice %arg4[%dma_start3A_161, %sub3A_160] : memref<2x320000xi32, #tpu.memory_space<hbm>> -> memref<1x128xi32, #tpu.memory_space<hbm>>
      %dma_start3A_165 = tpu.memref_squeeze %dma_start3A_164 : memref<1x128xi32, #tpu.memory_space<hbm>> -> memref<128xi32, #tpu.memory_space<hbm>>
      tpu.enqueue_dma source(%dma_start3A_165 : memref<128xi32, #tpu.memory_space<hbm>>) target(%arg10 : memref<128xi32, #tpu.memory_space<vmem>>) target_semaphore(%arg29 : memref<!tpu.dma_semaphore, #tpu.memory_space<semaphore_mem>>)
      %dma_start3A_166 = arith.constant 1 : i32
      %dma_start3A_167 = tpu.memref_slice %arg4[%dma_start3A_166, %sub3A_160] : memref<2x320000xi32, #tpu.memory_space<hbm>> -> memref<1x128xi32, #tpu.memory_space<hbm>>
      %dma_start3A_168 = tpu.memref_squeeze %dma_start3A_167 : memref<1x128xi32, #tpu.memory_space<hbm>> -> memref<128xi32, #tpu.memory_space<hbm>>
      %dma_start3A_169 = tpu.memref_slice %arg4[%dma_start3A_166, %sub3A_160] : memref<2x320000xi32, #tpu.memory_space<hbm>> -> memref<1x128xi32, #tpu.memory_space<hbm>>
      %dma_start3A_170 = tpu.memref_squeeze %dma_start3A_169 : memref<1x128xi32, #tpu.memory_space<hbm>> -> memref<128xi32, #tpu.memory_space<hbm>>
      tpu.enqueue_dma source(%dma_start3A_170 : memref<128xi32, #tpu.memory_space<hbm>>) target(%arg11 : memref<128xi32, #tpu.memory_space<vmem>>) target_semaphore(%arg29 : memref<!tpu.dma_semaphore, #tpu.memory_space<semaphore_mem>>)
    } else {
    }
    %ge3A_67 = arith.constant 5000 : i32
    %ge3A_68 = arith.cmpi sge, %add3A_51, %ge3A_67 : i32
    %convert_element_type3A_69 = arith.extui %ge3A_68 : i1 to i32
    %cond3A_70 = arith.constant 0 : i32
    %cond3A_71 = arith.cmpi ne, %convert_element_type3A_69, %cond3A_70 : i32
    scf.if %cond3A_71 {
      %dma_start3A_160 = arith.constant 0 : i32
      %dma_start3A_161 = arith.constant 0 : i32
      %dma_start3A_162 = tpu.memref_slice %arg4[%dma_start3A_160, %dma_start3A_161] : memref<2x320000xi32, #tpu.memory_space<hbm>> -> memref<1x128xi32, #tpu.memory_space<hbm>>
      %dma_start3A_163 = tpu.memref_squeeze %dma_start3A_162 : memref<1x128xi32, #tpu.memory_space<hbm>> -> memref<128xi32, #tpu.memory_space<hbm>>
      %dma_start3A_164 = arith.constant 0 : i32
      %dma_start3A_165 = tpu.memref_slice %arg4[%dma_start3A_160, %dma_start3A_164] : memref<2x320000xi32, #tpu.memory_space<hbm>> -> memref<1x128xi32, #tpu.memory_space<hbm>>
      %dma_start3A_166 = tpu.memref_squeeze %dma_start3A_165 : memref<1x128xi32, #tpu.memory_space<hbm>> -> memref<128xi32, #tpu.memory_space<hbm>>
      tpu.enqueue_dma source(%dma_start3A_166 : memref<128xi32, #tpu.memory_space<hbm>>) target(%arg10 : memref<128xi32, #tpu.memory_space<vmem>>) target_semaphore(%arg29 : memref<!tpu.dma_semaphore, #tpu.memory_space<semaphore_mem>>)
      %dma_start3A_167 = arith.constant 1 : i32
      %dma_start3A_168 = arith.constant 0 : i32
      %dma_start3A_169 = tpu.memref_slice %arg4[%dma_start3A_167, %dma_start3A_168] : memref<2x320000xi32, #tpu.memory_space<hbm>> -> memref<1x128xi32, #tpu.memory_space<hbm>>
      %dma_start3A_170 = tpu.memref_squeeze %dma_start3A_169 : memref<1x128xi32, #tpu.memory_space<hbm>> -> memref<128xi32, #tpu.memory_space<hbm>>
      %dma_start3A_171 = arith.constant 0 : i32
      %dma_start3A_172 = tpu.memref_slice %arg4[%dma_start3A_167, %dma_start3A_171] : memref<2x320000xi32, #tpu.memory_space<hbm>> -> memref<1x128xi32, #tpu.memory_space<hbm>>
      %dma_start3A_173 = tpu.memref_squeeze %dma_start3A_172 : memref<1x128xi32, #tpu.memory_space<hbm>> -> memref<128xi32, #tpu.memory_space<hbm>>
      tpu.enqueue_dma source(%dma_start3A_173 : memref<128xi32, #tpu.memory_space<hbm>>) target(%arg11 : memref<128xi32, #tpu.memory_space<vmem>>) target_semaphore(%arg29 : memref<!tpu.dma_semaphore, #tpu.memory_space<semaphore_mem>>)
    } else {
    }
    %add3A_72 = arith.constant 64 : i32
    %add3A_73 = arith.addi %add3A, %add3A_72 : i32
    %mul3A_74 = arith.constant 128 : i32
    %mul3A_75 = arith.muli %add3A_73, %mul3A_74 : i32
    %lt3A_76 = arith.constant 2500 : i32
    %lt3A_77 = arith.cmpi slt, %add3A_73, %lt3A_76 : i32
    %convert_element_type3A_78 = arith.extui %lt3A_77 : i1 to i32
    %cond3A_79 = arith.constant 0 : i32
    %cond3A_80 = arith.cmpi ne, %convert_element_type3A_78, %cond3A_79 : i32
    scf.if %cond3A_80 {
      %dma_start3A_160 = arith.constant 0 : i32
      %dma_start3A_161 = tpu.memref_slice %arg3[%dma_start3A_160, %mul3A_75] : memref<2x320000xi32, #tpu.memory_space<hbm>> -> memref<1x128xi32, #tpu.memory_space<hbm>>
      %dma_start3A_162 = tpu.memref_squeeze %dma_start3A_161 : memref<1x128xi32, #tpu.memory_space<hbm>> -> memref<128xi32, #tpu.memory_space<hbm>>
      %dma_start3A_163 = tpu.memref_slice %arg3[%dma_start3A_160, %mul3A_75] : memref<2x320000xi32, #tpu.memory_space<hbm>> -> memref<1x128xi32, #tpu.memory_space<hbm>>
      %dma_start3A_164 = tpu.memref_squeeze %dma_start3A_163 : memref<1x128xi32, #tpu.memory_space<hbm>> -> memref<128xi32, #tpu.memory_space<hbm>>
      tpu.enqueue_dma source(%dma_start3A_164 : memref<128xi32, #tpu.memory_space<hbm>>) target(%arg12 : memref<128xi32, #tpu.memory_space<vmem>>) target_semaphore(%arg30 : memref<!tpu.dma_semaphore, #tpu.memory_space<semaphore_mem>>)
      %dma_start3A_165 = arith.constant 1 : i32
      %dma_start3A_166 = tpu.memref_slice %arg3[%dma_start3A_165, %mul3A_75] : memref<2x320000xi32, #tpu.memory_space<hbm>> -> memref<1x128xi32, #tpu.memory_space<hbm>>
      %dma_start3A_167 = tpu.memref_squeeze %dma_start3A_166 : memref<1x128xi32, #tpu.memory_space<hbm>> -> memref<128xi32, #tpu.memory_space<hbm>>
      %dma_start3A_168 = tpu.memref_slice %arg3[%dma_start3A_165, %mul3A_75] : memref<2x320000xi32, #tpu.memory_space<hbm>> -> memref<1x128xi32, #tpu.memory_space<hbm>>
      %dma_start3A_169 = tpu.memref_squeeze %dma_start3A_168 : memref<1x128xi32, #tpu.memory_space<hbm>> -> memref<128xi32, #tpu.memory_space<hbm>>
      tpu.enqueue_dma source(%dma_start3A_169 : memref<128xi32, #tpu.memory_space<hbm>>) target(%arg13 : memref<128xi32, #tpu.memory_space<vmem>>) target_semaphore(%arg30 : memref<!tpu.dma_semaphore, #tpu.memory_space<semaphore_mem>>)
    } else {
    }
    %ge3A_81 = arith.constant 2500 : i32
    %ge3A_82 = arith.cmpi sge, %add3A_73, %ge3A_81 : i32
    %lt3A_83 = arith.constant 5000 : i32
    %lt3A_84 = arith.cmpi slt, %add3A_73, %lt3A_83 : i32
    %and3A_85 = arith.andi %ge3A_82, %lt3A_84 : i1
    %convert_element_type3A_86 = arith.extui %and3A_85 : i1 to i32
    %cond3A_87 = arith.constant 0 : i32
    %cond3A_88 = arith.cmpi ne, %convert_element_type3A_86, %cond3A_87 : i32
    scf.if %cond3A_88 {
      %sub3A = arith.constant 320000 : i32
      %sub3A_160 = arith.subi %mul3A_75, %sub3A : i32
      %dma_start3A_161 = arith.constant 0 : i32
      %dma_start3A_162 = tpu.memref_slice %arg4[%dma_start3A_161, %sub3A_160] : memref<2x320000xi32, #tpu.memory_space<hbm>> -> memref<1x128xi32, #tpu.memory_space<hbm>>
      %dma_start3A_163 = tpu.memref_squeeze %dma_start3A_162 : memref<1x128xi32, #tpu.memory_space<hbm>> -> memref<128xi32, #tpu.memory_space<hbm>>
      %dma_start3A_164 = tpu.memref_slice %arg4[%dma_start3A_161, %sub3A_160] : memref<2x320000xi32, #tpu.memory_space<hbm>> -> memref<1x128xi32, #tpu.memory_space<hbm>>
      %dma_start3A_165 = tpu.memref_squeeze %dma_start3A_164 : memref<1x128xi32, #tpu.memory_space<hbm>> -> memref<128xi32, #tpu.memory_space<hbm>>
      tpu.enqueue_dma source(%dma_start3A_165 : memref<128xi32, #tpu.memory_space<hbm>>) target(%arg12 : memref<128xi32, #tpu.memory_space<vmem>>) target_semaphore(%arg30 : memref<!tpu.dma_semaphore, #tpu.memory_space<semaphore_mem>>)
      %dma_start3A_166 = arith.constant 1 : i32
      %dma_start3A_167 = tpu.memref_slice %arg4[%dma_start3A_166, %sub3A_160] : memref<2x320000xi32, #tpu.memory_space<hbm>> -> memref<1x128xi32, #tpu.memory_space<hbm>>
      %dma_start3A_168 = tpu.memref_squeeze %dma_start3A_167 : memref<1x128xi32, #tpu.memory_space<hbm>> -> memref<128xi32, #tpu.memory_space<hbm>>
      %dma_start3A_169 = tpu.memref_slice %arg4[%dma_start3A_166, %sub3A_160] : memref<2x320000xi32, #tpu.memory_space<hbm>> -> memref<1x128xi32, #tpu.memory_space<hbm>>
      %dma_start3A_170 = tpu.memref_squeeze %dma_start3A_169 : memref<1x128xi32, #tpu.memory_space<hbm>> -> memref<128xi32, #tpu.memory_space<hbm>>
      tpu.enqueue_dma source(%dma_start3A_170 : memref<128xi32, #tpu.memory_space<hbm>>) target(%arg13 : memref<128xi32, #tpu.memory_space<vmem>>) target_semaphore(%arg30 : memref<!tpu.dma_semaphore, #tpu.memory_space<semaphore_mem>>)
    } else {
    }
    %ge3A_89 = arith.constant 5000 : i32
    %ge3A_90 = arith.cmpi sge, %add3A_73, %ge3A_89 : i32
    %convert_element_type3A_91 = arith.extui %ge3A_90 : i1 to i32
    %cond3A_92 = arith.constant 0 : i32
    %cond3A_93 = arith.cmpi ne, %convert_element_type3A_91, %cond3A_92 : i32
    scf.if %cond3A_93 {
      %dma_start3A_160 = arith.constant 0 : i32
      %dma_start3A_161 = arith.constant 0 : i32
      %dma_start3A_162 = tpu.memref_slice %arg4[%dma_start3A_160, %dma_start3A_161] : memref<2x320000xi32, #tpu.memory_space<hbm>> -> memref<1x128xi32, #tpu.memory_space<hbm>>
      %dma_start3A_163 = tpu.memref_squeeze %dma_start3A_162 : memref<1x128xi32, #tpu.memory_space<hbm>> -> memref<128xi32, #tpu.memory_space<hbm>>
      %dma_start3A_164 = arith.constant 0 : i32
      %dma_start3A_165 = tpu.memref_slice %arg4[%dma_start3A_160, %dma_start3A_164] : memref<2x320000xi32, #tpu.memory_space<hbm>> -> memref<1x128xi32, #tpu.memory_space<hbm>>
      %dma_start3A_166 = tpu.memref_squeeze %dma_start3A_165 : memref<1x128xi32, #tpu.memory_space<hbm>> -> memref<128xi32, #tpu.memory_space<hbm>>
      tpu.enqueue_dma source(%dma_start3A_166 : memref<128xi32, #tpu.memory_space<hbm>>) target(%arg12 : memref<128xi32, #tpu.memory_space<vmem>>) target_semaphore(%arg30 : memref<!tpu.dma_semaphore, #tpu.memory_space<semaphore_mem>>)
      %dma_start3A_167 = arith.constant 1 : i32
      %dma_start3A_168 = arith.constant 0 : i32
      %dma_start3A_169 = tpu.memref_slice %arg4[%dma_start3A_167, %dma_start3A_168] : memref<2x320000xi32, #tpu.memory_space<hbm>> -> memref<1x128xi32, #tpu.memory_space<hbm>>
      %dma_start3A_170 = tpu.memref_squeeze %dma_start3A_169 : memref<1x128xi32, #tpu.memory_space<hbm>> -> memref<128xi32, #tpu.memory_space<hbm>>
      %dma_start3A_171 = arith.constant 0 : i32
      %dma_start3A_172 = tpu.memref_slice %arg4[%dma_start3A_167, %dma_start3A_171] : memref<2x320000xi32, #tpu.memory_space<hbm>> -> memref<1x128xi32, #tpu.memory_space<hbm>>
      %dma_start3A_173 = tpu.memref_squeeze %dma_start3A_172 : memref<1x128xi32, #tpu.memory_space<hbm>> -> memref<128xi32, #tpu.memory_space<hbm>>
      tpu.enqueue_dma source(%dma_start3A_173 : memref<128xi32, #tpu.memory_space<hbm>>) target(%arg13 : memref<128xi32, #tpu.memory_space<vmem>>) target_semaphore(%arg30 : memref<!tpu.dma_semaphore, #tpu.memory_space<semaphore_mem>>)
    } else {
    }
    %dma_wait3A = arith.constant 0 : i32
    %dma_wait3A_94 = arith.constant 0 : i32
    %dma_wait3A_95 = tpu.memref_slice %arg3[%dma_wait3A, %dma_wait3A_94] : memref<2x320000xi32, #tpu.memory_space<hbm>> -> memref<1x128xi32, #tpu.memory_space<hbm>>
    %dma_wait3A_96 = tpu.memref_squeeze %dma_wait3A_95 : memref<1x128xi32, #tpu.memory_space<hbm>> -> memref<128xi32, #tpu.memory_space<hbm>>
    %dma_wait3A_97 = arith.constant 0 : i32
    %dma_wait3A_98 = tpu.memref_slice %arg3[%dma_wait3A, %dma_wait3A_97] : memref<2x320000xi32, #tpu.memory_space<hbm>> -> memref<1x128xi32, #tpu.memory_space<hbm>>
    %dma_wait3A_99 = tpu.memref_squeeze %dma_wait3A_98 : memref<1x128xi32, #tpu.memory_space<hbm>> -> memref<128xi32, #tpu.memory_space<hbm>>
    tpu.wait_dma2 semaphore(%arg28 : memref<!tpu.dma_semaphore, #tpu.memory_space<semaphore_mem>>) src(%dma_wait3A_99 : memref<128xi32, #tpu.memory_space<hbm>>) dst(%arg8 : memref<128xi32, #tpu.memory_space<vmem>>)
    %dma_wait3A_100 = arith.constant 1 : i32
    %dma_wait3A_101 = arith.constant 0 : i32
    %dma_wait3A_102 = tpu.memref_slice %arg3[%dma_wait3A_100, %dma_wait3A_101] : memref<2x320000xi32, #tpu.memory_space<hbm>> -> memref<1x128xi32, #tpu.memory_space<hbm>>
    %dma_wait3A_103 = tpu.memref_squeeze %dma_wait3A_102 : memref<1x128xi32, #tpu.memory_space<hbm>> -> memref<128xi32, #tpu.memory_space<hbm>>
    %dma_wait3A_104 = arith.constant 0 : i32
    %dma_wait3A_105 = tpu.memref_slice %arg3[%dma_wait3A_100, %dma_wait3A_104] : memref<2x320000xi32, #tpu.memory_space<hbm>> -> memref<1x128xi32, #tpu.memory_space<hbm>>
    %dma_wait3A_106 = tpu.memref_squeeze %dma_wait3A_105 : memref<1x128xi32, #tpu.memory_space<hbm>> -> memref<128xi32, #tpu.memory_space<hbm>>
    tpu.wait_dma2 semaphore(%arg28 : memref<!tpu.dma_semaphore, #tpu.memory_space<semaphore_mem>>) src(%dma_wait3A_106 : memref<128xi32, #tpu.memory_space<hbm>>) dst(%arg9 : memref<128xi32, #tpu.memory_space<vmem>>)
    %dma_start3A = arith.constant 0 : i32
    %dma_start3A_107 = arith.constant 0 : i32
    %dma_start3A_108 = tpu.memref_slice %arg2[%dma_start3A, %dma_start3A_107] : memref<100000x128xf32, #tpu.memory_space<hbm>> -> memref<100000x128xf32, #tpu.memory_space<hbm>>
    tpu.enqueue_indirect_dma source(%dma_start3A_108 : memref<100000x128xf32, #tpu.memory_space<hbm>>) target(%arg14 : memref<128x128xf32, #tpu.memory_space<vmem>>) offsets(%arg8 : memref<128xi32, #tpu.memory_space<vmem>>) semaphore(%arg31 : memref<!tpu.dma_semaphore, #tpu.memory_space<semaphore_mem>>)
    %dma_start3A_109 = arith.constant 0 : i32
    %dma_start3A_110 = arith.constant 0 : i32
    %dma_start3A_111 = tpu.memref_slice %arg2[%dma_start3A_109, %dma_start3A_110] : memref<100000x128xf32, #tpu.memory_space<hbm>> -> memref<100000x128xf32, #tpu.memory_space<hbm>>
    tpu.enqueue_indirect_dma source(%dma_start3A_111 : memref<100000x128xf32, #tpu.memory_space<hbm>>) target(%arg15 : memref<128x128xf32, #tpu.memory_space<vmem>>) offsets(%arg9 : memref<128xi32, #tpu.memory_space<vmem>>) semaphore(%arg32 : memref<!tpu.dma_semaphore, #tpu.memory_space<semaphore_mem>>)
    %dma_wait3A_112 = arith.constant 0 : i32
    %dma_wait3A_113 = arith.constant 0 : i32
    %dma_wait3A_114 = tpu.memref_slice %arg3[%dma_wait3A_112, %dma_wait3A_113] : memref<2x320000xi32, #tpu.memory_space<hbm>> -> memref<1x128xi32, #tpu.memory_space<hbm>>
    %dma_wait3A_115 = tpu.memref_squeeze %dma_wait3A_114 : memref<1x128xi32, #tpu.memory_space<hbm>> -> memref<128xi32, #tpu.memory_space<hbm>>
    %dma_wait3A_116 = arith.constant 0 : i32
    %dma_wait3A_117 = tpu.memref_slice %arg3[%dma_wait3A_112, %dma_wait3A_116] : memref<2x320000xi32, #tpu.memory_space<hbm>> -> memref<1x128xi32, #tpu.memory_space<hbm>>
    %dma_wait3A_118 = tpu.memref_squeeze %dma_wait3A_117 : memref<1x128xi32, #tpu.memory_space<hbm>> -> memref<128xi32, #tpu.memory_space<hbm>>
    tpu.wait_dma2 semaphore(%arg29 : memref<!tpu.dma_semaphore, #tpu.memory_space<semaphore_mem>>) src(%dma_wait3A_118 : memref<128xi32, #tpu.memory_space<hbm>>) dst(%arg10 : memref<128xi32, #tpu.memory_space<vmem>>)
    %dma_wait3A_119 = arith.constant 1 : i32
    %dma_wait3A_120 = arith.constant 0 : i32
    %dma_wait3A_121 = tpu.memref_slice %arg3[%dma_wait3A_119, %dma_wait3A_120] : memref<2x320000xi32, #tpu.memory_space<hbm>> -> memref<1x128xi32, #tpu.memory_space<hbm>>
    %dma_wait3A_122 = tpu.memref_squeeze %dma_wait3A_121 : memref<1x128xi32, #tpu.memory_space<hbm>> -> memref<128xi32, #tpu.memory_space<hbm>>
    %dma_wait3A_123 = arith.constant 0 : i32
    %dma_wait3A_124 = tpu.memref_slice %arg3[%dma_wait3A_119, %dma_wait3A_123] : memref<2x320000xi32, #tpu.memory_space<hbm>> -> memref<1x128xi32, #tpu.memory_space<hbm>>
    %dma_wait3A_125 = tpu.memref_squeeze %dma_wait3A_124 : memref<1x128xi32, #tpu.memory_space<hbm>> -> memref<128xi32, #tpu.memory_space<hbm>>
    tpu.wait_dma2 semaphore(%arg29 : memref<!tpu.dma_semaphore, #tpu.memory_space<semaphore_mem>>) src(%dma_wait3A_125 : memref<128xi32, #tpu.memory_space<hbm>>) dst(%arg11 : memref<128xi32, #tpu.memory_space<vmem>>)
    %dma_start3A_126 = arith.constant 0 : i32
    %dma_start3A_127 = arith.constant 0 : i32
    %dma_start3A_128 = tpu.memref_slice %arg2[%dma_start3A_126, %dma_start3A_127] : memref<100000x128xf32, #tpu.memory_space<hbm>> -> memref<100000x128xf32, #tpu.memory_space<hbm>>
    tpu.enqueue_indirect_dma source(%dma_start3A_128 : memref<100000x128xf32, #tpu.memory_space<hbm>>) target(%arg16 : memref<128x128xf32, #tpu.memory_space<vmem>>) offsets(%arg10 : memref<128xi32, #tpu.memory_space<vmem>>) semaphore(%arg33 : memref<!tpu.dma_semaphore, #tpu.memory_space<semaphore_mem>>)
    %dma_start3A_129 = arith.constant 0 : i32
    %dma_start3A_130 = arith.constant 0 : i32
    %dma_start3A_131 = tpu.memref_slice %arg2[%dma_start3A_129, %dma_start3A_130] : memref<100000x128xf32, #tpu.memory_space<hbm>> -> memref<100000x128xf32, #tpu.memory_space<hbm>>
    tpu.enqueue_indirect_dma source(%dma_start3A_131 : memref<100000x128xf32, #tpu.memory_space<hbm>>) target(%arg17 : memref<128x128xf32, #tpu.memory_space<vmem>>) offsets(%arg11 : memref<128xi32, #tpu.memory_space<vmem>>) semaphore(%arg34 : memref<!tpu.dma_semaphore, #tpu.memory_space<semaphore_mem>>)
    %scan3A = arith.constant 0 : i32
    %scan3A_132 = arith.constant 0 : i32
    %scan3A_133 = arith.constant 53 : i32
    %scan3A_134 = arith.addi %scan3A_132, %scan3A_133 : i32
    %scan3A_135 = arith.constant 1 : i32
    scf.for %scan3A_160 = %scan3A_132 to %scan3A_134 step %scan3A_135  : i32 {
      %mul3A_161 = arith.constant 3 : i32
      %mul3A_162 = arith.muli %mul3A_161, %scan3A_160 : i32
      %add3A_163 = arith.constant 0 : i32
      %add3A_164 = arith.addi %mul3A_162, %add3A_163 : i32
      %le3A = arith.constant 156 : i32
      %le3A_165 = arith.cmpi sle, %add3A_164, %le3A : i32
      %convert_element_type3A_166 = arith.extui %le3A_165 : i1 to i32
      %cond3A_167 = arith.constant 0 : i32
      %cond3A_168 = arith.cmpi ne, %convert_element_type3A_166, %cond3A_167 : i32
      scf.if %cond3A_168 {
        %add3A_187 = arith.constant 2 : i32
        %add3A_188 = arith.addi %add3A_164, %add3A_187 : i32
        %le3A_189 = arith.constant 156 : i32
        %le3A_190 = arith.cmpi sle, %add3A_188, %le3A_189 : i32
        %convert_element_type3A_191 = arith.extui %le3A_190 : i1 to i32
        %cond3A_192 = arith.constant 0 : i32
        %cond3A_193 = arith.cmpi ne, %convert_element_type3A_191, %cond3A_192 : i32
        scf.if %cond3A_193 {
          %dma_wait3A_444 = arith.constant 0 : i32
          %dma_wait3A_445 = arith.constant 0 : i32
          %dma_wait3A_446 = tpu.memref_slice %arg3[%dma_wait3A_444, %dma_wait3A_445] : memref<2x320000xi32, #tpu.memory_space<hbm>> -> memref<1x128xi32, #tpu.memory_space<hbm>>
          %dma_wait3A_447 = tpu.memref_squeeze %dma_wait3A_446 : memref<1x128xi32, #tpu.memory_space<hbm>> -> memref<128xi32, #tpu.memory_space<hbm>>
          %dma_wait3A_448 = arith.constant 0 : i32
          %dma_wait3A_449 = tpu.memref_slice %arg3[%dma_wait3A_444, %dma_wait3A_448] : memref<2x320000xi32, #tpu.memory_space<hbm>> -> memref<1x128xi32, #tpu.memory_space<hbm>>
          %dma_wait3A_450 = tpu.memref_squeeze %dma_wait3A_449 : memref<1x128xi32, #tpu.memory_space<hbm>> -> memref<128xi32, #tpu.memory_space<hbm>>
          tpu.wait_dma2 semaphore(%arg30 : memref<!tpu.dma_semaphore, #tpu.memory_space<semaphore_mem>>) src(%dma_wait3A_450 : memref<128xi32, #tpu.memory_space<hbm>>) dst(%arg12 : memref<128xi32, #tpu.memory_space<vmem>>)
          %dma_wait3A_451 = arith.constant 1 : i32
          %dma_wait3A_452 = arith.constant 0 : i32
          %dma_wait3A_453 = tpu.memref_slice %arg3[%dma_wait3A_451, %dma_wait3A_452] : memref<2x320000xi32, #tpu.memory_space<hbm>> -> memref<1x128xi32, #tpu.memory_space<hbm>>
          %dma_wait3A_454 = tpu.memref_squeeze %dma_wait3A_453 : memref<1x128xi32, #tpu.memory_space<hbm>> -> memref<128xi32, #tpu.memory_space<hbm>>
          %dma_wait3A_455 = arith.constant 0 : i32
          %dma_wait3A_456 = tpu.memref_slice %arg3[%dma_wait3A_451, %dma_wait3A_455] : memref<2x320000xi32, #tpu.memory_space<hbm>> -> memref<1x128xi32, #tpu.memory_space<hbm>>
          %dma_wait3A_457 = tpu.memref_squeeze %dma_wait3A_456 : memref<1x128xi32, #tpu.memory_space<hbm>> -> memref<128xi32, #tpu.memory_space<hbm>>
          tpu.wait_dma2 semaphore(%arg30 : memref<!tpu.dma_semaphore, #tpu.memory_space<semaphore_mem>>) src(%dma_wait3A_457 : memref<128xi32, #tpu.memory_space<hbm>>) dst(%arg13 : memref<128xi32, #tpu.memory_space<vmem>>)
          %dma_start3A_458 = arith.constant 0 : i32
          %dma_start3A_459 = arith.constant 0 : i32
          %dma_start3A_460 = tpu.memref_slice %arg2[%dma_start3A_458, %dma_start3A_459] : memref<100000x128xf32, #tpu.memory_space<hbm>> -> memref<100000x128xf32, #tpu.memory_space<hbm>>
          tpu.enqueue_indirect_dma source(%dma_start3A_460 : memref<100000x128xf32, #tpu.memory_space<hbm>>) target(%arg18 : memref<128x128xf32, #tpu.memory_space<vmem>>) offsets(%arg12 : memref<128xi32, #tpu.memory_space<vmem>>) semaphore(%arg35 : memref<!tpu.dma_semaphore, #tpu.memory_space<semaphore_mem>>)
          %dma_start3A_461 = arith.constant 0 : i32
          %dma_start3A_462 = arith.constant 0 : i32
          %dma_start3A_463 = tpu.memref_slice %arg2[%dma_start3A_461, %dma_start3A_462] : memref<100000x128xf32, #tpu.memory_space<hbm>> -> memref<100000x128xf32, #tpu.memory_space<hbm>>
          tpu.enqueue_indirect_dma source(%dma_start3A_463 : memref<100000x128xf32, #tpu.memory_space<hbm>>) target(%arg19 : memref<128x128xf32, #tpu.memory_space<vmem>>) offsets(%arg13 : memref<128xi32, #tpu.memory_space<vmem>>) semaphore(%arg36 : memref<!tpu.dma_semaphore, #tpu.memory_space<semaphore_mem>>)
        } else {
        }
        %dma_wait3A_194 = arith.constant 0 : i32
        %dma_wait3A_195 = arith.constant 0 : i32
        %dma_wait3A_196 = tpu.memref_slice %arg2[%dma_wait3A_194, %dma_wait3A_195] : memref<100000x128xf32, #tpu.memory_space<hbm>> -> memref<100000x128xf32, #tpu.memory_space<hbm>>
        tpu.wait_indirect_dma semaphore(%arg31 : memref<!tpu.dma_semaphore, #tpu.memory_space<semaphore_mem>>) src(%dma_wait3A_196 : memref<100000x128xf32, #tpu.memory_space<hbm>>) dst(%arg14 : memref<128x128xf32, #tpu.memory_space<vmem>>)
        %dma_wait3A_197 = arith.constant 0 : i32
        %dma_wait3A_198 = arith.constant 0 : i32
        %dma_wait3A_199 = tpu.memref_slice %arg2[%dma_wait3A_197, %dma_wait3A_198] : memref<100000x128xf32, #tpu.memory_space<hbm>> -> memref<100000x128xf32, #tpu.memory_space<hbm>>
        tpu.wait_indirect_dma semaphore(%arg32 : memref<!tpu.dma_semaphore, #tpu.memory_space<semaphore_mem>>) src(%dma_wait3A_199 : memref<100000x128xf32, #tpu.memory_space<hbm>>) dst(%arg15 : memref<128x128xf32, #tpu.memory_space<vmem>>)
        %add3A_200 = arith.constant 3 : i32
        %add3A_201 = arith.addi %add3A_164, %add3A_200 : i32
        %le3A_202 = arith.constant 156 : i32
        %le3A_203 = arith.cmpi sle, %add3A_201, %le3A_202 : i32
        %convert_element_type3A_204 = arith.extui %le3A_203 : i1 to i32
        %cond3A_205 = arith.constant 0 : i32
        %cond3A_206 = arith.cmpi ne, %convert_element_type3A_204, %cond3A_205 : i32
        scf.if %cond3A_206 {
          %add3A_444 = arith.constant 3 : i32
          %add3A_445 = arith.addi %add3A_164, %add3A_444 : i32
          %mul3A_446 = arith.constant 32 : i32
          %mul3A_447 = arith.muli %mul3A_446, %add3A_445 : i32
          %add3A_448 = arith.addi %add3A, %mul3A_447 : i32
          %mul3A_449 = arith.constant 128 : i32
          %mul3A_450 = arith.muli %add3A_448, %mul3A_449 : i32
          %lt3A_451 = arith.constant 2500 : i32
          %lt3A_452 = arith.cmpi slt, %add3A_448, %lt3A_451 : i32
          %convert_element_type3A_453 = arith.extui %lt3A_452 : i1 to i32
          %cond3A_454 = arith.constant 0 : i32
          %cond3A_455 = arith.cmpi ne, %convert_element_type3A_453, %cond3A_454 : i32
          scf.if %cond3A_455 {
            %dma_start3A_469 = arith.constant 0 : i32
            %dma_start3A_470 = tpu.memref_slice %arg3[%dma_start3A_469, %mul3A_450] : memref<2x320000xi32, #tpu.memory_space<hbm>> -> memref<1x128xi32, #tpu.memory_space<hbm>>
            %dma_start3A_471 = tpu.memref_squeeze %dma_start3A_470 : memref<1x128xi32, #tpu.memory_space<hbm>> -> memref<128xi32, #tpu.memory_space<hbm>>
            %dma_start3A_472 = tpu.memref_slice %arg3[%dma_start3A_469, %mul3A_450] : memref<2x320000xi32, #tpu.memory_space<hbm>> -> memref<1x128xi32, #tpu.memory_space<hbm>>
            %dma_start3A_473 = tpu.memref_squeeze %dma_start3A_472 : memref<1x128xi32, #tpu.memory_space<hbm>> -> memref<128xi32, #tpu.memory_space<hbm>>
            tpu.enqueue_dma source(%dma_start3A_473 : memref<128xi32, #tpu.memory_space<hbm>>) target(%arg8 : memref<128xi32, #tpu.memory_space<vmem>>) target_semaphore(%arg28 : memref<!tpu.dma_semaphore, #tpu.memory_space<semaphore_mem>>)
            %dma_start3A_474 = arith.constant 1 : i32
            %dma_start3A_475 = tpu.memref_slice %arg3[%dma_start3A_474, %mul3A_450] : memref<2x320000xi32, #tpu.memory_space<hbm>> -> memref<1x128xi32, #tpu.memory_space<hbm>>
            %dma_start3A_476 = tpu.memref_squeeze %dma_start3A_475 : memref<1x128xi32, #tpu.memory_space<hbm>> -> memref<128xi32, #tpu.memory_space<hbm>>
            %dma_start3A_477 = tpu.memref_slice %arg3[%dma_start3A_474, %mul3A_450] : memref<2x320000xi32, #tpu.memory_space<hbm>> -> memref<1x128xi32, #tpu.memory_space<hbm>>
            %dma_start3A_478 = tpu.memref_squeeze %dma_start3A_477 : memref<1x128xi32, #tpu.memory_space<hbm>> -> memref<128xi32, #tpu.memory_space<hbm>>
            tpu.enqueue_dma source(%dma_start3A_478 : memref<128xi32, #tpu.memory_space<hbm>>) target(%arg9 : memref<128xi32, #tpu.memory_space<vmem>>) target_semaphore(%arg28 : memref<!tpu.dma_semaphore, #tpu.memory_space<semaphore_mem>>)
          } else {
          }
          %ge3A_456 = arith.constant 2500 : i32
          %ge3A_457 = arith.cmpi sge, %add3A_448, %ge3A_456 : i32
          %lt3A_458 = arith.constant 5000 : i32
          %lt3A_459 = arith.cmpi slt, %add3A_448, %lt3A_458 : i32
          %and3A_460 = arith.andi %ge3A_457, %lt3A_459 : i1
          %convert_element_type3A_461 = arith.extui %and3A_460 : i1 to i32
          %cond3A_462 = arith.constant 0 : i32
          %cond3A_463 = arith.cmpi ne, %convert_element_type3A_461, %cond3A_462 : i32
          scf.if %cond3A_463 {
            %sub3A = arith.constant 320000 : i32
            %sub3A_469 = arith.subi %mul3A_450, %sub3A : i32
            %dma_start3A_470 = arith.constant 0 : i32
            %dma_start3A_471 = tpu.memref_slice %arg4[%dma_start3A_470, %sub3A_469] : memref<2x320000xi32, #tpu.memory_space<hbm>> -> memref<1x128xi32, #tpu.memory_space<hbm>>
            %dma_start3A_472 = tpu.memref_squeeze %dma_start3A_471 : memref<1x128xi32, #tpu.memory_space<hbm>> -> memref<128xi32, #tpu.memory_space<hbm>>
            %dma_start3A_473 = tpu.memref_slice %arg4[%dma_start3A_470, %sub3A_469] : memref<2x320000xi32, #tpu.memory_space<hbm>> -> memref<1x128xi32, #tpu.memory_space<hbm>>
            %dma_start3A_474 = tpu.memref_squeeze %dma_start3A_473 : memref<1x128xi32, #tpu.memory_space<hbm>> -> memref<128xi32, #tpu.memory_space<hbm>>
            tpu.enqueue_dma source(%dma_start3A_474 : memref<128xi32, #tpu.memory_space<hbm>>) target(%arg8 : memref<128xi32, #tpu.memory_space<vmem>>) target_semaphore(%arg28 : memref<!tpu.dma_semaphore, #tpu.memory_space<semaphore_mem>>)
            %dma_start3A_475 = arith.constant 1 : i32
            %dma_start3A_476 = tpu.memref_slice %arg4[%dma_start3A_475, %sub3A_469] : memref<2x320000xi32, #tpu.memory_space<hbm>> -> memref<1x128xi32, #tpu.memory_space<hbm>>
            %dma_start3A_477 = tpu.memref_squeeze %dma_start3A_476 : memref<1x128xi32, #tpu.memory_space<hbm>> -> memref<128xi32, #tpu.memory_space<hbm>>
            %dma_start3A_478 = tpu.memref_slice %arg4[%dma_start3A_475, %sub3A_469] : memref<2x320000xi32, #tpu.memory_space<hbm>> -> memref<1x128xi32, #tpu.memory_space<hbm>>
            %dma_start3A_479 = tpu.memref_squeeze %dma_start3A_478 : memref<1x128xi32, #tpu.memory_space<hbm>> -> memref<128xi32, #tpu.memory_space<hbm>>
            tpu.enqueue_dma source(%dma_start3A_479 : memref<128xi32, #tpu.memory_space<hbm>>) target(%arg9 : memref<128xi32, #tpu.memory_space<vmem>>) target_semaphore(%arg28 : memref<!tpu.dma_semaphore, #tpu.memory_space<semaphore_mem>>)
          } else {
          }
          %ge3A_464 = arith.constant 5000 : i32
          %ge3A_465 = arith.cmpi sge, %add3A_448, %ge3A_464 : i32
          %convert_element_type3A_466 = arith.extui %ge3A_465 : i1 to i32
          %cond3A_467 = arith.constant 0 : i32
          %cond3A_468 = arith.cmpi ne, %convert_element_type3A_466, %cond3A_467 : i32
          scf.if %cond3A_468 {
            %dma_start3A_469 = arith.constant 0 : i32
            %dma_start3A_470 = arith.constant 0 : i32
            %dma_start3A_471 = tpu.memref_slice %arg4[%dma_start3A_469, %dma_start3A_470] : memref<2x320000xi32, #tpu.memory_space<hbm>> -> memref<1x128xi32, #tpu.memory_space<hbm>>
            %dma_start3A_472 = tpu.memref_squeeze %dma_start3A_471 : memref<1x128xi32, #tpu.memory_space<hbm>> -> memref<128xi32, #tpu.memory_space<hbm>>
            %dma_start3A_473 = arith.constant 0 : i32
            %dma_start3A_474 = tpu.memref_slice %arg4[%dma_start3A_469, %dma_start3A_473] : memref<2x320000xi32, #tpu.memory_space<hbm>> -> memref<1x128xi32, #tpu.memory_space<hbm>>
            %dma_start3A_475 = tpu.memref_squeeze %dma_start3A_474 : memref<1x128xi32, #tpu.memory_space<hbm>> -> memref<128xi32, #tpu.memory_space<hbm>>
            tpu.enqueue_dma source(%dma_start3A_475 : memref<128xi32, #tpu.memory_space<hbm>>) target(%arg8 : memref<128xi32, #tpu.memory_space<vmem>>) target_semaphore(%arg28 : memref<!tpu.dma_semaphore, #tpu.memory_space<semaphore_mem>>)
            %dma_start3A_476 = arith.constant 1 : i32
            %dma_start3A_477 = arith.constant 0 : i32
            %dma_start3A_478 = tpu.memref_slice %arg4[%dma_start3A_476, %dma_start3A_477] : memref<2x320000xi32, #tpu.memory_space<hbm>> -> memref<1x128xi32, #tpu.memory_space<hbm>>
            %dma_start3A_479 = tpu.memref_squeeze %dma_start3A_478 : memref<1x128xi32, #tpu.memory_space<hbm>> -> memref<128xi32, #tpu.memory_space<hbm>>
            %dma_start3A_480 = arith.constant 0 : i32
            %dma_start3A_481 = tpu.memref_slice %arg4[%dma_start3A_476, %dma_start3A_480] : memref<2x320000xi32, #tpu.memory_space<hbm>> -> memref<1x128xi32, #tpu.memory_space<hbm>>
            %dma_start3A_482 = tpu.memref_squeeze %dma_start3A_481 : memref<1x128xi32, #tpu.memory_space<hbm>> -> memref<128xi32, #tpu.memory_space<hbm>>
            tpu.enqueue_dma source(%dma_start3A_482 : memref<128xi32, #tpu.memory_space<hbm>>) target(%arg9 : memref<128xi32, #tpu.memory_space<vmem>>) target_semaphore(%arg28 : memref<!tpu.dma_semaphore, #tpu.memory_space<semaphore_mem>>)
          } else {
          }
        } else {
        }
        %mul3A_207 = arith.constant 32 : i32
        %mul3A_208 = arith.muli %mul3A_207, %add3A_164 : i32
        %add3A_209 = arith.addi %add3A, %mul3A_208 : i32
        %ge3A_210 = arith.constant 3 : i32
        %ge3A_211 = arith.cmpi sge, %add3A_164, %ge3A_210 : i32
        %convert_element_type3A_212 = arith.extui %ge3A_211 : i1 to i32
        %cond3A_213 = arith.constant 0 : i32
        %cond3A_214 = arith.cmpi ne, %convert_element_type3A_212, %cond3A_213 : i32
        scf.if %cond3A_214 {
          %dma_wait3A_444 = arith.constant 0 : i32
          %dma_wait3A_445 = tpu.memref_slice %arg27[%dma_wait3A_444] : memref<262272xf32, #tpu.memory_space<vmem_shared>> -> memref<262272xf32, #tpu.memory_space<vmem_shared>>
          tpu.wait_indirect_dma semaphore(%arg37 : memref<!tpu.dma_semaphore, #tpu.memory_space<semaphore_mem>>) src(%arg26 : memref<128xf32, #tpu.memory_space<vmem>>) dst(%dma_wait3A_445 : memref<262272xf32, #tpu.memory_space<vmem_shared>>)
          %dma_wait3A_446 = arith.constant 0 : i32
          %dma_wait3A_447 = tpu.memref_slice %arg6[%dma_wait3A_446] : memref<643072xf32, #tpu.memory_space<hbm>> -> memref<128xf32, #tpu.memory_space<hbm>>
          %dma_wait3A_448 = arith.constant 0 : i32
          %dma_wait3A_449 = tpu.memref_slice %arg6[%dma_wait3A_448] : memref<643072xf32, #tpu.memory_space<hbm>> -> memref<128xf32, #tpu.memory_space<hbm>>
          tpu.wait_dma2 semaphore(%arg40 : memref<!tpu.dma_semaphore, #tpu.memory_space<semaphore_mem>>) src(%arg20 : memref<128xf32, #tpu.memory_space<vmem>>) dst(%dma_wait3A_449 : memref<128xf32, #tpu.memory_space<hbm>>)
        } else {
        }
        %scan3A_215 = arith.constant 0 : i32
        %scan3A_216 = arith.constant 0 : i32
        %scan3A_217 = arith.constant 8 : i32
        %scan3A_218 = arith.addi %scan3A_216, %scan3A_217 : i32
        %scan3A_219 = arith.constant 1 : i32
        scf.for %scan3A_444 = %scan3A_216 to %scan3A_218 step %scan3A_219  : i32 {
          %mul3A_445 = arith.constant 16 : i32
          %mul3A_446 = arith.muli %scan3A_444, %mul3A_445 : i32
          %add3A_447 = vector.broadcast %mul3A_446 : i32 to vector<16xi32>
          %add3A_448 = arith.addi %add3A_447, %iota3A : vector<16xi32>
          %broadcast_in_dim3A_449 = arith.constant 0.000000e+00 : f32
          %broadcast_in_dim3A_450 = vector.broadcast %broadcast_in_dim3A_449 : f32 to vector<16xf32>
          %parallel_loop3A = arith.constant 0 : i32
          %parallel_loop3A_451 = arith.constant 32 : i32
          %parallel_loop3A_452 = arith.constant 1 : i32
          %parallel_loop3A_453:4 = scf.for %parallel_loop3A_461 = %parallel_loop3A to %parallel_loop3A_451 step %parallel_loop3A_452 iter_args(%parallel_loop3A_462 = %broadcast_in_dim3A_450, %parallel_loop3A_463 = %broadcast_in_dim3A_450, %parallel_loop3A_464 = %broadcast_in_dim3A_450, %parallel_loop3A_465 = %broadcast_in_dim3A_450) -> (vector<16xf32>, vector<16xf32>, vector<16xf32>, vector<16xf32>)  : i32 {
            %parallel_loop3A_466 = arith.constant 4 : i32
            %parallel_loop3A_467 = arith.muli %parallel_loop3A_461, %parallel_loop3A_466 : i32
            %parallel_loop3A_468 = arith.constant 0 : i32
            %parallel_loop3A_469 = arith.addi %parallel_loop3A_467, %parallel_loop3A_468 : i32
            %parallel_loop3A_470 = vector.broadcast %parallel_loop3A_469 : i32 to vector<16xi32>
            %parallel_loop3A_471 = arith.addi %iota3A, %parallel_loop3A_470 : vector<16xi32>
            %parallel_loop3A_472 = arith.constant 127 : i32
            %parallel_loop3A_473 = vector.broadcast %parallel_loop3A_472 : i32 to vector<16xi32>
            %parallel_loop3A_474 = arith.andi %parallel_loop3A_471, %parallel_loop3A_473 : vector<16xi32>
            %parallel_loop3A_475 = tpu.vector_load_idx %arg14[%add3A_448, %parallel_loop3A_474] : memref<128x128xf32, #tpu.memory_space<vmem>>[vector<16xi32>, vector<16xi32>], vector<16xf32>,
            %parallel_loop3A_476 = tpu.vector_load_idx %arg15[%add3A_448, %parallel_loop3A_474] : memref<128x128xf32, #tpu.memory_space<vmem>>[vector<16xi32>, vector<16xi32>], vector<16xf32>,
            %parallel_loop3A_477 = arith.mulf %parallel_loop3A_475, %parallel_loop3A_476 : vector<16xf32>
            %parallel_loop3A_478 = arith.addf %parallel_loop3A_462, %parallel_loop3A_477 : vector<16xf32>
            %parallel_loop3A_479 = arith.constant 4 : i32
            %parallel_loop3A_480 = arith.muli %parallel_loop3A_461, %parallel_loop3A_479 : i32
            %parallel_loop3A_481 = arith.constant 1 : i32
            %parallel_loop3A_482 = arith.addi %parallel_loop3A_480, %parallel_loop3A_481 : i32
            %parallel_loop3A_483 = vector.broadcast %parallel_loop3A_482 : i32 to vector<16xi32>
            %parallel_loop3A_484 = arith.addi %iota3A, %parallel_loop3A_483 : vector<16xi32>
            %parallel_loop3A_485 = arith.constant 127 : i32
            %parallel_loop3A_486 = vector.broadcast %parallel_loop3A_485 : i32 to vector<16xi32>
            %parallel_loop3A_487 = arith.andi %parallel_loop3A_484, %parallel_loop3A_486 : vector<16xi32>
            %parallel_loop3A_488 = tpu.vector_load_idx %arg14[%add3A_448, %parallel_loop3A_487] : memref<128x128xf32, #tpu.memory_space<vmem>>[vector<16xi32>, vector<16xi32>], vector<16xf32>,
            %parallel_loop3A_489 = tpu.vector_load_idx %arg15[%add3A_448, %parallel_loop3A_487] : memref<128x128xf32, #tpu.memory_space<vmem>>[vector<16xi32>, vector<16xi32>], vector<16xf32>,
            %parallel_loop3A_490 = arith.mulf %parallel_loop3A_488, %parallel_loop3A_489 : vector<16xf32>
            %parallel_loop3A_491 = arith.addf %parallel_loop3A_463, %parallel_loop3A_490 : vector<16xf32>
            %parallel_loop3A_492 = arith.constant 4 : i32
            %parallel_loop3A_493 = arith.muli %parallel_loop3A_461, %parallel_loop3A_492 : i32
            %parallel_loop3A_494 = arith.constant 2 : i32
            %parallel_loop3A_495 = arith.addi %parallel_loop3A_493, %parallel_loop3A_494 : i32
            %parallel_loop3A_496 = vector.broadcast %parallel_loop3A_495 : i32 to vector<16xi32>
            %parallel_loop3A_497 = arith.addi %iota3A, %parallel_loop3A_496 : vector<16xi32>
            %parallel_loop3A_498 = arith.constant 127 : i32
            %parallel_loop3A_499 = vector.broadcast %parallel_loop3A_498 : i32 to vector<16xi32>
            %parallel_loop3A_500 = arith.andi %parallel_loop3A_497, %parallel_loop3A_499 : vector<16xi32>
            %parallel_loop3A_501 = tpu.vector_load_idx %arg14[%add3A_448, %parallel_loop3A_500] : memref<128x128xf32, #tpu.memory_space<vmem>>[vector<16xi32>, vector<16xi32>], vector<16xf32>,
            %parallel_loop3A_502 = tpu.vector_load_idx %arg15[%add3A_448, %parallel_loop3A_500] : memref<128x128xf32, #tpu.memory_space<vmem>>[vector<16xi32>, vector<16xi32>], vector<16xf32>,
            %parallel_loop3A_503 = arith.mulf %parallel_loop3A_501, %parallel_loop3A_502 : vector<16xf32>
            %parallel_loop3A_504 = arith.addf %parallel_loop3A_464, %parallel_loop3A_503 : vector<16xf32>
            %parallel_loop3A_505 = arith.constant 4 : i32
            %parallel_loop3A_506 = arith.muli %parallel_loop3A_461, %parallel_loop3A_505 : i32
            %parallel_loop3A_507 = arith.constant 3 : i32
            %parallel_loop3A_508 = arith.addi %parallel_loop3A_506, %parallel_loop3A_507 : i32
            %parallel_loop3A_509 = vector.broadcast %parallel_loop3A_508 : i32 to vector<16xi32>
            %parallel_loop3A_510 = arith.addi %iota3A, %parallel_loop3A_509 : vector<16xi32>
            %parallel_loop3A_511 = arith.constant 127 : i32
            %parallel_loop3A_512 = vector.broadcast %parallel_loop3A_511 : i32 to vector<16xi32>
            %parallel_loop3A_513 = arith.andi %parallel_loop3A_510, %parallel_loop3A_512 : vector<16xi32>
            %parallel_loop3A_514 = tpu.vector_load_idx %arg14[%add3A_448, %parallel_loop3A_513] : memref<128x128xf32, #tpu.memory_space<vmem>>[vector<16xi32>, vector<16xi32>], vector<16xf32>,
            %parallel_loop3A_515 = tpu.vector_load_idx %arg15[%add3A_448, %parallel_loop3A_513] : memref<128x128xf32, #tpu.memory_space<vmem>>[vector<16xi32>, vector<16xi32>], vector<16xf32>,
            %parallel_loop3A_516 = arith.mulf %parallel_loop3A_514, %parallel_loop3A_515 : vector<16xf32>
            %parallel_loop3A_517 = arith.addf %parallel_loop3A_465, %parallel_loop3A_516 : vector<16xf32>
            scf.yield %parallel_loop3A_478, %parallel_loop3A_491, %parallel_loop3A_504, %parallel_loop3A_517 : vector<16xf32>, vector<16xf32>, vector<16xf32>, vector<16xf32>
          } {sc.loop_unroll_factor = 8 : i64, sc.parallel_access}
          %add3A_454 = arith.addf %parallel_loop3A_453#0, %parallel_loop3A_453#1 : vector<16xf32>
          %add3A_455 = arith.addf %parallel_loop3A_453#2, %parallel_loop3A_453#3 : vector<16xf32>
          %add3A_456 = arith.addf %add3A_454, %add3A_455 : vector<16xf32>
          %mul3A_457 = arith.constant 16 : i32
          %mul3A_458 = arith.muli %scan3A_444, %mul3A_457 : i32
          %swap3A_459 = arith.index_cast %mul3A_458 : i32 to index
          %swap3A_460 = tpu.vector_load %arg20[%swap3A_459] {strides = array<i32>} : memref<128xf32, #tpu.memory_space<vmem>>, vector<16xf32>,
          tpu.vector_store %arg20[%swap3A_459], %add3A_456 {strides = array<i32>} : memref<128xf32, #tpu.memory_space<vmem>>, vector<16xf32>,
        }
        %scan3A_220 = arith.constant 8 : i32
        %lt3A_221 = arith.constant 2500 : i32
        %lt3A_222 = arith.cmpi slt, %add3A_209, %lt3A_221 : i32
        %jit3A = arith.constant 0 : i32
        %jit3A_223 = arith.constant 131072 : i32
        %select_n3A = arith.select %lt3A_222, %jit3A, %jit3A_223 : i32
        %ge3A_224 = arith.constant 5000 : i32
        %ge3A_225 = arith.cmpi sge, %add3A_209, %ge3A_224 : i32
        %get3A = arith.constant 0 : index
        %get3A_226 = tpu.vector_load %arg20[%get3A] {strides = array<i32>} : memref<128xf32, #tpu.memory_space<vmem>>, vector<16xf32>,
        %bitcast3A = vector.bitcast %get3A_226 : vector<16xf32> to vector<16xi32>
        %lt3A_227 = arith.constant 0 : i32
        %lt3A_228 = vector.broadcast %lt3A_227 : i32 to vector<16xi32>
        %lt3A_229 = arith.cmpi slt, %bitcast3A, %lt3A_228 : vector<16xi32>
        %xor3A = arith.constant 2147483647 : i32
        %xor3A_230 = vector.broadcast %xor3A : i32 to vector<16xi32>
        %xor3A_231 = arith.xori %bitcast3A, %xor3A_230 : vector<16xi32>
        %select_n3A_232 = arith.select %lt3A_229, %xor3A_231, %bitcast3A : vector<16xi1>, vector<16xi32>
        %shift_right_arithmetic3A = arith.constant 15 : i32
        %shift_right_arithmetic3A_233 = vector.broadcast %shift_right_arithmetic3A : i32 to vector<16xi32>
        %shift_right_arithmetic3A_234 = arith.shrsi %select_n3A_232, %shift_right_arithmetic3A_233 : vector<16xi32>
        %add3A_235 = arith.constant 65536 : i32
        %add3A_236 = vector.broadcast %add3A_235 : i32 to vector<16xi32>
        %add3A_237 = arith.addi %shift_right_arithmetic3A_234, %add3A_236 : vector<16xi32>
        %and3A_238 = arith.constant 127 : i32
        %and3A_239 = vector.broadcast %and3A_238 : i32 to vector<16xi32>
        %and3A_240 = arith.andi %add3A_237, %and3A_239 : vector<16xi32>
        %add3A_241 = arith.constant 262144 : i32
        %add3A_242 = vector.broadcast %add3A_241 : i32 to vector<16xi32>
        %add3A_243 = arith.addi %add3A_242, %and3A_240 : vector<16xi32>
        %add3A_244 = vector.broadcast %select_n3A : i32 to vector<16xi32>
        %add3A_245 = arith.addi %add3A_237, %add3A_244 : vector<16xi32>
        %select_n3A_246 = arith.select %ge3A_225, %add3A_243, %add3A_245 : vector<16xi32>
        %swap3A_247 = arith.constant 0 : index
        %swap3A_248 = tpu.vector_load %arg23[%swap3A_247] {strides = array<i32>} : memref<128xi32, #tpu.memory_space<vmem>>, vector<16xi32>,
        tpu.vector_store %arg23[%swap3A_247], %select_n3A_246 {strides = array<i32>} : memref<128xi32, #tpu.memory_space<vmem>>, vector<16xi32>,
        %get3A_249 = arith.constant 16 : index
        %get3A_250 = tpu.vector_load %arg20[%get3A_249] {strides = array<i32>} : memref<128xf32, #tpu.memory_space<vmem>>, vector<16xf32>,
        %bitcast3A_251 = vector.bitcast %get3A_250 : vector<16xf32> to vector<16xi32>
        %lt3A_252 = arith.constant 0 : i32
        %lt3A_253 = vector.broadcast %lt3A_252 : i32 to vector<16xi32>
        %lt3A_254 = arith.cmpi slt, %bitcast3A_251, %lt3A_253 : vector<16xi32>
        %xor3A_255 = arith.constant 2147483647 : i32
        %xor3A_256 = vector.broadcast %xor3A_255 : i32 to vector<16xi32>
        %xor3A_257 = arith.xori %bitcast3A_251, %xor3A_256 : vector<16xi32>
        %select_n3A_258 = arith.select %lt3A_254, %xor3A_257, %bitcast3A_251 : vector<16xi1>, vector<16xi32>
        %shift_right_arithmetic3A_259 = arith.constant 15 : i32
        %shift_right_arithmetic3A_260 = vector.broadcast %shift_right_arithmetic3A_259 : i32 to vector<16xi32>
        %shift_right_arithmetic3A_261 = arith.shrsi %select_n3A_258, %shift_right_arithmetic3A_260 : vector<16xi32>
        %add3A_262 = arith.constant 65536 : i32
        %add3A_263 = vector.broadcast %add3A_262 : i32 to vector<16xi32>
        %add3A_264 = arith.addi %shift_right_arithmetic3A_261, %add3A_263 : vector<16xi32>
        %and3A_265 = arith.constant 127 : i32
        %and3A_266 = vector.broadcast %and3A_265 : i32 to vector<16xi32>
        %and3A_267 = arith.andi %add3A_264, %and3A_266 : vector<16xi32>
        %add3A_268 = arith.constant 262144 : i32
        %add3A_269 = vector.broadcast %add3A_268 : i32 to vector<16xi32>
        %add3A_270 = arith.addi %add3A_269, %and3A_267 : vector<16xi32>
        %add3A_271 = vector.broadcast %select_n3A : i32 to vector<16xi32>
        %add3A_272 = arith.addi %add3A_264, %add3A_271 : vector<16xi32>
        %select_n3A_273 = arith.select %ge3A_225, %add3A_270, %add3A_272 : vector<16xi32>
        %swap3A_274 = arith.constant 16 : index
        %swap3A_275 = tpu.vector_load %arg23[%swap3A_274] {strides = array<i32>} : memref<128xi32, #tpu.memory_space<vmem>>, vector<16xi32>,
        tpu.vector_store %arg23[%swap3A_274], %select_n3A_273 {strides = array<i32>} : memref<128xi32, #tpu.memory_space<vmem>>, vector<16xi32>,
        %get3A_276 = arith.constant 32 : index
        %get3A_277 = tpu.vector_load %arg20[%get3A_276] {strides = array<i32>} : memref<128xf32, #tpu.memory_space<vmem>>, vector<16xf32>,
        %bitcast3A_278 = vector.bitcast %get3A_277 : vector<16xf32> to vector<16xi32>
        %lt3A_279 = arith.constant 0 : i32
        %lt3A_280 = vector.broadcast %lt3A_279 : i32 to vector<16xi32>
        %lt3A_281 = arith.cmpi slt, %bitcast3A_278, %lt3A_280 : vector<16xi32>
        %xor3A_282 = arith.constant 2147483647 : i32
        %xor3A_283 = vector.broadcast %xor3A_282 : i32 to vector<16xi32>
        %xor3A_284 = arith.xori %bitcast3A_278, %xor3A_283 : vector<16xi32>
        %select_n3A_285 = arith.select %lt3A_281, %xor3A_284, %bitcast3A_278 : vector<16xi1>, vector<16xi32>
        %shift_right_arithmetic3A_286 = arith.constant 15 : i32
        %shift_right_arithmetic3A_287 = vector.broadcast %shift_right_arithmetic3A_286 : i32 to vector<16xi32>
        %shift_right_arithmetic3A_288 = arith.shrsi %select_n3A_285, %shift_right_arithmetic3A_287 : vector<16xi32>
        %add3A_289 = arith.constant 65536 : i32
        %add3A_290 = vector.broadcast %add3A_289 : i32 to vector<16xi32>
        %add3A_291 = arith.addi %shift_right_arithmetic3A_288, %add3A_290 : vector<16xi32>
        %and3A_292 = arith.constant 127 : i32
        %and3A_293 = vector.broadcast %and3A_292 : i32 to vector<16xi32>
        %and3A_294 = arith.andi %add3A_291, %and3A_293 : vector<16xi32>
        %add3A_295 = arith.constant 262144 : i32
        %add3A_296 = vector.broadcast %add3A_295 : i32 to vector<16xi32>
        %add3A_297 = arith.addi %add3A_296, %and3A_294 : vector<16xi32>
        %add3A_298 = vector.broadcast %select_n3A : i32 to vector<16xi32>
        %add3A_299 = arith.addi %add3A_291, %add3A_298 : vector<16xi32>
        %select_n3A_300 = arith.select %ge3A_225, %add3A_297, %add3A_299 : vector<16xi32>
        %swap3A_301 = arith.constant 32 : index
        %swap3A_302 = tpu.vector_load %arg23[%swap3A_301] {strides = array<i32>} : memref<128xi32, #tpu.memory_space<vmem>>, vector<16xi32>,
        tpu.vector_store %arg23[%swap3A_301], %select_n3A_300 {strides = array<i32>} : memref<128xi32, #tpu.memory_space<vmem>>, vector<16xi32>,
        %get3A_303 = arith.constant 48 : index
        %get3A_304 = tpu.vector_load %arg20[%get3A_303] {strides = array<i32>} : memref<128xf32, #tpu.memory_space<vmem>>, vector<16xf32>,
        %bitcast3A_305 = vector.bitcast %get3A_304 : vector<16xf32> to vector<16xi32>
        %lt3A_306 = arith.constant 0 : i32
        %lt3A_307 = vector.broadcast %lt3A_306 : i32 to vector<16xi32>
        %lt3A_308 = arith.cmpi slt, %bitcast3A_305, %lt3A_307 : vector<16xi32>
        %xor3A_309 = arith.constant 2147483647 : i32
        %xor3A_310 = vector.broadcast %xor3A_309 : i32 to vector<16xi32>
        %xor3A_311 = arith.xori %bitcast3A_305, %xor3A_310 : vector<16xi32>
        %select_n3A_312 = arith.select %lt3A_308, %xor3A_311, %bitcast3A_305 : vector<16xi1>, vector<16xi32>
        %shift_right_arithmetic3A_313 = arith.constant 15 : i32
        %shift_right_arithmetic3A_314 = vector.broadcast %shift_right_arithmetic3A_313 : i32 to vector<16xi32>
        %shift_right_arithmetic3A_315 = arith.shrsi %select_n3A_312, %shift_right_arithmetic3A_314 : vector<16xi32>
        %add3A_316 = arith.constant 65536 : i32
        %add3A_317 = vector.broadcast %add3A_316 : i32 to vector<16xi32>
        %add3A_318 = arith.addi %shift_right_arithmetic3A_315, %add3A_317 : vector<16xi32>
        %and3A_319 = arith.constant 127 : i32
        %and3A_320 = vector.broadcast %and3A_319 : i32 to vector<16xi32>
        %and3A_321 = arith.andi %add3A_318, %and3A_320 : vector<16xi32>
        %add3A_322 = arith.constant 262144 : i32
        %add3A_323 = vector.broadcast %add3A_322 : i32 to vector<16xi32>
        %add3A_324 = arith.addi %add3A_323, %and3A_321 : vector<16xi32>
        %add3A_325 = vector.broadcast %select_n3A : i32 to vector<16xi32>
        %add3A_326 = arith.addi %add3A_318, %add3A_325 : vector<16xi32>
        %select_n3A_327 = arith.select %ge3A_225, %add3A_324, %add3A_326 : vector<16xi32>
        %swap3A_328 = arith.constant 48 : index
        %swap3A_329 = tpu.vector_load %arg23[%swap3A_328] {strides = array<i32>} : memref<128xi32, #tpu.memory_space<vmem>>, vector<16xi32>,
        tpu.vector_store %arg23[%swap3A_328], %select_n3A_327 {strides = array<i32>} : memref<128xi32, #tpu.memory_space<vmem>>, vector<16xi32>,
        %get3A_330 = arith.constant 64 : index
        %get3A_331 = tpu.vector_load %arg20[%get3A_330] {strides = array<i32>} : memref<128xf32, #tpu.memory_space<vmem>>, vector<16xf32>,
        %bitcast3A_332 = vector.bitcast %get3A_331 : vector<16xf32> to vector<16xi32>
        %lt3A_333 = arith.constant 0 : i32
        %lt3A_334 = vector.broadcast %lt3A_333 : i32 to vector<16xi32>
        %lt3A_335 = arith.cmpi slt, %bitcast3A_332, %lt3A_334 : vector<16xi32>
        %xor3A_336 = arith.constant 2147483647 : i32
        %xor3A_337 = vector.broadcast %xor3A_336 : i32 to vector<16xi32>
        %xor3A_338 = arith.xori %bitcast3A_332, %xor3A_337 : vector<16xi32>
        %select_n3A_339 = arith.select %lt3A_335, %xor3A_338, %bitcast3A_332 : vector<16xi1>, vector<16xi32>
        %shift_right_arithmetic3A_340 = arith.constant 15 : i32
        %shift_right_arithmetic3A_341 = vector.broadcast %shift_right_arithmetic3A_340 : i32 to vector<16xi32>
        %shift_right_arithmetic3A_342 = arith.shrsi %select_n3A_339, %shift_right_arithmetic3A_341 : vector<16xi32>
        %add3A_343 = arith.constant 65536 : i32
        %add3A_344 = vector.broadcast %add3A_343 : i32 to vector<16xi32>
        %add3A_345 = arith.addi %shift_right_arithmetic3A_342, %add3A_344 : vector<16xi32>
        %and3A_346 = arith.constant 127 : i32
        %and3A_347 = vector.broadcast %and3A_346 : i32 to vector<16xi32>
        %and3A_348 = arith.andi %add3A_345, %and3A_347 : vector<16xi32>
        %add3A_349 = arith.constant 262144 : i32
        %add3A_350 = vector.broadcast %add3A_349 : i32 to vector<16xi32>
        %add3A_351 = arith.addi %add3A_350, %and3A_348 : vector<16xi32>
        %add3A_352 = vector.broadcast %select_n3A : i32 to vector<16xi32>
        %add3A_353 = arith.addi %add3A_345, %add3A_352 : vector<16xi32>
        %select_n3A_354 = arith.select %ge3A_225, %add3A_351, %add3A_353 : vector<16xi32>
        %swap3A_355 = arith.constant 64 : index
        %swap3A_356 = tpu.vector_load %arg23[%swap3A_355] {strides = array<i32>} : memref<128xi32, #tpu.memory_space<vmem>>, vector<16xi32>,
        tpu.vector_store %arg23[%swap3A_355], %select_n3A_354 {strides = array<i32>} : memref<128xi32, #tpu.memory_space<vmem>>, vector<16xi32>,
        %get3A_357 = arith.constant 80 : index
        %get3A_358 = tpu.vector_load %arg20[%get3A_357] {strides = array<i32>} : memref<128xf32, #tpu.memory_space<vmem>>, vector<16xf32>,
        %bitcast3A_359 = vector.bitcast %get3A_358 : vector<16xf32> to vector<16xi32>
        %lt3A_360 = arith.constant 0 : i32
        %lt3A_361 = vector.broadcast %lt3A_360 : i32 to vector<16xi32>
        %lt3A_362 = arith.cmpi slt, %bitcast3A_359, %lt3A_361 : vector<16xi32>
        %xor3A_363 = arith.constant 2147483647 : i32
        %xor3A_364 = vector.broadcast %xor3A_363 : i32 to vector<16xi32>
        %xor3A_365 = arith.xori %bitcast3A_359, %xor3A_364 : vector<16xi32>
        %select_n3A_366 = arith.select %lt3A_362, %xor3A_365, %bitcast3A_359 : vector<16xi1>, vector<16xi32>
        %shift_right_arithmetic3A_367 = arith.constant 15 : i32
        %shift_right_arithmetic3A_368 = vector.broadcast %shift_right_arithmetic3A_367 : i32 to vector<16xi32>
        %shift_right_arithmetic3A_369 = arith.shrsi %select_n3A_366, %shift_right_arithmetic3A_368 : vector<16xi32>
        %add3A_370 = arith.constant 65536 : i32
        %add3A_371 = vector.broadcast %add3A_370 : i32 to vector<16xi32>
        %add3A_372 = arith.addi %shift_right_arithmetic3A_369, %add3A_371 : vector<16xi32>
        %and3A_373 = arith.constant 127 : i32
        %and3A_374 = vector.broadcast %and3A_373 : i32 to vector<16xi32>
        %and3A_375 = arith.andi %add3A_372, %and3A_374 : vector<16xi32>
        %add3A_376 = arith.constant 262144 : i32
        %add3A_377 = vector.broadcast %add3A_376 : i32 to vector<16xi32>
        %add3A_378 = arith.addi %add3A_377, %and3A_375 : vector<16xi32>
        %add3A_379 = vector.broadcast %select_n3A : i32 to vector<16xi32>
        %add3A_380 = arith.addi %add3A_372, %add3A_379 : vector<16xi32>
        %select_n3A_381 = arith.select %ge3A_225, %add3A_378, %add3A_380 : vector<16xi32>
        %swap3A_382 = arith.constant 80 : index
        %swap3A_383 = tpu.vector_load %arg23[%swap3A_382] {strides = array<i32>} : memref<128xi32, #tpu.memory_space<vmem>>, vector<16xi32>,
        tpu.vector_store %arg23[%swap3A_382], %select_n3A_381 {strides = array<i32>} : memref<128xi32, #tpu.memory_space<vmem>>, vector<16xi32>,
        %get3A_384 = arith.constant 96 : index
        %get3A_385 = tpu.vector_load %arg20[%get3A_384] {strides = array<i32>} : memref<128xf32, #tpu.memory_space<vmem>>, vector<16xf32>,
        %bitcast3A_386 = vector.bitcast %get3A_385 : vector<16xf32> to vector<16xi32>
        %lt3A_387 = arith.constant 0 : i32
        %lt3A_388 = vector.broadcast %lt3A_387 : i32 to vector<16xi32>
        %lt3A_389 = arith.cmpi slt, %bitcast3A_386, %lt3A_388 : vector<16xi32>
        %xor3A_390 = arith.constant 2147483647 : i32
        %xor3A_391 = vector.broadcast %xor3A_390 : i32 to vector<16xi32>
        %xor3A_392 = arith.xori %bitcast3A_386, %xor3A_391 : vector<16xi32>
        %select_n3A_393 = arith.select %lt3A_389, %xor3A_392, %bitcast3A_386 : vector<16xi1>, vector<16xi32>
        %shift_right_arithmetic3A_394 = arith.constant 15 : i32
        %shift_right_arithmetic3A_395 = vector.broadcast %shift_right_arithmetic3A_394 : i32 to vector<16xi32>
        %shift_right_arithmetic3A_396 = arith.shrsi %select_n3A_393, %shift_right_arithmetic3A_395 : vector<16xi32>
        %add3A_397 = arith.constant 65536 : i32
        %add3A_398 = vector.broadcast %add3A_397 : i32 to vector<16xi32>
        %add3A_399 = arith.addi %shift_right_arithmetic3A_396, %add3A_398 : vector<16xi32>
        %and3A_400 = arith.constant 127 : i32
        %and3A_401 = vector.broadcast %and3A_400 : i32 to vector<16xi32>
        %and3A_402 = arith.andi %add3A_399, %and3A_401 : vector<16xi32>
        %add3A_403 = arith.constant 262144 : i32
        %add3A_404 = vector.broadcast %add3A_403 : i32 to vector<16xi32>
        %add3A_405 = arith.addi %add3A_404, %and3A_402 : vector<16xi32>
        %add3A_406 = vector.broadcast %select_n3A : i32 to vector<16xi32>
        %add3A_407 = arith.addi %add3A_399, %add3A_406 : vector<16xi32>
        %select_n3A_408 = arith.select %ge3A_225, %add3A_405, %add3A_407 : vector<16xi32>
        %swap3A_409 = arith.constant 96 : index
        %swap3A_410 = tpu.vector_load %arg23[%swap3A_409] {strides = array<i32>} : memref<128xi32, #tpu.memory_space<vmem>>, vector<16xi32>,
        tpu.vector_store %arg23[%swap3A_409], %select_n3A_408 {strides = array<i32>} : memref<128xi32, #tpu.memory_space<vmem>>, vector<16xi32>,
        %get3A_411 = arith.constant 112 : index
        %get3A_412 = tpu.vector_load %arg20[%get3A_411] {strides = array<i32>} : memref<128xf32, #tpu.memory_space<vmem>>, vector<16xf32>,
        %bitcast3A_413 = vector.bitcast %get3A_412 : vector<16xf32> to vector<16xi32>
        %lt3A_414 = arith.constant 0 : i32
        %lt3A_415 = vector.broadcast %lt3A_414 : i32 to vector<16xi32>
        %lt3A_416 = arith.cmpi slt, %bitcast3A_413, %lt3A_415 : vector<16xi32>
        %xor3A_417 = arith.constant 2147483647 : i32
        %xor3A_418 = vector.broadcast %xor3A_417 : i32 to vector<16xi32>
        %xor3A_419 = arith.xori %bitcast3A_413, %xor3A_418 : vector<16xi32>
        %select_n3A_420 = arith.select %lt3A_416, %xor3A_419, %bitcast3A_413 : vector<16xi1>, vector<16xi32>
        %shift_right_arithmetic3A_421 = arith.constant 15 : i32
        %shift_right_arithmetic3A_422 = vector.broadcast %shift_right_arithmetic3A_421 : i32 to vector<16xi32>
        %shift_right_arithmetic3A_423 = arith.shrsi %select_n3A_420, %shift_right_arithmetic3A_422 : vector<16xi32>
        %add3A_424 = arith.constant 65536 : i32
        %add3A_425 = vector.broadcast %add3A_424 : i32 to vector<16xi32>
        %add3A_426 = arith.addi %shift_right_arithmetic3A_423, %add3A_425 : vector<16xi32>
        %and3A_427 = arith.constant 127 : i32
        %and3A_428 = vector.broadcast %and3A_427 : i32 to vector<16xi32>
        %and3A_429 = arith.andi %add3A_426, %and3A_428 : vector<16xi32>
        %add3A_430 = arith.constant 262144 : i32
        %add3A_431 = vector.broadcast %add3A_430 : i32 to vector<16xi32>
        %add3A_432 = arith.addi %add3A_431, %and3A_429 : vector<16xi32>
        %add3A_433 = vector.broadcast %select_n3A : i32 to vector<16xi32>
        %add3A_434 = arith.addi %add3A_426, %add3A_433 : vector<16xi32>
        %select_n3A_435 = arith.select %ge3A_225, %add3A_432, %add3A_434 : vector<16xi32>
        %swap3A_436 = arith.constant 112 : index
        %swap3A_437 = tpu.vector_load %arg23[%swap3A_436] {strides = array<i32>} : memref<128xi32, #tpu.memory_space<vmem>>, vector<16xi32>,
        tpu.vector_store %arg23[%swap3A_436], %select_n3A_435 {strides = array<i32>} : memref<128xi32, #tpu.memory_space<vmem>>, vector<16xi32>,
        %dma_start3A_438 = arith.constant 0 : i32
        %dma_start3A_439 = tpu.memref_slice %arg27[%dma_start3A_438] : memref<262272xf32, #tpu.memory_space<vmem_shared>> -> memref<262272xf32, #tpu.memory_space<vmem_shared>>
        tpu.enqueue_indirect_dma source(%arg26 : memref<128xf32, #tpu.memory_space<vmem>>) target(%dma_start3A_439 : memref<262272xf32, #tpu.memory_space<vmem_shared>>) offsets(%arg23 : memref<128xi32, #tpu.memory_space<vmem>>) semaphore(%arg37 : memref<!tpu.dma_semaphore, #tpu.memory_space<semaphore_mem>>) {add = true}
        %mul3A_440 = arith.constant 128 : i32
        %mul3A_441 = arith.muli %add3A_209, %mul3A_440 : i32
        %dma_start3A_442 = tpu.memref_slice %arg6[%mul3A_441] : memref<643072xf32, #tpu.memory_space<hbm>> -> memref<128xf32, #tpu.memory_space<hbm>>
        %dma_start3A_443 = tpu.memref_slice %arg6[%mul3A_441] : memref<643072xf32, #tpu.memory_space<hbm>> -> memref<128xf32, #tpu.memory_space<hbm>>
        tpu.enqueue_dma source(%arg20 : memref<128xf32, #tpu.memory_space<vmem>>) target(%dma_start3A_443 : memref<128xf32, #tpu.memory_space<hbm>>) target_semaphore(%arg40 : memref<!tpu.dma_semaphore, #tpu.memory_space<semaphore_mem>>)
      } else {
      }
      %mul3A_169 = arith.constant 3 : i32
      %mul3A_170 = arith.muli %mul3A_169, %scan3A_160 : i32
      %add3A_171 = arith.constant 1 : i32
      %add3A_172 = arith.addi %mul3A_170, %add3A_171 : i32
      %le3A_173 = arith.constant 156 : i32
      %le3A_174 = arith.cmpi sle, %add3A_172, %le3A_173 : i32
      %convert_element_type3A_175 = arith.extui %le3A_174 : i1 to i32
      %cond3A_176 = arith.constant 0 : i32
      %cond3A_177 = arith.cmpi ne, %convert_element_type3A_175, %cond3A_176 : i32
      scf.if %cond3A_177 {
        %add3A_187 = arith.constant 2 : i32
        %add3A_188 = arith.addi %add3A_172, %add3A_187 : i32
        %le3A_189 = arith.constant 156 : i32
        %le3A_190 = arith.cmpi sle, %add3A_188, %le3A_189 : i32
        %convert_element_type3A_191 = arith.extui %le3A_190 : i1 to i32
        %cond3A_192 = arith.constant 0 : i32
        %cond3A_193 = arith.cmpi ne, %convert_element_type3A_191, %cond3A_192 : i32
        scf.if %cond3A_193 {
          %dma_wait3A_444 = arith.constant 0 : i32
          %dma_wait3A_445 = arith.constant 0 : i32
          %dma_wait3A_446 = tpu.memref_slice %arg3[%dma_wait3A_444, %dma_wait3A_445] : memref<2x320000xi32, #tpu.memory_space<hbm>> -> memref<1x128xi32, #tpu.memory_space<hbm>>
          %dma_wait3A_447 = tpu.memref_squeeze %dma_wait3A_446 : memref<1x128xi32, #tpu.memory_space<hbm>> -> memref<128xi32, #tpu.memory_space<hbm>>
          %dma_wait3A_448 = arith.constant 0 : i32
          %dma_wait3A_449 = tpu.memref_slice %arg3[%dma_wait3A_444, %dma_wait3A_448] : memref<2x320000xi32, #tpu.memory_space<hbm>> -> memref<1x128xi32, #tpu.memory_space<hbm>>
          %dma_wait3A_450 = tpu.memref_squeeze %dma_wait3A_449 : memref<1x128xi32, #tpu.memory_space<hbm>> -> memref<128xi32, #tpu.memory_space<hbm>>
          tpu.wait_dma2 semaphore(%arg28 : memref<!tpu.dma_semaphore, #tpu.memory_space<semaphore_mem>>) src(%dma_wait3A_450 : memref<128xi32, #tpu.memory_space<hbm>>) dst(%arg8 : memref<128xi32, #tpu.memory_space<vmem>>)
          %dma_wait3A_451 = arith.constant 1 : i32
          %dma_wait3A_452 = arith.constant 0 : i32
          %dma_wait3A_453 = tpu.memref_slice %arg3[%dma_wait3A_451, %dma_wait3A_452] : memref<2x320000xi32, #tpu.memory_space<hbm>> -> memref<1x128xi32, #tpu.memory_space<hbm>>
          %dma_wait3A_454 = tpu.memref_squeeze %dma_wait3A_453 : memref<1x128xi32, #tpu.memory_space<hbm>> -> memref<128xi32, #tpu.memory_space<hbm>>
          %dma_wait3A_455 = arith.constant 0 : i32
          %dma_wait3A_456 = tpu.memref_slice %arg3[%dma_wait3A_451, %dma_wait3A_455] : memref<2x320000xi32, #tpu.memory_space<hbm>> -> memref<1x128xi32, #tpu.memory_space<hbm>>
          %dma_wait3A_457 = tpu.memref_squeeze %dma_wait3A_456 : memref<1x128xi32, #tpu.memory_space<hbm>> -> memref<128xi32, #tpu.memory_space<hbm>>
          tpu.wait_dma2 semaphore(%arg28 : memref<!tpu.dma_semaphore, #tpu.memory_space<semaphore_mem>>) src(%dma_wait3A_457 : memref<128xi32, #tpu.memory_space<hbm>>) dst(%arg9 : memref<128xi32, #tpu.memory_space<vmem>>)
          %dma_start3A_458 = arith.constant 0 : i32
          %dma_start3A_459 = arith.constant 0 : i32
          %dma_start3A_460 = tpu.memref_slice %arg2[%dma_start3A_458, %dma_start3A_459] : memref<100000x128xf32, #tpu.memory_space<hbm>> -> memref<100000x128xf32, #tpu.memory_space<hbm>>
          tpu.enqueue_indirect_dma source(%dma_start3A_460 : memref<100000x128xf32, #tpu.memory_space<hbm>>) target(%arg14 : memref<128x128xf32, #tpu.memory_space<vmem>>) offsets(%arg8 : memref<128xi32, #tpu.memory_space<vmem>>) semaphore(%arg31 : memref<!tpu.dma_semaphore, #tpu.memory_space<semaphore_mem>>)
          %dma_start3A_461 = arith.constant 0 : i32
          %dma_start3A_462 = arith.constant 0 : i32
          %dma_start3A_463 = tpu.memref_slice %arg2[%dma_start3A_461, %dma_start3A_462] : memref<100000x128xf32, #tpu.memory_space<hbm>> -> memref<100000x128xf32, #tpu.memory_space<hbm>>
          tpu.enqueue_indirect_dma source(%dma_start3A_463 : memref<100000x128xf32, #tpu.memory_space<hbm>>) target(%arg15 : memref<128x128xf32, #tpu.memory_space<vmem>>) offsets(%arg9 : memref<128xi32, #tpu.memory_space<vmem>>) semaphore(%arg32 : memref<!tpu.dma_semaphore, #tpu.memory_space<semaphore_mem>>)
        } else {
        }
        %dma_wait3A_194 = arith.constant 0 : i32
        %dma_wait3A_195 = arith.constant 0 : i32
        %dma_wait3A_196 = tpu.memref_slice %arg2[%dma_wait3A_194, %dma_wait3A_195] : memref<100000x128xf32, #tpu.memory_space<hbm>> -> memref<100000x128xf32, #tpu.memory_space<hbm>>
        tpu.wait_indirect_dma semaphore(%arg33 : memref<!tpu.dma_semaphore, #tpu.memory_space<semaphore_mem>>) src(%dma_wait3A_196 : memref<100000x128xf32, #tpu.memory_space<hbm>>) dst(%arg16 : memref<128x128xf32, #tpu.memory_space<vmem>>)
        %dma_wait3A_197 = arith.constant 0 : i32
        %dma_wait3A_198 = arith.constant 0 : i32
        %dma_wait3A_199 = tpu.memref_slice %arg2[%dma_wait3A_197, %dma_wait3A_198] : memref<100000x128xf32, #tpu.memory_space<hbm>> -> memref<100000x128xf32, #tpu.memory_space<hbm>>
        tpu.wait_indirect_dma semaphore(%arg34 : memref<!tpu.dma_semaphore, #tpu.memory_space<semaphore_mem>>) src(%dma_wait3A_199 : memref<100000x128xf32, #tpu.memory_space<hbm>>) dst(%arg17 : memref<128x128xf32, #tpu.memory_space<vmem>>)
        %add3A_200 = arith.constant 3 : i32
        %add3A_201 = arith.addi %add3A_172, %add3A_200 : i32
        %le3A_202 = arith.constant 156 : i32
        %le3A_203 = arith.cmpi sle, %add3A_201, %le3A_202 : i32
        %convert_element_type3A_204 = arith.extui %le3A_203 : i1 to i32
        %cond3A_205 = arith.constant 0 : i32
        %cond3A_206 = arith.cmpi ne, %convert_element_type3A_204, %cond3A_205 : i32
        scf.if %cond3A_206 {
          %add3A_444 = arith.constant 3 : i32
          %add3A_445 = arith.addi %add3A_172, %add3A_444 : i32
          %mul3A_446 = arith.constant 32 : i32
          %mul3A_447 = arith.muli %mul3A_446, %add3A_445 : i32
          %add3A_448 = arith.addi %add3A, %mul3A_447 : i32
          %mul3A_449 = arith.constant 128 : i32
          %mul3A_450 = arith.muli %add3A_448, %mul3A_449 : i32
          %lt3A_451 = arith.constant 2500 : i32
          %lt3A_452 = arith.cmpi slt, %add3A_448, %lt3A_451 : i32
          %convert_element_type3A_453 = arith.extui %lt3A_452 : i1 to i32
          %cond3A_454 = arith.constant 0 : i32
          %cond3A_455 = arith.cmpi ne, %convert_element_type3A_453, %cond3A_454 : i32
          scf.if %cond3A_455 {
            %dma_start3A_469 = arith.constant 0 : i32
            %dma_start3A_470 = tpu.memref_slice %arg3[%dma_start3A_469, %mul3A_450] : memref<2x320000xi32, #tpu.memory_space<hbm>> -> memref<1x128xi32, #tpu.memory_space<hbm>>
            %dma_start3A_471 = tpu.memref_squeeze %dma_start3A_470 : memref<1x128xi32, #tpu.memory_space<hbm>> -> memref<128xi32, #tpu.memory_space<hbm>>
            %dma_start3A_472 = tpu.memref_slice %arg3[%dma_start3A_469, %mul3A_450] : memref<2x320000xi32, #tpu.memory_space<hbm>> -> memref<1x128xi32, #tpu.memory_space<hbm>>
            %dma_start3A_473 = tpu.memref_squeeze %dma_start3A_472 : memref<1x128xi32, #tpu.memory_space<hbm>> -> memref<128xi32, #tpu.memory_space<hbm>>
            tpu.enqueue_dma source(%dma_start3A_473 : memref<128xi32, #tpu.memory_space<hbm>>) target(%arg10 : memref<128xi32, #tpu.memory_space<vmem>>) target_semaphore(%arg29 : memref<!tpu.dma_semaphore, #tpu.memory_space<semaphore_mem>>)
            %dma_start3A_474 = arith.constant 1 : i32
            %dma_start3A_475 = tpu.memref_slice %arg3[%dma_start3A_474, %mul3A_450] : memref<2x320000xi32, #tpu.memory_space<hbm>> -> memref<1x128xi32, #tpu.memory_space<hbm>>
            %dma_start3A_476 = tpu.memref_squeeze %dma_start3A_475 : memref<1x128xi32, #tpu.memory_space<hbm>> -> memref<128xi32, #tpu.memory_space<hbm>>
            %dma_start3A_477 = tpu.memref_slice %arg3[%dma_start3A_474, %mul3A_450] : memref<2x320000xi32, #tpu.memory_space<hbm>> -> memref<1x128xi32, #tpu.memory_space<hbm>>
            %dma_start3A_478 = tpu.memref_squeeze %dma_start3A_477 : memref<1x128xi32, #tpu.memory_space<hbm>> -> memref<128xi32, #tpu.memory_space<hbm>>
            tpu.enqueue_dma source(%dma_start3A_478 : memref<128xi32, #tpu.memory_space<hbm>>) target(%arg11 : memref<128xi32, #tpu.memory_space<vmem>>) target_semaphore(%arg29 : memref<!tpu.dma_semaphore, #tpu.memory_space<semaphore_mem>>)
          } else {
          }
          %ge3A_456 = arith.constant 2500 : i32
          %ge3A_457 = arith.cmpi sge, %add3A_448, %ge3A_456 : i32
          %lt3A_458 = arith.constant 5000 : i32
          %lt3A_459 = arith.cmpi slt, %add3A_448, %lt3A_458 : i32
          %and3A_460 = arith.andi %ge3A_457, %lt3A_459 : i1
          %convert_element_type3A_461 = arith.extui %and3A_460 : i1 to i32
          %cond3A_462 = arith.constant 0 : i32
          %cond3A_463 = arith.cmpi ne, %convert_element_type3A_461, %cond3A_462 : i32
          scf.if %cond3A_463 {
            %sub3A = arith.constant 320000 : i32
            %sub3A_469 = arith.subi %mul3A_450, %sub3A : i32
            %dma_start3A_470 = arith.constant 0 : i32
            %dma_start3A_471 = tpu.memref_slice %arg4[%dma_start3A_470, %sub3A_469] : memref<2x320000xi32, #tpu.memory_space<hbm>> -> memref<1x128xi32, #tpu.memory_space<hbm>>
            %dma_start3A_472 = tpu.memref_squeeze %dma_start3A_471 : memref<1x128xi32, #tpu.memory_space<hbm>> -> memref<128xi32, #tpu.memory_space<hbm>>
            %dma_start3A_473 = tpu.memref_slice %arg4[%dma_start3A_470, %sub3A_469] : memref<2x320000xi32, #tpu.memory_space<hbm>> -> memref<1x128xi32, #tpu.memory_space<hbm>>
            %dma_start3A_474 = tpu.memref_squeeze %dma_start3A_473 : memref<1x128xi32, #tpu.memory_space<hbm>> -> memref<128xi32, #tpu.memory_space<hbm>>
            tpu.enqueue_dma source(%dma_start3A_474 : memref<128xi32, #tpu.memory_space<hbm>>) target(%arg10 : memref<128xi32, #tpu.memory_space<vmem>>) target_semaphore(%arg29 : memref<!tpu.dma_semaphore, #tpu.memory_space<semaphore_mem>>)
            %dma_start3A_475 = arith.constant 1 : i32
            %dma_start3A_476 = tpu.memref_slice %arg4[%dma_start3A_475, %sub3A_469] : memref<2x320000xi32, #tpu.memory_space<hbm>> -> memref<1x128xi32, #tpu.memory_space<hbm>>
            %dma_start3A_477 = tpu.memref_squeeze %dma_start3A_476 : memref<1x128xi32, #tpu.memory_space<hbm>> -> memref<128xi32, #tpu.memory_space<hbm>>
            %dma_start3A_478 = tpu.memref_slice %arg4[%dma_start3A_475, %sub3A_469] : memref<2x320000xi32, #tpu.memory_space<hbm>> -> memref<1x128xi32, #tpu.memory_space<hbm>>
            %dma_start3A_479 = tpu.memref_squeeze %dma_start3A_478 : memref<1x128xi32, #tpu.memory_space<hbm>> -> memref<128xi32, #tpu.memory_space<hbm>>
            tpu.enqueue_dma source(%dma_start3A_479 : memref<128xi32, #tpu.memory_space<hbm>>) target(%arg11 : memref<128xi32, #tpu.memory_space<vmem>>) target_semaphore(%arg29 : memref<!tpu.dma_semaphore, #tpu.memory_space<semaphore_mem>>)
          } else {
          }
          %ge3A_464 = arith.constant 5000 : i32
          %ge3A_465 = arith.cmpi sge, %add3A_448, %ge3A_464 : i32
          %convert_element_type3A_466 = arith.extui %ge3A_465 : i1 to i32
          %cond3A_467 = arith.constant 0 : i32
          %cond3A_468 = arith.cmpi ne, %convert_element_type3A_466, %cond3A_467 : i32
          scf.if %cond3A_468 {
            %dma_start3A_469 = arith.constant 0 : i32
            %dma_start3A_470 = arith.constant 0 : i32
            %dma_start3A_471 = tpu.memref_slice %arg4[%dma_start3A_469, %dma_start3A_470] : memref<2x320000xi32, #tpu.memory_space<hbm>> -> memref<1x128xi32, #tpu.memory_space<hbm>>
            %dma_start3A_472 = tpu.memref_squeeze %dma_start3A_471 : memref<1x128xi32, #tpu.memory_space<hbm>> -> memref<128xi32, #tpu.memory_space<hbm>>
            %dma_start3A_473 = arith.constant 0 : i32
            %dma_start3A_474 = tpu.memref_slice %arg4[%dma_start3A_469, %dma_start3A_473] : memref<2x320000xi32, #tpu.memory_space<hbm>> -> memref<1x128xi32, #tpu.memory_space<hbm>>
            %dma_start3A_475 = tpu.memref_squeeze %dma_start3A_474 : memref<1x128xi32, #tpu.memory_space<hbm>> -> memref<128xi32, #tpu.memory_space<hbm>>
            tpu.enqueue_dma source(%dma_start3A_475 : memref<128xi32, #tpu.memory_space<hbm>>) target(%arg10 : memref<128xi32, #tpu.memory_space<vmem>>) target_semaphore(%arg29 : memref<!tpu.dma_semaphore, #tpu.memory_space<semaphore_mem>>)
            %dma_start3A_476 = arith.constant 1 : i32
            %dma_start3A_477 = arith.constant 0 : i32
            %dma_start3A_478 = tpu.memref_slice %arg4[%dma_start3A_476, %dma_start3A_477] : memref<2x320000xi32, #tpu.memory_space<hbm>> -> memref<1x128xi32, #tpu.memory_space<hbm>>
            %dma_start3A_479 = tpu.memref_squeeze %dma_start3A_478 : memref<1x128xi32, #tpu.memory_space<hbm>> -> memref<128xi32, #tpu.memory_space<hbm>>
            %dma_start3A_480 = arith.constant 0 : i32
            %dma_start3A_481 = tpu.memref_slice %arg4[%dma_start3A_476, %dma_start3A_480] : memref<2x320000xi32, #tpu.memory_space<hbm>> -> memref<1x128xi32, #tpu.memory_space<hbm>>
            %dma_start3A_482 = tpu.memref_squeeze %dma_start3A_481 : memref<1x128xi32, #tpu.memory_space<hbm>> -> memref<128xi32, #tpu.memory_space<hbm>>
            tpu.enqueue_dma source(%dma_start3A_482 : memref<128xi32, #tpu.memory_space<hbm>>) target(%arg11 : memref<128xi32, #tpu.memory_space<vmem>>) target_semaphore(%arg29 : memref<!tpu.dma_semaphore, #tpu.memory_space<semaphore_mem>>)
          } else {
          }
        } else {
        }
        %mul3A_207 = arith.constant 32 : i32
        %mul3A_208 = arith.muli %mul3A_207, %add3A_172 : i32
        %add3A_209 = arith.addi %add3A, %mul3A_208 : i32
        %ge3A_210 = arith.constant 3 : i32
        %ge3A_211 = arith.cmpi sge, %add3A_172, %ge3A_210 : i32
        %convert_element_type3A_212 = arith.extui %ge3A_211 : i1 to i32
        %cond3A_213 = arith.constant 0 : i32
        %cond3A_214 = arith.cmpi ne, %convert_element_type3A_212, %cond3A_213 : i32
        scf.if %cond3A_214 {
          %dma_wait3A_444 = arith.constant 0 : i32
          %dma_wait3A_445 = tpu.memref_slice %arg27[%dma_wait3A_444] : memref<262272xf32, #tpu.memory_space<vmem_shared>> -> memref<262272xf32, #tpu.memory_space<vmem_shared>>
          tpu.wait_indirect_dma semaphore(%arg38 : memref<!tpu.dma_semaphore, #tpu.memory_space<semaphore_mem>>) src(%arg26 : memref<128xf32, #tpu.memory_space<vmem>>) dst(%dma_wait3A_445 : memref<262272xf32, #tpu.memory_space<vmem_shared>>)
          %dma_wait3A_446 = arith.constant 0 : i32
          %dma_wait3A_447 = tpu.memref_slice %arg6[%dma_wait3A_446] : memref<643072xf32, #tpu.memory_space<hbm>> -> memref<128xf32, #tpu.memory_space<hbm>>
          %dma_wait3A_448 = arith.constant 0 : i32
          %dma_wait3A_449 = tpu.memref_slice %arg6[%dma_wait3A_448] : memref<643072xf32, #tpu.memory_space<hbm>> -> memref<128xf32, #tpu.memory_space<hbm>>
          tpu.wait_dma2 semaphore(%arg41 : memref<!tpu.dma_semaphore, #tpu.memory_space<semaphore_mem>>) src(%arg21 : memref<128xf32, #tpu.memory_space<vmem>>) dst(%dma_wait3A_449 : memref<128xf32, #tpu.memory_space<hbm>>)
        } else {
        }
        %scan3A_215 = arith.constant 0 : i32
        %scan3A_216 = arith.constant 0 : i32
        %scan3A_217 = arith.constant 8 : i32
        %scan3A_218 = arith.addi %scan3A_216, %scan3A_217 : i32
        %scan3A_219 = arith.constant 1 : i32
        scf.for %scan3A_444 = %scan3A_216 to %scan3A_218 step %scan3A_219  : i32 {
          %mul3A_445 = arith.constant 16 : i32
          %mul3A_446 = arith.muli %scan3A_444, %mul3A_445 : i32
          %add3A_447 = vector.broadcast %mul3A_446 : i32 to vector<16xi32>
          %add3A_448 = arith.addi %add3A_447, %iota3A : vector<16xi32>
          %broadcast_in_dim3A_449 = arith.constant 0.000000e+00 : f32
          %broadcast_in_dim3A_450 = vector.broadcast %broadcast_in_dim3A_449 : f32 to vector<16xf32>
          %parallel_loop3A = arith.constant 0 : i32
          %parallel_loop3A_451 = arith.constant 32 : i32
          %parallel_loop3A_452 = arith.constant 1 : i32
          %parallel_loop3A_453:4 = scf.for %parallel_loop3A_461 = %parallel_loop3A to %parallel_loop3A_451 step %parallel_loop3A_452 iter_args(%parallel_loop3A_462 = %broadcast_in_dim3A_450, %parallel_loop3A_463 = %broadcast_in_dim3A_450, %parallel_loop3A_464 = %broadcast_in_dim3A_450, %parallel_loop3A_465 = %broadcast_in_dim3A_450) -> (vector<16xf32>, vector<16xf32>, vector<16xf32>, vector<16xf32>)  : i32 {
            %parallel_loop3A_466 = arith.constant 4 : i32
            %parallel_loop3A_467 = arith.muli %parallel_loop3A_461, %parallel_loop3A_466 : i32
            %parallel_loop3A_468 = arith.constant 0 : i32
            %parallel_loop3A_469 = arith.addi %parallel_loop3A_467, %parallel_loop3A_468 : i32
            %parallel_loop3A_470 = vector.broadcast %parallel_loop3A_469 : i32 to vector<16xi32>
            %parallel_loop3A_471 = arith.addi %iota3A, %parallel_loop3A_470 : vector<16xi32>
            %parallel_loop3A_472 = arith.constant 127 : i32
            %parallel_loop3A_473 = vector.broadcast %parallel_loop3A_472 : i32 to vector<16xi32>
            %parallel_loop3A_474 = arith.andi %parallel_loop3A_471, %parallel_loop3A_473 : vector<16xi32>
            %parallel_loop3A_475 = tpu.vector_load_idx %arg16[%add3A_448, %parallel_loop3A_474] : memref<128x128xf32, #tpu.memory_space<vmem>>[vector<16xi32>, vector<16xi32>], vector<16xf32>,
            %parallel_loop3A_476 = tpu.vector_load_idx %arg17[%add3A_448, %parallel_loop3A_474] : memref<128x128xf32, #tpu.memory_space<vmem>>[vector<16xi32>, vector<16xi32>], vector<16xf32>,
            %parallel_loop3A_477 = arith.mulf %parallel_loop3A_475, %parallel_loop3A_476 : vector<16xf32>
            %parallel_loop3A_478 = arith.addf %parallel_loop3A_462, %parallel_loop3A_477 : vector<16xf32>
            %parallel_loop3A_479 = arith.constant 4 : i32
            %parallel_loop3A_480 = arith.muli %parallel_loop3A_461, %parallel_loop3A_479 : i32
            %parallel_loop3A_481 = arith.constant 1 : i32
            %parallel_loop3A_482 = arith.addi %parallel_loop3A_480, %parallel_loop3A_481 : i32
            %parallel_loop3A_483 = vector.broadcast %parallel_loop3A_482 : i32 to vector<16xi32>
            %parallel_loop3A_484 = arith.addi %iota3A, %parallel_loop3A_483 : vector<16xi32>
            %parallel_loop3A_485 = arith.constant 127 : i32
            %parallel_loop3A_486 = vector.broadcast %parallel_loop3A_485 : i32 to vector<16xi32>
            %parallel_loop3A_487 = arith.andi %parallel_loop3A_484, %parallel_loop3A_486 : vector<16xi32>
            %parallel_loop3A_488 = tpu.vector_load_idx %arg16[%add3A_448, %parallel_loop3A_487] : memref<128x128xf32, #tpu.memory_space<vmem>>[vector<16xi32>, vector<16xi32>], vector<16xf32>,
            %parallel_loop3A_489 = tpu.vector_load_idx %arg17[%add3A_448, %parallel_loop3A_487] : memref<128x128xf32, #tpu.memory_space<vmem>>[vector<16xi32>, vector<16xi32>], vector<16xf32>,
            %parallel_loop3A_490 = arith.mulf %parallel_loop3A_488, %parallel_loop3A_489 : vector<16xf32>
            %parallel_loop3A_491 = arith.addf %parallel_loop3A_463, %parallel_loop3A_490 : vector<16xf32>
            %parallel_loop3A_492 = arith.constant 4 : i32
            %parallel_loop3A_493 = arith.muli %parallel_loop3A_461, %parallel_loop3A_492 : i32
            %parallel_loop3A_494 = arith.constant 2 : i32
            %parallel_loop3A_495 = arith.addi %parallel_loop3A_493, %parallel_loop3A_494 : i32
            %parallel_loop3A_496 = vector.broadcast %parallel_loop3A_495 : i32 to vector<16xi32>
            %parallel_loop3A_497 = arith.addi %iota3A, %parallel_loop3A_496 : vector<16xi32>
            %parallel_loop3A_498 = arith.constant 127 : i32
            %parallel_loop3A_499 = vector.broadcast %parallel_loop3A_498 : i32 to vector<16xi32>
            %parallel_loop3A_500 = arith.andi %parallel_loop3A_497, %parallel_loop3A_499 : vector<16xi32>
            %parallel_loop3A_501 = tpu.vector_load_idx %arg16[%add3A_448, %parallel_loop3A_500] : memref<128x128xf32, #tpu.memory_space<vmem>>[vector<16xi32>, vector<16xi32>], vector<16xf32>,
            %parallel_loop3A_502 = tpu.vector_load_idx %arg17[%add3A_448, %parallel_loop3A_500] : memref<128x128xf32, #tpu.memory_space<vmem>>[vector<16xi32>, vector<16xi32>], vector<16xf32>,
            %parallel_loop3A_503 = arith.mulf %parallel_loop3A_501, %parallel_loop3A_502 : vector<16xf32>
            %parallel_loop3A_504 = arith.addf %parallel_loop3A_464, %parallel_loop3A_503 : vector<16xf32>
            %parallel_loop3A_505 = arith.constant 4 : i32
            %parallel_loop3A_506 = arith.muli %parallel_loop3A_461, %parallel_loop3A_505 : i32
            %parallel_loop3A_507 = arith.constant 3 : i32
            %parallel_loop3A_508 = arith.addi %parallel_loop3A_506, %parallel_loop3A_507 : i32
            %parallel_loop3A_509 = vector.broadcast %parallel_loop3A_508 : i32 to vector<16xi32>
            %parallel_loop3A_510 = arith.addi %iota3A, %parallel_loop3A_509 : vector<16xi32>
            %parallel_loop3A_511 = arith.constant 127 : i32
            %parallel_loop3A_512 = vector.broadcast %parallel_loop3A_511 : i32 to vector<16xi32>
            %parallel_loop3A_513 = arith.andi %parallel_loop3A_510, %parallel_loop3A_512 : vector<16xi32>
            %parallel_loop3A_514 = tpu.vector_load_idx %arg16[%add3A_448, %parallel_loop3A_513] : memref<128x128xf32, #tpu.memory_space<vmem>>[vector<16xi32>, vector<16xi32>], vector<16xf32>,
            %parallel_loop3A_515 = tpu.vector_load_idx %arg17[%add3A_448, %parallel_loop3A_513] : memref<128x128xf32, #tpu.memory_space<vmem>>[vector<16xi32>, vector<16xi32>], vector<16xf32>,
            %parallel_loop3A_516 = arith.mulf %parallel_loop3A_514, %parallel_loop3A_515 : vector<16xf32>
            %parallel_loop3A_517 = arith.addf %parallel_loop3A_465, %parallel_loop3A_516 : vector<16xf32>
            scf.yield %parallel_loop3A_478, %parallel_loop3A_491, %parallel_loop3A_504, %parallel_loop3A_517 : vector<16xf32>, vector<16xf32>, vector<16xf32>, vector<16xf32>
          } {sc.loop_unroll_factor = 8 : i64, sc.parallel_access}
          %add3A_454 = arith.addf %parallel_loop3A_453#0, %parallel_loop3A_453#1 : vector<16xf32>
          %add3A_455 = arith.addf %parallel_loop3A_453#2, %parallel_loop3A_453#3 : vector<16xf32>
          %add3A_456 = arith.addf %add3A_454, %add3A_455 : vector<16xf32>
          %mul3A_457 = arith.constant 16 : i32
          %mul3A_458 = arith.muli %scan3A_444, %mul3A_457 : i32
          %swap3A_459 = arith.index_cast %mul3A_458 : i32 to index
          %swap3A_460 = tpu.vector_load %arg21[%swap3A_459] {strides = array<i32>} : memref<128xf32, #tpu.memory_space<vmem>>, vector<16xf32>,
          tpu.vector_store %arg21[%swap3A_459], %add3A_456 {strides = array<i32>} : memref<128xf32, #tpu.memory_space<vmem>>, vector<16xf32>,
        }
        %scan3A_220 = arith.constant 8 : i32
        %lt3A_221 = arith.constant 2500 : i32
        %lt3A_222 = arith.cmpi slt, %add3A_209, %lt3A_221 : i32
        %jit3A = arith.constant 0 : i32
        %jit3A_223 = arith.constant 131072 : i32
        %select_n3A = arith.select %lt3A_222, %jit3A, %jit3A_223 : i32
        %ge3A_224 = arith.constant 5000 : i32
        %ge3A_225 = arith.cmpi sge, %add3A_209, %ge3A_224 : i32
        %get3A = arith.constant 0 : index
        %get3A_226 = tpu.vector_load %arg21[%get3A] {strides = array<i32>} : memref<128xf32, #tpu.memory_space<vmem>>, vector<16xf32>,
        %bitcast3A = vector.bitcast %get3A_226 : vector<16xf32> to vector<16xi32>
        %lt3A_227 = arith.constant 0 : i32
        %lt3A_228 = vector.broadcast %lt3A_227 : i32 to vector<16xi32>
        %lt3A_229 = arith.cmpi slt, %bitcast3A, %lt3A_228 : vector<16xi32>
        %xor3A = arith.constant 2147483647 : i32
        %xor3A_230 = vector.broadcast %xor3A : i32 to vector<16xi32>
        %xor3A_231 = arith.xori %bitcast3A, %xor3A_230 : vector<16xi32>
        %select_n3A_232 = arith.select %lt3A_229, %xor3A_231, %bitcast3A : vector<16xi1>, vector<16xi32>
        %shift_right_arithmetic3A = arith.constant 15 : i32
        %shift_right_arithmetic3A_233 = vector.broadcast %shift_right_arithmetic3A : i32 to vector<16xi32>
        %shift_right_arithmetic3A_234 = arith.shrsi %select_n3A_232, %shift_right_arithmetic3A_233 : vector<16xi32>
        %add3A_235 = arith.constant 65536 : i32
        %add3A_236 = vector.broadcast %add3A_235 : i32 to vector<16xi32>
        %add3A_237 = arith.addi %shift_right_arithmetic3A_234, %add3A_236 : vector<16xi32>
        %and3A_238 = arith.constant 127 : i32
        %and3A_239 = vector.broadcast %and3A_238 : i32 to vector<16xi32>
        %and3A_240 = arith.andi %add3A_237, %and3A_239 : vector<16xi32>
        %add3A_241 = arith.constant 262144 : i32
        %add3A_242 = vector.broadcast %add3A_241 : i32 to vector<16xi32>
        %add3A_243 = arith.addi %add3A_242, %and3A_240 : vector<16xi32>
        %add3A_244 = vector.broadcast %select_n3A : i32 to vector<16xi32>
        %add3A_245 = arith.addi %add3A_237, %add3A_244 : vector<16xi32>
        %select_n3A_246 = arith.select %ge3A_225, %add3A_243, %add3A_245 : vector<16xi32>
        %swap3A_247 = arith.constant 0 : index
        %swap3A_248 = tpu.vector_load %arg24[%swap3A_247] {strides = array<i32>} : memref<128xi32, #tpu.memory_space<vmem>>, vector<16xi32>,
        tpu.vector_store %arg24[%swap3A_247], %select_n3A_246 {strides = array<i32>} : memref<128xi32, #tpu.memory_space<vmem>>, vector<16xi32>,
        %get3A_249 = arith.constant 16 : index
        %get3A_250 = tpu.vector_load %arg21[%get3A_249] {strides = array<i32>} : memref<128xf32, #tpu.memory_space<vmem>>, vector<16xf32>,
        %bitcast3A_251 = vector.bitcast %get3A_250 : vector<16xf32> to vector<16xi32>
        %lt3A_252 = arith.constant 0 : i32
        %lt3A_253 = vector.broadcast %lt3A_252 : i32 to vector<16xi32>
        %lt3A_254 = arith.cmpi slt, %bitcast3A_251, %lt3A_253 : vector<16xi32>
        %xor3A_255 = arith.constant 2147483647 : i32
        %xor3A_256 = vector.broadcast %xor3A_255 : i32 to vector<16xi32>
        %xor3A_257 = arith.xori %bitcast3A_251, %xor3A_256 : vector<16xi32>
        %select_n3A_258 = arith.select %lt3A_254, %xor3A_257, %bitcast3A_251 : vector<16xi1>, vector<16xi32>
        %shift_right_arithmetic3A_259 = arith.constant 15 : i32
        %shift_right_arithmetic3A_260 = vector.broadcast %shift_right_arithmetic3A_259 : i32 to vector<16xi32>
        %shift_right_arithmetic3A_261 = arith.shrsi %select_n3A_258, %shift_right_arithmetic3A_260 : vector<16xi32>
        %add3A_262 = arith.constant 65536 : i32
        %add3A_263 = vector.broadcast %add3A_262 : i32 to vector<16xi32>
        %add3A_264 = arith.addi %shift_right_arithmetic3A_261, %add3A_263 : vector<16xi32>
        %and3A_265 = arith.constant 127 : i32
        %and3A_266 = vector.broadcast %and3A_265 : i32 to vector<16xi32>
        %and3A_267 = arith.andi %add3A_264, %and3A_266 : vector<16xi32>
        %add3A_268 = arith.constant 262144 : i32
        %add3A_269 = vector.broadcast %add3A_268 : i32 to vector<16xi32>
        %add3A_270 = arith.addi %add3A_269, %and3A_267 : vector<16xi32>
        %add3A_271 = vector.broadcast %select_n3A : i32 to vector<16xi32>
        %add3A_272 = arith.addi %add3A_264, %add3A_271 : vector<16xi32>
        %select_n3A_273 = arith.select %ge3A_225, %add3A_270, %add3A_272 : vector<16xi32>
        %swap3A_274 = arith.constant 16 : index
        %swap3A_275 = tpu.vector_load %arg24[%swap3A_274] {strides = array<i32>} : memref<128xi32, #tpu.memory_space<vmem>>, vector<16xi32>,
        tpu.vector_store %arg24[%swap3A_274], %select_n3A_273 {strides = array<i32>} : memref<128xi32, #tpu.memory_space<vmem>>, vector<16xi32>,
        %get3A_276 = arith.constant 32 : index
        %get3A_277 = tpu.vector_load %arg21[%get3A_276] {strides = array<i32>} : memref<128xf32, #tpu.memory_space<vmem>>, vector<16xf32>,
        %bitcast3A_278 = vector.bitcast %get3A_277 : vector<16xf32> to vector<16xi32>
        %lt3A_279 = arith.constant 0 : i32
        %lt3A_280 = vector.broadcast %lt3A_279 : i32 to vector<16xi32>
        %lt3A_281 = arith.cmpi slt, %bitcast3A_278, %lt3A_280 : vector<16xi32>
        %xor3A_282 = arith.constant 2147483647 : i32
        %xor3A_283 = vector.broadcast %xor3A_282 : i32 to vector<16xi32>
        %xor3A_284 = arith.xori %bitcast3A_278, %xor3A_283 : vector<16xi32>
        %select_n3A_285 = arith.select %lt3A_281, %xor3A_284, %bitcast3A_278 : vector<16xi1>, vector<16xi32>
        %shift_right_arithmetic3A_286 = arith.constant 15 : i32
        %shift_right_arithmetic3A_287 = vector.broadcast %shift_right_arithmetic3A_286 : i32 to vector<16xi32>
        %shift_right_arithmetic3A_288 = arith.shrsi %select_n3A_285, %shift_right_arithmetic3A_287 : vector<16xi32>
        %add3A_289 = arith.constant 65536 : i32
        %add3A_290 = vector.broadcast %add3A_289 : i32 to vector<16xi32>
        %add3A_291 = arith.addi %shift_right_arithmetic3A_288, %add3A_290 : vector<16xi32>
        %and3A_292 = arith.constant 127 : i32
        %and3A_293 = vector.broadcast %and3A_292 : i32 to vector<16xi32>
        %and3A_294 = arith.andi %add3A_291, %and3A_293 : vector<16xi32>
        %add3A_295 = arith.constant 262144 : i32
        %add3A_296 = vector.broadcast %add3A_295 : i32 to vector<16xi32>
        %add3A_297 = arith.addi %add3A_296, %and3A_294 : vector<16xi32>
        %add3A_298 = vector.broadcast %select_n3A : i32 to vector<16xi32>
        %add3A_299 = arith.addi %add3A_291, %add3A_298 : vector<16xi32>
        %select_n3A_300 = arith.select %ge3A_225, %add3A_297, %add3A_299 : vector<16xi32>
        %swap3A_301 = arith.constant 32 : index
        %swap3A_302 = tpu.vector_load %arg24[%swap3A_301] {strides = array<i32>} : memref<128xi32, #tpu.memory_space<vmem>>, vector<16xi32>,
        tpu.vector_store %arg24[%swap3A_301], %select_n3A_300 {strides = array<i32>} : memref<128xi32, #tpu.memory_space<vmem>>, vector<16xi32>,
        %get3A_303 = arith.constant 48 : index
        %get3A_304 = tpu.vector_load %arg21[%get3A_303] {strides = array<i32>} : memref<128xf32, #tpu.memory_space<vmem>>, vector<16xf32>,
        %bitcast3A_305 = vector.bitcast %get3A_304 : vector<16xf32> to vector<16xi32>
        %lt3A_306 = arith.constant 0 : i32
        %lt3A_307 = vector.broadcast %lt3A_306 : i32 to vector<16xi32>
        %lt3A_308 = arith.cmpi slt, %bitcast3A_305, %lt3A_307 : vector<16xi32>
        %xor3A_309 = arith.constant 2147483647 : i32
        %xor3A_310 = vector.broadcast %xor3A_309 : i32 to vector<16xi32>
        %xor3A_311 = arith.xori %bitcast3A_305, %xor3A_310 : vector<16xi32>
        %select_n3A_312 = arith.select %lt3A_308, %xor3A_311, %bitcast3A_305 : vector<16xi1>, vector<16xi32>
        %shift_right_arithmetic3A_313 = arith.constant 15 : i32
        %shift_right_arithmetic3A_314 = vector.broadcast %shift_right_arithmetic3A_313 : i32 to vector<16xi32>
        %shift_right_arithmetic3A_315 = arith.shrsi %select_n3A_312, %shift_right_arithmetic3A_314 : vector<16xi32>
        %add3A_316 = arith.constant 65536 : i32
        %add3A_317 = vector.broadcast %add3A_316 : i32 to vector<16xi32>
        %add3A_318 = arith.addi %shift_right_arithmetic3A_315, %add3A_317 : vector<16xi32>
        %and3A_319 = arith.constant 127 : i32
        %and3A_320 = vector.broadcast %and3A_319 : i32 to vector<16xi32>
        %and3A_321 = arith.andi %add3A_318, %and3A_320 : vector<16xi32>
        %add3A_322 = arith.constant 262144 : i32
        %add3A_323 = vector.broadcast %add3A_322 : i32 to vector<16xi32>
        %add3A_324 = arith.addi %add3A_323, %and3A_321 : vector<16xi32>
        %add3A_325 = vector.broadcast %select_n3A : i32 to vector<16xi32>
        %add3A_326 = arith.addi %add3A_318, %add3A_325 : vector<16xi32>
        %select_n3A_327 = arith.select %ge3A_225, %add3A_324, %add3A_326 : vector<16xi32>
        %swap3A_328 = arith.constant 48 : index
        %swap3A_329 = tpu.vector_load %arg24[%swap3A_328] {strides = array<i32>} : memref<128xi32, #tpu.memory_space<vmem>>, vector<16xi32>,
        tpu.vector_store %arg24[%swap3A_328], %select_n3A_327 {strides = array<i32>} : memref<128xi32, #tpu.memory_space<vmem>>, vector<16xi32>,
        %get3A_330 = arith.constant 64 : index
        %get3A_331 = tpu.vector_load %arg21[%get3A_330] {strides = array<i32>} : memref<128xf32, #tpu.memory_space<vmem>>, vector<16xf32>,
        %bitcast3A_332 = vector.bitcast %get3A_331 : vector<16xf32> to vector<16xi32>
        %lt3A_333 = arith.constant 0 : i32
        %lt3A_334 = vector.broadcast %lt3A_333 : i32 to vector<16xi32>
        %lt3A_335 = arith.cmpi slt, %bitcast3A_332, %lt3A_334 : vector<16xi32>
        %xor3A_336 = arith.constant 2147483647 : i32
        %xor3A_337 = vector.broadcast %xor3A_336 : i32 to vector<16xi32>
        %xor3A_338 = arith.xori %bitcast3A_332, %xor3A_337 : vector<16xi32>
        %select_n3A_339 = arith.select %lt3A_335, %xor3A_338, %bitcast3A_332 : vector<16xi1>, vector<16xi32>
        %shift_right_arithmetic3A_340 = arith.constant 15 : i32
        %shift_right_arithmetic3A_341 = vector.broadcast %shift_right_arithmetic3A_340 : i32 to vector<16xi32>
        %shift_right_arithmetic3A_342 = arith.shrsi %select_n3A_339, %shift_right_arithmetic3A_341 : vector<16xi32>
        %add3A_343 = arith.constant 65536 : i32
        %add3A_344 = vector.broadcast %add3A_343 : i32 to vector<16xi32>
        %add3A_345 = arith.addi %shift_right_arithmetic3A_342, %add3A_344 : vector<16xi32>
        %and3A_346 = arith.constant 127 : i32
        %and3A_347 = vector.broadcast %and3A_346 : i32 to vector<16xi32>
        %and3A_348 = arith.andi %add3A_345, %and3A_347 : vector<16xi32>
        %add3A_349 = arith.constant 262144 : i32
        %add3A_350 = vector.broadcast %add3A_349 : i32 to vector<16xi32>
        %add3A_351 = arith.addi %add3A_350, %and3A_348 : vector<16xi32>
        %add3A_352 = vector.broadcast %select_n3A : i32 to vector<16xi32>
        %add3A_353 = arith.addi %add3A_345, %add3A_352 : vector<16xi32>
        %select_n3A_354 = arith.select %ge3A_225, %add3A_351, %add3A_353 : vector<16xi32>
        %swap3A_355 = arith.constant 64 : index
        %swap3A_356 = tpu.vector_load %arg24[%swap3A_355] {strides = array<i32>} : memref<128xi32, #tpu.memory_space<vmem>>, vector<16xi32>,
        tpu.vector_store %arg24[%swap3A_355], %select_n3A_354 {strides = array<i32>} : memref<128xi32, #tpu.memory_space<vmem>>, vector<16xi32>,
        %get3A_357 = arith.constant 80 : index
        %get3A_358 = tpu.vector_load %arg21[%get3A_357] {strides = array<i32>} : memref<128xf32, #tpu.memory_space<vmem>>, vector<16xf32>,
        %bitcast3A_359 = vector.bitcast %get3A_358 : vector<16xf32> to vector<16xi32>
        %lt3A_360 = arith.constant 0 : i32
        %lt3A_361 = vector.broadcast %lt3A_360 : i32 to vector<16xi32>
        %lt3A_362 = arith.cmpi slt, %bitcast3A_359, %lt3A_361 : vector<16xi32>
        %xor3A_363 = arith.constant 2147483647 : i32
        %xor3A_364 = vector.broadcast %xor3A_363 : i32 to vector<16xi32>
        %xor3A_365 = arith.xori %bitcast3A_359, %xor3A_364 : vector<16xi32>
        %select_n3A_366 = arith.select %lt3A_362, %xor3A_365, %bitcast3A_359 : vector<16xi1>, vector<16xi32>
        %shift_right_arithmetic3A_367 = arith.constant 15 : i32
        %shift_right_arithmetic3A_368 = vector.broadcast %shift_right_arithmetic3A_367 : i32 to vector<16xi32>
        %shift_right_arithmetic3A_369 = arith.shrsi %select_n3A_366, %shift_right_arithmetic3A_368 : vector<16xi32>
        %add3A_370 = arith.constant 65536 : i32
        %add3A_371 = vector.broadcast %add3A_370 : i32 to vector<16xi32>
        %add3A_372 = arith.addi %shift_right_arithmetic3A_369, %add3A_371 : vector<16xi32>
        %and3A_373 = arith.constant 127 : i32
        %and3A_374 = vector.broadcast %and3A_373 : i32 to vector<16xi32>
        %and3A_375 = arith.andi %add3A_372, %and3A_374 : vector<16xi32>
        %add3A_376 = arith.constant 262144 : i32
        %add3A_377 = vector.broadcast %add3A_376 : i32 to vector<16xi32>
        %add3A_378 = arith.addi %add3A_377, %and3A_375 : vector<16xi32>
        %add3A_379 = vector.broadcast %select_n3A : i32 to vector<16xi32>
        %add3A_380 = arith.addi %add3A_372, %add3A_379 : vector<16xi32>
        %select_n3A_381 = arith.select %ge3A_225, %add3A_378, %add3A_380 : vector<16xi32>
        %swap3A_382 = arith.constant 80 : index
        %swap3A_383 = tpu.vector_load %arg24[%swap3A_382] {strides = array<i32>} : memref<128xi32, #tpu.memory_space<vmem>>, vector<16xi32>,
        tpu.vector_store %arg24[%swap3A_382], %select_n3A_381 {strides = array<i32>} : memref<128xi32, #tpu.memory_space<vmem>>, vector<16xi32>,
        %get3A_384 = arith.constant 96 : index
        %get3A_385 = tpu.vector_load %arg21[%get3A_384] {strides = array<i32>} : memref<128xf32, #tpu.memory_space<vmem>>, vector<16xf32>,
        %bitcast3A_386 = vector.bitcast %get3A_385 : vector<16xf32> to vector<16xi32>
        %lt3A_387 = arith.constant 0 : i32
        %lt3A_388 = vector.broadcast %lt3A_387 : i32 to vector<16xi32>
        %lt3A_389 = arith.cmpi slt, %bitcast3A_386, %lt3A_388 : vector<16xi32>
        %xor3A_390 = arith.constant 2147483647 : i32
        %xor3A_391 = vector.broadcast %xor3A_390 : i32 to vector<16xi32>
        %xor3A_392 = arith.xori %bitcast3A_386, %xor3A_391 : vector<16xi32>
        %select_n3A_393 = arith.select %lt3A_389, %xor3A_392, %bitcast3A_386 : vector<16xi1>, vector<16xi32>
        %shift_right_arithmetic3A_394 = arith.constant 15 : i32
        %shift_right_arithmetic3A_395 = vector.broadcast %shift_right_arithmetic3A_394 : i32 to vector<16xi32>
        %shift_right_arithmetic3A_396 = arith.shrsi %select_n3A_393, %shift_right_arithmetic3A_395 : vector<16xi32>
        %add3A_397 = arith.constant 65536 : i32
        %add3A_398 = vector.broadcast %add3A_397 : i32 to vector<16xi32>
        %add3A_399 = arith.addi %shift_right_arithmetic3A_396, %add3A_398 : vector<16xi32>
        %and3A_400 = arith.constant 127 : i32
        %and3A_401 = vector.broadcast %and3A_400 : i32 to vector<16xi32>
        %and3A_402 = arith.andi %add3A_399, %and3A_401 : vector<16xi32>
        %add3A_403 = arith.constant 262144 : i32
        %add3A_404 = vector.broadcast %add3A_403 : i32 to vector<16xi32>
        %add3A_405 = arith.addi %add3A_404, %and3A_402 : vector<16xi32>
        %add3A_406 = vector.broadcast %select_n3A : i32 to vector<16xi32>
        %add3A_407 = arith.addi %add3A_399, %add3A_406 : vector<16xi32>
        %select_n3A_408 = arith.select %ge3A_225, %add3A_405, %add3A_407 : vector<16xi32>
        %swap3A_409 = arith.constant 96 : index
        %swap3A_410 = tpu.vector_load %arg24[%swap3A_409] {strides = array<i32>} : memref<128xi32, #tpu.memory_space<vmem>>, vector<16xi32>,
        tpu.vector_store %arg24[%swap3A_409], %select_n3A_408 {strides = array<i32>} : memref<128xi32, #tpu.memory_space<vmem>>, vector<16xi32>,
        %get3A_411 = arith.constant 112 : index
        %get3A_412 = tpu.vector_load %arg21[%get3A_411] {strides = array<i32>} : memref<128xf32, #tpu.memory_space<vmem>>, vector<16xf32>,
        %bitcast3A_413 = vector.bitcast %get3A_412 : vector<16xf32> to vector<16xi32>
        %lt3A_414 = arith.constant 0 : i32
        %lt3A_415 = vector.broadcast %lt3A_414 : i32 to vector<16xi32>
        %lt3A_416 = arith.cmpi slt, %bitcast3A_413, %lt3A_415 : vector<16xi32>
        %xor3A_417 = arith.constant 2147483647 : i32
        %xor3A_418 = vector.broadcast %xor3A_417 : i32 to vector<16xi32>
        %xor3A_419 = arith.xori %bitcast3A_413, %xor3A_418 : vector<16xi32>
        %select_n3A_420 = arith.select %lt3A_416, %xor3A_419, %bitcast3A_413 : vector<16xi1>, vector<16xi32>
        %shift_right_arithmetic3A_421 = arith.constant 15 : i32
        %shift_right_arithmetic3A_422 = vector.broadcast %shift_right_arithmetic3A_421 : i32 to vector<16xi32>
        %shift_right_arithmetic3A_423 = arith.shrsi %select_n3A_420, %shift_right_arithmetic3A_422 : vector<16xi32>
        %add3A_424 = arith.constant 65536 : i32
        %add3A_425 = vector.broadcast %add3A_424 : i32 to vector<16xi32>
        %add3A_426 = arith.addi %shift_right_arithmetic3A_423, %add3A_425 : vector<16xi32>
        %and3A_427 = arith.constant 127 : i32
        %and3A_428 = vector.broadcast %and3A_427 : i32 to vector<16xi32>
        %and3A_429 = arith.andi %add3A_426, %and3A_428 : vector<16xi32>
        %add3A_430 = arith.constant 262144 : i32
        %add3A_431 = vector.broadcast %add3A_430 : i32 to vector<16xi32>
        %add3A_432 = arith.addi %add3A_431, %and3A_429 : vector<16xi32>
        %add3A_433 = vector.broadcast %select_n3A : i32 to vector<16xi32>
        %add3A_434 = arith.addi %add3A_426, %add3A_433 : vector<16xi32>
        %select_n3A_435 = arith.select %ge3A_225, %add3A_432, %add3A_434 : vector<16xi32>
        %swap3A_436 = arith.constant 112 : index
        %swap3A_437 = tpu.vector_load %arg24[%swap3A_436] {strides = array<i32>} : memref<128xi32, #tpu.memory_space<vmem>>, vector<16xi32>,
        tpu.vector_store %arg24[%swap3A_436], %select_n3A_435 {strides = array<i32>} : memref<128xi32, #tpu.memory_space<vmem>>, vector<16xi32>,
        %dma_start3A_438 = arith.constant 0 : i32
        %dma_start3A_439 = tpu.memref_slice %arg27[%dma_start3A_438] : memref<262272xf32, #tpu.memory_space<vmem_shared>> -> memref<262272xf32, #tpu.memory_space<vmem_shared>>
        tpu.enqueue_indirect_dma source(%arg26 : memref<128xf32, #tpu.memory_space<vmem>>) target(%dma_start3A_439 : memref<262272xf32, #tpu.memory_space<vmem_shared>>) offsets(%arg24 : memref<128xi32, #tpu.memory_space<vmem>>) semaphore(%arg38 : memref<!tpu.dma_semaphore, #tpu.memory_space<semaphore_mem>>) {add = true}
        %mul3A_440 = arith.constant 128 : i32
        %mul3A_441 = arith.muli %add3A_209, %mul3A_440 : i32
        %dma_start3A_442 = tpu.memref_slice %arg6[%mul3A_441] : memref<643072xf32, #tpu.memory_space<hbm>> -> memref<128xf32, #tpu.memory_space<hbm>>
        %dma_start3A_443 = tpu.memref_slice %arg6[%mul3A_441] : memref<643072xf32, #tpu.memory_space<hbm>> -> memref<128xf32, #tpu.memory_space<hbm>>
        tpu.enqueue_dma source(%arg21 : memref<128xf32, #tpu.memory_space<vmem>>) target(%dma_start3A_443 : memref<128xf32, #tpu.memory_space<hbm>>) target_semaphore(%arg41 : memref<!tpu.dma_semaphore, #tpu.memory_space<semaphore_mem>>)
      } else {
      }
      %mul3A_178 = arith.constant 3 : i32
      %mul3A_179 = arith.muli %mul3A_178, %scan3A_160 : i32
      %add3A_180 = arith.constant 2 : i32
      %add3A_181 = arith.addi %mul3A_179, %add3A_180 : i32
      %le3A_182 = arith.constant 156 : i32
      %le3A_183 = arith.cmpi sle, %add3A_181, %le3A_182 : i32
      %convert_element_type3A_184 = arith.extui %le3A_183 : i1 to i32
      %cond3A_185 = arith.constant 0 : i32
      %cond3A_186 = arith.cmpi ne, %convert_element_type3A_184, %cond3A_185 : i32
      scf.if %cond3A_186 {
        %add3A_187 = arith.constant 2 : i32
        %add3A_188 = arith.addi %add3A_181, %add3A_187 : i32
        %le3A_189 = arith.constant 156 : i32
        %le3A_190 = arith.cmpi sle, %add3A_188, %le3A_189 : i32
        %convert_element_type3A_191 = arith.extui %le3A_190 : i1 to i32
        %cond3A_192 = arith.constant 0 : i32
        %cond3A_193 = arith.cmpi ne, %convert_element_type3A_191, %cond3A_192 : i32
        scf.if %cond3A_193 {
          %dma_wait3A_444 = arith.constant 0 : i32
          %dma_wait3A_445 = arith.constant 0 : i32
          %dma_wait3A_446 = tpu.memref_slice %arg3[%dma_wait3A_444, %dma_wait3A_445] : memref<2x320000xi32, #tpu.memory_space<hbm>> -> memref<1x128xi32, #tpu.memory_space<hbm>>
          %dma_wait3A_447 = tpu.memref_squeeze %dma_wait3A_446 : memref<1x128xi32, #tpu.memory_space<hbm>> -> memref<128xi32, #tpu.memory_space<hbm>>
          %dma_wait3A_448 = arith.constant 0 : i32
          %dma_wait3A_449 = tpu.memref_slice %arg3[%dma_wait3A_444, %dma_wait3A_448] : memref<2x320000xi32, #tpu.memory_space<hbm>> -> memref<1x128xi32, #tpu.memory_space<hbm>>
          %dma_wait3A_450 = tpu.memref_squeeze %dma_wait3A_449 : memref<1x128xi32, #tpu.memory_space<hbm>> -> memref<128xi32, #tpu.memory_space<hbm>>
          tpu.wait_dma2 semaphore(%arg29 : memref<!tpu.dma_semaphore, #tpu.memory_space<semaphore_mem>>) src(%dma_wait3A_450 : memref<128xi32, #tpu.memory_space<hbm>>) dst(%arg10 : memref<128xi32, #tpu.memory_space<vmem>>)
          %dma_wait3A_451 = arith.constant 1 : i32
          %dma_wait3A_452 = arith.constant 0 : i32
          %dma_wait3A_453 = tpu.memref_slice %arg3[%dma_wait3A_451, %dma_wait3A_452] : memref<2x320000xi32, #tpu.memory_space<hbm>> -> memref<1x128xi32, #tpu.memory_space<hbm>>
          %dma_wait3A_454 = tpu.memref_squeeze %dma_wait3A_453 : memref<1x128xi32, #tpu.memory_space<hbm>> -> memref<128xi32, #tpu.memory_space<hbm>>
          %dma_wait3A_455 = arith.constant 0 : i32
          %dma_wait3A_456 = tpu.memref_slice %arg3[%dma_wait3A_451, %dma_wait3A_455] : memref<2x320000xi32, #tpu.memory_space<hbm>> -> memref<1x128xi32, #tpu.memory_space<hbm>>
          %dma_wait3A_457 = tpu.memref_squeeze %dma_wait3A_456 : memref<1x128xi32, #tpu.memory_space<hbm>> -> memref<128xi32, #tpu.memory_space<hbm>>
          tpu.wait_dma2 semaphore(%arg29 : memref<!tpu.dma_semaphore, #tpu.memory_space<semaphore_mem>>) src(%dma_wait3A_457 : memref<128xi32, #tpu.memory_space<hbm>>) dst(%arg11 : memref<128xi32, #tpu.memory_space<vmem>>)
          %dma_start3A_458 = arith.constant 0 : i32
          %dma_start3A_459 = arith.constant 0 : i32
          %dma_start3A_460 = tpu.memref_slice %arg2[%dma_start3A_458, %dma_start3A_459] : memref<100000x128xf32, #tpu.memory_space<hbm>> -> memref<100000x128xf32, #tpu.memory_space<hbm>>
          tpu.enqueue_indirect_dma source(%dma_start3A_460 : memref<100000x128xf32, #tpu.memory_space<hbm>>) target(%arg16 : memref<128x128xf32, #tpu.memory_space<vmem>>) offsets(%arg10 : memref<128xi32, #tpu.memory_space<vmem>>) semaphore(%arg33 : memref<!tpu.dma_semaphore, #tpu.memory_space<semaphore_mem>>)
          %dma_start3A_461 = arith.constant 0 : i32
          %dma_start3A_462 = arith.constant 0 : i32
          %dma_start3A_463 = tpu.memref_slice %arg2[%dma_start3A_461, %dma_start3A_462] : memref<100000x128xf32, #tpu.memory_space<hbm>> -> memref<100000x128xf32, #tpu.memory_space<hbm>>
          tpu.enqueue_indirect_dma source(%dma_start3A_463 : memref<100000x128xf32, #tpu.memory_space<hbm>>) target(%arg17 : memref<128x128xf32, #tpu.memory_space<vmem>>) offsets(%arg11 : memref<128xi32, #tpu.memory_space<vmem>>) semaphore(%arg34 : memref<!tpu.dma_semaphore, #tpu.memory_space<semaphore_mem>>)
        } else {
        }
        %dma_wait3A_194 = arith.constant 0 : i32
        %dma_wait3A_195 = arith.constant 0 : i32
        %dma_wait3A_196 = tpu.memref_slice %arg2[%dma_wait3A_194, %dma_wait3A_195] : memref<100000x128xf32, #tpu.memory_space<hbm>> -> memref<100000x128xf32, #tpu.memory_space<hbm>>
        tpu.wait_indirect_dma semaphore(%arg35 : memref<!tpu.dma_semaphore, #tpu.memory_space<semaphore_mem>>) src(%dma_wait3A_196 : memref<100000x128xf32, #tpu.memory_space<hbm>>) dst(%arg18 : memref<128x128xf32, #tpu.memory_space<vmem>>)
        %dma_wait3A_197 = arith.constant 0 : i32
        %dma_wait3A_198 = arith.constant 0 : i32
        %dma_wait3A_199 = tpu.memref_slice %arg2[%dma_wait3A_197, %dma_wait3A_198] : memref<100000x128xf32, #tpu.memory_space<hbm>> -> memref<100000x128xf32, #tpu.memory_space<hbm>>
        tpu.wait_indirect_dma semaphore(%arg36 : memref<!tpu.dma_semaphore, #tpu.memory_space<semaphore_mem>>) src(%dma_wait3A_199 : memref<100000x128xf32, #tpu.memory_space<hbm>>) dst(%arg19 : memref<128x128xf32, #tpu.memory_space<vmem>>)
        %add3A_200 = arith.constant 3 : i32
        %add3A_201 = arith.addi %add3A_181, %add3A_200 : i32
        %le3A_202 = arith.constant 156 : i32
        %le3A_203 = arith.cmpi sle, %add3A_201, %le3A_202 : i32
        %convert_element_type3A_204 = arith.extui %le3A_203 : i1 to i32
        %cond3A_205 = arith.constant 0 : i32
        %cond3A_206 = arith.cmpi ne, %convert_element_type3A_204, %cond3A_205 : i32
        scf.if %cond3A_206 {
          %add3A_444 = arith.constant 3 : i32
          %add3A_445 = arith.addi %add3A_181, %add3A_444 : i32
          %mul3A_446 = arith.constant 32 : i32
          %mul3A_447 = arith.muli %mul3A_446, %add3A_445 : i32
          %add3A_448 = arith.addi %add3A, %mul3A_447 : i32
          %mul3A_449 = arith.constant 128 : i32
          %mul3A_450 = arith.muli %add3A_448, %mul3A_449 : i32
          %lt3A_451 = arith.constant 2500 : i32
          %lt3A_452 = arith.cmpi slt, %add3A_448, %lt3A_451 : i32
          %convert_element_type3A_453 = arith.extui %lt3A_452 : i1 to i32
          %cond3A_454 = arith.constant 0 : i32
          %cond3A_455 = arith.cmpi ne, %convert_element_type3A_453, %cond3A_454 : i32
          scf.if %cond3A_455 {
            %dma_start3A_469 = arith.constant 0 : i32
            %dma_start3A_470 = tpu.memref_slice %arg3[%dma_start3A_469, %mul3A_450] : memref<2x320000xi32, #tpu.memory_space<hbm>> -> memref<1x128xi32, #tpu.memory_space<hbm>>
            %dma_start3A_471 = tpu.memref_squeeze %dma_start3A_470 : memref<1x128xi32, #tpu.memory_space<hbm>> -> memref<128xi32, #tpu.memory_space<hbm>>
            %dma_start3A_472 = tpu.memref_slice %arg3[%dma_start3A_469, %mul3A_450] : memref<2x320000xi32, #tpu.memory_space<hbm>> -> memref<1x128xi32, #tpu.memory_space<hbm>>
            %dma_start3A_473 = tpu.memref_squeeze %dma_start3A_472 : memref<1x128xi32, #tpu.memory_space<hbm>> -> memref<128xi32, #tpu.memory_space<hbm>>
            tpu.enqueue_dma source(%dma_start3A_473 : memref<128xi32, #tpu.memory_space<hbm>>) target(%arg12 : memref<128xi32, #tpu.memory_space<vmem>>) target_semaphore(%arg30 : memref<!tpu.dma_semaphore, #tpu.memory_space<semaphore_mem>>)
            %dma_start3A_474 = arith.constant 1 : i32
            %dma_start3A_475 = tpu.memref_slice %arg3[%dma_start3A_474, %mul3A_450] : memref<2x320000xi32, #tpu.memory_space<hbm>> -> memref<1x128xi32, #tpu.memory_space<hbm>>
            %dma_start3A_476 = tpu.memref_squeeze %dma_start3A_475 : memref<1x128xi32, #tpu.memory_space<hbm>> -> memref<128xi32, #tpu.memory_space<hbm>>
            %dma_start3A_477 = tpu.memref_slice %arg3[%dma_start3A_474, %mul3A_450] : memref<2x320000xi32, #tpu.memory_space<hbm>> -> memref<1x128xi32, #tpu.memory_space<hbm>>
            %dma_start3A_478 = tpu.memref_squeeze %dma_start3A_477 : memref<1x128xi32, #tpu.memory_space<hbm>> -> memref<128xi32, #tpu.memory_space<hbm>>
            tpu.enqueue_dma source(%dma_start3A_478 : memref<128xi32, #tpu.memory_space<hbm>>) target(%arg13 : memref<128xi32, #tpu.memory_space<vmem>>) target_semaphore(%arg30 : memref<!tpu.dma_semaphore, #tpu.memory_space<semaphore_mem>>)
          } else {
          }
          %ge3A_456 = arith.constant 2500 : i32
          %ge3A_457 = arith.cmpi sge, %add3A_448, %ge3A_456 : i32
          %lt3A_458 = arith.constant 5000 : i32
          %lt3A_459 = arith.cmpi slt, %add3A_448, %lt3A_458 : i32
          %and3A_460 = arith.andi %ge3A_457, %lt3A_459 : i1
          %convert_element_type3A_461 = arith.extui %and3A_460 : i1 to i32
          %cond3A_462 = arith.constant 0 : i32
          %cond3A_463 = arith.cmpi ne, %convert_element_type3A_461, %cond3A_462 : i32
          scf.if %cond3A_463 {
            %sub3A = arith.constant 320000 : i32
            %sub3A_469 = arith.subi %mul3A_450, %sub3A : i32
            %dma_start3A_470 = arith.constant 0 : i32
            %dma_start3A_471 = tpu.memref_slice %arg4[%dma_start3A_470, %sub3A_469] : memref<2x320000xi32, #tpu.memory_space<hbm>> -> memref<1x128xi32, #tpu.memory_space<hbm>>
            %dma_start3A_472 = tpu.memref_squeeze %dma_start3A_471 : memref<1x128xi32, #tpu.memory_space<hbm>> -> memref<128xi32, #tpu.memory_space<hbm>>
            %dma_start3A_473 = tpu.memref_slice %arg4[%dma_start3A_470, %sub3A_469] : memref<2x320000xi32, #tpu.memory_space<hbm>> -> memref<1x128xi32, #tpu.memory_space<hbm>>
            %dma_start3A_474 = tpu.memref_squeeze %dma_start3A_473 : memref<1x128xi32, #tpu.memory_space<hbm>> -> memref<128xi32, #tpu.memory_space<hbm>>
            tpu.enqueue_dma source(%dma_start3A_474 : memref<128xi32, #tpu.memory_space<hbm>>) target(%arg12 : memref<128xi32, #tpu.memory_space<vmem>>) target_semaphore(%arg30 : memref<!tpu.dma_semaphore, #tpu.memory_space<semaphore_mem>>)
            %dma_start3A_475 = arith.constant 1 : i32
            %dma_start3A_476 = tpu.memref_slice %arg4[%dma_start3A_475, %sub3A_469] : memref<2x320000xi32, #tpu.memory_space<hbm>> -> memref<1x128xi32, #tpu.memory_space<hbm>>
            %dma_start3A_477 = tpu.memref_squeeze %dma_start3A_476 : memref<1x128xi32, #tpu.memory_space<hbm>> -> memref<128xi32, #tpu.memory_space<hbm>>
            %dma_start3A_478 = tpu.memref_slice %arg4[%dma_start3A_475, %sub3A_469] : memref<2x320000xi32, #tpu.memory_space<hbm>> -> memref<1x128xi32, #tpu.memory_space<hbm>>
            %dma_start3A_479 = tpu.memref_squeeze %dma_start3A_478 : memref<1x128xi32, #tpu.memory_space<hbm>> -> memref<128xi32, #tpu.memory_space<hbm>>
            tpu.enqueue_dma source(%dma_start3A_479 : memref<128xi32, #tpu.memory_space<hbm>>) target(%arg13 : memref<128xi32, #tpu.memory_space<vmem>>) target_semaphore(%arg30 : memref<!tpu.dma_semaphore, #tpu.memory_space<semaphore_mem>>)
          } else {
          }
          %ge3A_464 = arith.constant 5000 : i32
          %ge3A_465 = arith.cmpi sge, %add3A_448, %ge3A_464 : i32
          %convert_element_type3A_466 = arith.extui %ge3A_465 : i1 to i32
          %cond3A_467 = arith.constant 0 : i32
          %cond3A_468 = arith.cmpi ne, %convert_element_type3A_466, %cond3A_467 : i32
          scf.if %cond3A_468 {
            %dma_start3A_469 = arith.constant 0 : i32
            %dma_start3A_470 = arith.constant 0 : i32
            %dma_start3A_471 = tpu.memref_slice %arg4[%dma_start3A_469, %dma_start3A_470] : memref<2x320000xi32, #tpu.memory_space<hbm>> -> memref<1x128xi32, #tpu.memory_space<hbm>>
            %dma_start3A_472 = tpu.memref_squeeze %dma_start3A_471 : memref<1x128xi32, #tpu.memory_space<hbm>> -> memref<128xi32, #tpu.memory_space<hbm>>
            %dma_start3A_473 = arith.constant 0 : i32
            %dma_start3A_474 = tpu.memref_slice %arg4[%dma_start3A_469, %dma_start3A_473] : memref<2x320000xi32, #tpu.memory_space<hbm>> -> memref<1x128xi32, #tpu.memory_space<hbm>>
            %dma_start3A_475 = tpu.memref_squeeze %dma_start3A_474 : memref<1x128xi32, #tpu.memory_space<hbm>> -> memref<128xi32, #tpu.memory_space<hbm>>
            tpu.enqueue_dma source(%dma_start3A_475 : memref<128xi32, #tpu.memory_space<hbm>>) target(%arg12 : memref<128xi32, #tpu.memory_space<vmem>>) target_semaphore(%arg30 : memref<!tpu.dma_semaphore, #tpu.memory_space<semaphore_mem>>)
            %dma_start3A_476 = arith.constant 1 : i32
            %dma_start3A_477 = arith.constant 0 : i32
            %dma_start3A_478 = tpu.memref_slice %arg4[%dma_start3A_476, %dma_start3A_477] : memref<2x320000xi32, #tpu.memory_space<hbm>> -> memref<1x128xi32, #tpu.memory_space<hbm>>
            %dma_start3A_479 = tpu.memref_squeeze %dma_start3A_478 : memref<1x128xi32, #tpu.memory_space<hbm>> -> memref<128xi32, #tpu.memory_space<hbm>>
            %dma_start3A_480 = arith.constant 0 : i32
            %dma_start3A_481 = tpu.memref_slice %arg4[%dma_start3A_476, %dma_start3A_480] : memref<2x320000xi32, #tpu.memory_space<hbm>> -> memref<1x128xi32, #tpu.memory_space<hbm>>
            %dma_start3A_482 = tpu.memref_squeeze %dma_start3A_481 : memref<1x128xi32, #tpu.memory_space<hbm>> -> memref<128xi32, #tpu.memory_space<hbm>>
            tpu.enqueue_dma source(%dma_start3A_482 : memref<128xi32, #tpu.memory_space<hbm>>) target(%arg13 : memref<128xi32, #tpu.memory_space<vmem>>) target_semaphore(%arg30 : memref<!tpu.dma_semaphore, #tpu.memory_space<semaphore_mem>>)
          } else {
          }
        } else {
        }
        %mul3A_207 = arith.constant 32 : i32
        %mul3A_208 = arith.muli %mul3A_207, %add3A_181 : i32
        %add3A_209 = arith.addi %add3A, %mul3A_208 : i32
        %ge3A_210 = arith.constant 3 : i32
        %ge3A_211 = arith.cmpi sge, %add3A_181, %ge3A_210 : i32
        %convert_element_type3A_212 = arith.extui %ge3A_211 : i1 to i32
        %cond3A_213 = arith.constant 0 : i32
        %cond3A_214 = arith.cmpi ne, %convert_element_type3A_212, %cond3A_213 : i32
        scf.if %cond3A_214 {
          %dma_wait3A_444 = arith.constant 0 : i32
          %dma_wait3A_445 = tpu.memref_slice %arg27[%dma_wait3A_444] : memref<262272xf32, #tpu.memory_space<vmem_shared>> -> memref<262272xf32, #tpu.memory_space<vmem_shared>>
          tpu.wait_indirect_dma semaphore(%arg39 : memref<!tpu.dma_semaphore, #tpu.memory_space<semaphore_mem>>) src(%arg26 : memref<128xf32, #tpu.memory_space<vmem>>) dst(%dma_wait3A_445 : memref<262272xf32, #tpu.memory_space<vmem_shared>>)
          %dma_wait3A_446 = arith.constant 0 : i32
          %dma_wait3A_447 = tpu.memref_slice %arg6[%dma_wait3A_446] : memref<643072xf32, #tpu.memory_space<hbm>> -> memref<128xf32, #tpu.memory_space<hbm>>
          %dma_wait3A_448 = arith.constant 0 : i32
          %dma_wait3A_449 = tpu.memref_slice %arg6[%dma_wait3A_448] : memref<643072xf32, #tpu.memory_space<hbm>> -> memref<128xf32, #tpu.memory_space<hbm>>
          tpu.wait_dma2 semaphore(%arg42 : memref<!tpu.dma_semaphore, #tpu.memory_space<semaphore_mem>>) src(%arg22 : memref<128xf32, #tpu.memory_space<vmem>>) dst(%dma_wait3A_449 : memref<128xf32, #tpu.memory_space<hbm>>)
        } else {
        }
        %scan3A_215 = arith.constant 0 : i32
        %scan3A_216 = arith.constant 0 : i32
        %scan3A_217 = arith.constant 8 : i32
        %scan3A_218 = arith.addi %scan3A_216, %scan3A_217 : i32
        %scan3A_219 = arith.constant 1 : i32
        scf.for %scan3A_444 = %scan3A_216 to %scan3A_218 step %scan3A_219  : i32 {
          %mul3A_445 = arith.constant 16 : i32
          %mul3A_446 = arith.muli %scan3A_444, %mul3A_445 : i32
          %add3A_447 = vector.broadcast %mul3A_446 : i32 to vector<16xi32>
          %add3A_448 = arith.addi %add3A_447, %iota3A : vector<16xi32>
          %broadcast_in_dim3A_449 = arith.constant 0.000000e+00 : f32
          %broadcast_in_dim3A_450 = vector.broadcast %broadcast_in_dim3A_449 : f32 to vector<16xf32>
          %parallel_loop3A = arith.constant 0 : i32
          %parallel_loop3A_451 = arith.constant 32 : i32
          %parallel_loop3A_452 = arith.constant 1 : i32
          %parallel_loop3A_453:4 = scf.for %parallel_loop3A_461 = %parallel_loop3A to %parallel_loop3A_451 step %parallel_loop3A_452 iter_args(%parallel_loop3A_462 = %broadcast_in_dim3A_450, %parallel_loop3A_463 = %broadcast_in_dim3A_450, %parallel_loop3A_464 = %broadcast_in_dim3A_450, %parallel_loop3A_465 = %broadcast_in_dim3A_450) -> (vector<16xf32>, vector<16xf32>, vector<16xf32>, vector<16xf32>)  : i32 {
            %parallel_loop3A_466 = arith.constant 4 : i32
            %parallel_loop3A_467 = arith.muli %parallel_loop3A_461, %parallel_loop3A_466 : i32
            %parallel_loop3A_468 = arith.constant 0 : i32
            %parallel_loop3A_469 = arith.addi %parallel_loop3A_467, %parallel_loop3A_468 : i32
            %parallel_loop3A_470 = vector.broadcast %parallel_loop3A_469 : i32 to vector<16xi32>
            %parallel_loop3A_471 = arith.addi %iota3A, %parallel_loop3A_470 : vector<16xi32>
            %parallel_loop3A_472 = arith.constant 127 : i32
            %parallel_loop3A_473 = vector.broadcast %parallel_loop3A_472 : i32 to vector<16xi32>
            %parallel_loop3A_474 = arith.andi %parallel_loop3A_471, %parallel_loop3A_473 : vector<16xi32>
            %parallel_loop3A_475 = tpu.vector_load_idx %arg18[%add3A_448, %parallel_loop3A_474] : memref<128x128xf32, #tpu.memory_space<vmem>>[vector<16xi32>, vector<16xi32>], vector<16xf32>,
            %parallel_loop3A_476 = tpu.vector_load_idx %arg19[%add3A_448, %parallel_loop3A_474] : memref<128x128xf32, #tpu.memory_space<vmem>>[vector<16xi32>, vector<16xi32>], vector<16xf32>,
            %parallel_loop3A_477 = arith.mulf %parallel_loop3A_475, %parallel_loop3A_476 : vector<16xf32>
            %parallel_loop3A_478 = arith.addf %parallel_loop3A_462, %parallel_loop3A_477 : vector<16xf32>
            %parallel_loop3A_479 = arith.constant 4 : i32
            %parallel_loop3A_480 = arith.muli %parallel_loop3A_461, %parallel_loop3A_479 : i32
            %parallel_loop3A_481 = arith.constant 1 : i32
            %parallel_loop3A_482 = arith.addi %parallel_loop3A_480, %parallel_loop3A_481 : i32
            %parallel_loop3A_483 = vector.broadcast %parallel_loop3A_482 : i32 to vector<16xi32>
            %parallel_loop3A_484 = arith.addi %iota3A, %parallel_loop3A_483 : vector<16xi32>
            %parallel_loop3A_485 = arith.constant 127 : i32
            %parallel_loop3A_486 = vector.broadcast %parallel_loop3A_485 : i32 to vector<16xi32>
            %parallel_loop3A_487 = arith.andi %parallel_loop3A_484, %parallel_loop3A_486 : vector<16xi32>
            %parallel_loop3A_488 = tpu.vector_load_idx %arg18[%add3A_448, %parallel_loop3A_487] : memref<128x128xf32, #tpu.memory_space<vmem>>[vector<16xi32>, vector<16xi32>], vector<16xf32>,
            %parallel_loop3A_489 = tpu.vector_load_idx %arg19[%add3A_448, %parallel_loop3A_487] : memref<128x128xf32, #tpu.memory_space<vmem>>[vector<16xi32>, vector<16xi32>], vector<16xf32>,
            %parallel_loop3A_490 = arith.mulf %parallel_loop3A_488, %parallel_loop3A_489 : vector<16xf32>
            %parallel_loop3A_491 = arith.addf %parallel_loop3A_463, %parallel_loop3A_490 : vector<16xf32>
            %parallel_loop3A_492 = arith.constant 4 : i32
            %parallel_loop3A_493 = arith.muli %parallel_loop3A_461, %parallel_loop3A_492 : i32
            %parallel_loop3A_494 = arith.constant 2 : i32
            %parallel_loop3A_495 = arith.addi %parallel_loop3A_493, %parallel_loop3A_494 : i32
            %parallel_loop3A_496 = vector.broadcast %parallel_loop3A_495 : i32 to vector<16xi32>
            %parallel_loop3A_497 = arith.addi %iota3A, %parallel_loop3A_496 : vector<16xi32>
            %parallel_loop3A_498 = arith.constant 127 : i32
            %parallel_loop3A_499 = vector.broadcast %parallel_loop3A_498 : i32 to vector<16xi32>
            %parallel_loop3A_500 = arith.andi %parallel_loop3A_497, %parallel_loop3A_499 : vector<16xi32>
            %parallel_loop3A_501 = tpu.vector_load_idx %arg18[%add3A_448, %parallel_loop3A_500] : memref<128x128xf32, #tpu.memory_space<vmem>>[vector<16xi32>, vector<16xi32>], vector<16xf32>,
            %parallel_loop3A_502 = tpu.vector_load_idx %arg19[%add3A_448, %parallel_loop3A_500] : memref<128x128xf32, #tpu.memory_space<vmem>>[vector<16xi32>, vector<16xi32>], vector<16xf32>,
            %parallel_loop3A_503 = arith.mulf %parallel_loop3A_501, %parallel_loop3A_502 : vector<16xf32>
            %parallel_loop3A_504 = arith.addf %parallel_loop3A_464, %parallel_loop3A_503 : vector<16xf32>
            %parallel_loop3A_505 = arith.constant 4 : i32
            %parallel_loop3A_506 = arith.muli %parallel_loop3A_461, %parallel_loop3A_505 : i32
            %parallel_loop3A_507 = arith.constant 3 : i32
            %parallel_loop3A_508 = arith.addi %parallel_loop3A_506, %parallel_loop3A_507 : i32
            %parallel_loop3A_509 = vector.broadcast %parallel_loop3A_508 : i32 to vector<16xi32>
            %parallel_loop3A_510 = arith.addi %iota3A, %parallel_loop3A_509 : vector<16xi32>
            %parallel_loop3A_511 = arith.constant 127 : i32
            %parallel_loop3A_512 = vector.broadcast %parallel_loop3A_511 : i32 to vector<16xi32>
            %parallel_loop3A_513 = arith.andi %parallel_loop3A_510, %parallel_loop3A_512 : vector<16xi32>
            %parallel_loop3A_514 = tpu.vector_load_idx %arg18[%add3A_448, %parallel_loop3A_513] : memref<128x128xf32, #tpu.memory_space<vmem>>[vector<16xi32>, vector<16xi32>], vector<16xf32>,
            %parallel_loop3A_515 = tpu.vector_load_idx %arg19[%add3A_448, %parallel_loop3A_513] : memref<128x128xf32, #tpu.memory_space<vmem>>[vector<16xi32>, vector<16xi32>], vector<16xf32>,
            %parallel_loop3A_516 = arith.mulf %parallel_loop3A_514, %parallel_loop3A_515 : vector<16xf32>
            %parallel_loop3A_517 = arith.addf %parallel_loop3A_465, %parallel_loop3A_516 : vector<16xf32>
            scf.yield %parallel_loop3A_478, %parallel_loop3A_491, %parallel_loop3A_504, %parallel_loop3A_517 : vector<16xf32>, vector<16xf32>, vector<16xf32>, vector<16xf32>
          } {sc.loop_unroll_factor = 8 : i64, sc.parallel_access}
          %add3A_454 = arith.addf %parallel_loop3A_453#0, %parallel_loop3A_453#1 : vector<16xf32>
          %add3A_455 = arith.addf %parallel_loop3A_453#2, %parallel_loop3A_453#3 : vector<16xf32>
          %add3A_456 = arith.addf %add3A_454, %add3A_455 : vector<16xf32>
          %mul3A_457 = arith.constant 16 : i32
          %mul3A_458 = arith.muli %scan3A_444, %mul3A_457 : i32
          %swap3A_459 = arith.index_cast %mul3A_458 : i32 to index
          %swap3A_460 = tpu.vector_load %arg22[%swap3A_459] {strides = array<i32>} : memref<128xf32, #tpu.memory_space<vmem>>, vector<16xf32>,
          tpu.vector_store %arg22[%swap3A_459], %add3A_456 {strides = array<i32>} : memref<128xf32, #tpu.memory_space<vmem>>, vector<16xf32>,
        }
        %scan3A_220 = arith.constant 8 : i32
        %lt3A_221 = arith.constant 2500 : i32
        %lt3A_222 = arith.cmpi slt, %add3A_209, %lt3A_221 : i32
        %jit3A = arith.constant 0 : i32
        %jit3A_223 = arith.constant 131072 : i32
        %select_n3A = arith.select %lt3A_222, %jit3A, %jit3A_223 : i32
        %ge3A_224 = arith.constant 5000 : i32
        %ge3A_225 = arith.cmpi sge, %add3A_209, %ge3A_224 : i32
        %get3A = arith.constant 0 : index
        %get3A_226 = tpu.vector_load %arg22[%get3A] {strides = array<i32>} : memref<128xf32, #tpu.memory_space<vmem>>, vector<16xf32>,
        %bitcast3A = vector.bitcast %get3A_226 : vector<16xf32> to vector<16xi32>
        %lt3A_227 = arith.constant 0 : i32
        %lt3A_228 = vector.broadcast %lt3A_227 : i32 to vector<16xi32>
        %lt3A_229 = arith.cmpi slt, %bitcast3A, %lt3A_228 : vector<16xi32>
        %xor3A = arith.constant 2147483647 : i32
        %xor3A_230 = vector.broadcast %xor3A : i32 to vector<16xi32>
        %xor3A_231 = arith.xori %bitcast3A, %xor3A_230 : vector<16xi32>
        %select_n3A_232 = arith.select %lt3A_229, %xor3A_231, %bitcast3A : vector<16xi1>, vector<16xi32>
        %shift_right_arithmetic3A = arith.constant 15 : i32
        %shift_right_arithmetic3A_233 = vector.broadcast %shift_right_arithmetic3A : i32 to vector<16xi32>
        %shift_right_arithmetic3A_234 = arith.shrsi %select_n3A_232, %shift_right_arithmetic3A_233 : vector<16xi32>
        %add3A_235 = arith.constant 65536 : i32
        %add3A_236 = vector.broadcast %add3A_235 : i32 to vector<16xi32>
        %add3A_237 = arith.addi %shift_right_arithmetic3A_234, %add3A_236 : vector<16xi32>
        %and3A_238 = arith.constant 127 : i32
        %and3A_239 = vector.broadcast %and3A_238 : i32 to vector<16xi32>
        %and3A_240 = arith.andi %add3A_237, %and3A_239 : vector<16xi32>
        %add3A_241 = arith.constant 262144 : i32
        %add3A_242 = vector.broadcast %add3A_241 : i32 to vector<16xi32>
        %add3A_243 = arith.addi %add3A_242, %and3A_240 : vector<16xi32>
        %add3A_244 = vector.broadcast %select_n3A : i32 to vector<16xi32>
        %add3A_245 = arith.addi %add3A_237, %add3A_244 : vector<16xi32>
        %select_n3A_246 = arith.select %ge3A_225, %add3A_243, %add3A_245 : vector<16xi32>
        %swap3A_247 = arith.constant 0 : index
        %swap3A_248 = tpu.vector_load %arg25[%swap3A_247] {strides = array<i32>} : memref<128xi32, #tpu.memory_space<vmem>>, vector<16xi32>,
        tpu.vector_store %arg25[%swap3A_247], %select_n3A_246 {strides = array<i32>} : memref<128xi32, #tpu.memory_space<vmem>>, vector<16xi32>,
        %get3A_249 = arith.constant 16 : index
        %get3A_250 = tpu.vector_load %arg22[%get3A_249] {strides = array<i32>} : memref<128xf32, #tpu.memory_space<vmem>>, vector<16xf32>,
        %bitcast3A_251 = vector.bitcast %get3A_250 : vector<16xf32> to vector<16xi32>
        %lt3A_252 = arith.constant 0 : i32
        %lt3A_253 = vector.broadcast %lt3A_252 : i32 to vector<16xi32>
        %lt3A_254 = arith.cmpi slt, %bitcast3A_251, %lt3A_253 : vector<16xi32>
        %xor3A_255 = arith.constant 2147483647 : i32
        %xor3A_256 = vector.broadcast %xor3A_255 : i32 to vector<16xi32>
        %xor3A_257 = arith.xori %bitcast3A_251, %xor3A_256 : vector<16xi32>
        %select_n3A_258 = arith.select %lt3A_254, %xor3A_257, %bitcast3A_251 : vector<16xi1>, vector<16xi32>
        %shift_right_arithmetic3A_259 = arith.constant 15 : i32
        %shift_right_arithmetic3A_260 = vector.broadcast %shift_right_arithmetic3A_259 : i32 to vector<16xi32>
        %shift_right_arithmetic3A_261 = arith.shrsi %select_n3A_258, %shift_right_arithmetic3A_260 : vector<16xi32>
        %add3A_262 = arith.constant 65536 : i32
        %add3A_263 = vector.broadcast %add3A_262 : i32 to vector<16xi32>
        %add3A_264 = arith.addi %shift_right_arithmetic3A_261, %add3A_263 : vector<16xi32>
        %and3A_265 = arith.constant 127 : i32
        %and3A_266 = vector.broadcast %and3A_265 : i32 to vector<16xi32>
        %and3A_267 = arith.andi %add3A_264, %and3A_266 : vector<16xi32>
        %add3A_268 = arith.constant 262144 : i32
        %add3A_269 = vector.broadcast %add3A_268 : i32 to vector<16xi32>
        %add3A_270 = arith.addi %add3A_269, %and3A_267 : vector<16xi32>
        %add3A_271 = vector.broadcast %select_n3A : i32 to vector<16xi32>
        %add3A_272 = arith.addi %add3A_264, %add3A_271 : vector<16xi32>
        %select_n3A_273 = arith.select %ge3A_225, %add3A_270, %add3A_272 : vector<16xi32>
        %swap3A_274 = arith.constant 16 : index
        %swap3A_275 = tpu.vector_load %arg25[%swap3A_274] {strides = array<i32>} : memref<128xi32, #tpu.memory_space<vmem>>, vector<16xi32>,
        tpu.vector_store %arg25[%swap3A_274], %select_n3A_273 {strides = array<i32>} : memref<128xi32, #tpu.memory_space<vmem>>, vector<16xi32>,
        %get3A_276 = arith.constant 32 : index
        %get3A_277 = tpu.vector_load %arg22[%get3A_276] {strides = array<i32>} : memref<128xf32, #tpu.memory_space<vmem>>, vector<16xf32>,
        %bitcast3A_278 = vector.bitcast %get3A_277 : vector<16xf32> to vector<16xi32>
        %lt3A_279 = arith.constant 0 : i32
        %lt3A_280 = vector.broadcast %lt3A_279 : i32 to vector<16xi32>
        %lt3A_281 = arith.cmpi slt, %bitcast3A_278, %lt3A_280 : vector<16xi32>
        %xor3A_282 = arith.constant 2147483647 : i32
        %xor3A_283 = vector.broadcast %xor3A_282 : i32 to vector<16xi32>
        %xor3A_284 = arith.xori %bitcast3A_278, %xor3A_283 : vector<16xi32>
        %select_n3A_285 = arith.select %lt3A_281, %xor3A_284, %bitcast3A_278 : vector<16xi1>, vector<16xi32>
        %shift_right_arithmetic3A_286 = arith.constant 15 : i32
        %shift_right_arithmetic3A_287 = vector.broadcast %shift_right_arithmetic3A_286 : i32 to vector<16xi32>
        %shift_right_arithmetic3A_288 = arith.shrsi %select_n3A_285, %shift_right_arithmetic3A_287 : vector<16xi32>
        %add3A_289 = arith.constant 65536 : i32
        %add3A_290 = vector.broadcast %add3A_289 : i32 to vector<16xi32>
        %add3A_291 = arith.addi %shift_right_arithmetic3A_288, %add3A_290 : vector<16xi32>
        %and3A_292 = arith.constant 127 : i32
        %and3A_293 = vector.broadcast %and3A_292 : i32 to vector<16xi32>
        %and3A_294 = arith.andi %add3A_291, %and3A_293 : vector<16xi32>
        %add3A_295 = arith.constant 262144 : i32
        %add3A_296 = vector.broadcast %add3A_295 : i32 to vector<16xi32>
        %add3A_297 = arith.addi %add3A_296, %and3A_294 : vector<16xi32>
        %add3A_298 = vector.broadcast %select_n3A : i32 to vector<16xi32>
        %add3A_299 = arith.addi %add3A_291, %add3A_298 : vector<16xi32>
        %select_n3A_300 = arith.select %ge3A_225, %add3A_297, %add3A_299 : vector<16xi32>
        %swap3A_301 = arith.constant 32 : index
        %swap3A_302 = tpu.vector_load %arg25[%swap3A_301] {strides = array<i32>} : memref<128xi32, #tpu.memory_space<vmem>>, vector<16xi32>,
        tpu.vector_store %arg25[%swap3A_301], %select_n3A_300 {strides = array<i32>} : memref<128xi32, #tpu.memory_space<vmem>>, vector<16xi32>,
        %get3A_303 = arith.constant 48 : index
        %get3A_304 = tpu.vector_load %arg22[%get3A_303] {strides = array<i32>} : memref<128xf32, #tpu.memory_space<vmem>>, vector<16xf32>,
        %bitcast3A_305 = vector.bitcast %get3A_304 : vector<16xf32> to vector<16xi32>
        %lt3A_306 = arith.constant 0 : i32
        %lt3A_307 = vector.broadcast %lt3A_306 : i32 to vector<16xi32>
        %lt3A_308 = arith.cmpi slt, %bitcast3A_305, %lt3A_307 : vector<16xi32>
        %xor3A_309 = arith.constant 2147483647 : i32
        %xor3A_310 = vector.broadcast %xor3A_309 : i32 to vector<16xi32>
        %xor3A_311 = arith.xori %bitcast3A_305, %xor3A_310 : vector<16xi32>
        %select_n3A_312 = arith.select %lt3A_308, %xor3A_311, %bitcast3A_305 : vector<16xi1>, vector<16xi32>
        %shift_right_arithmetic3A_313 = arith.constant 15 : i32
        %shift_right_arithmetic3A_314 = vector.broadcast %shift_right_arithmetic3A_313 : i32 to vector<16xi32>
        %shift_right_arithmetic3A_315 = arith.shrsi %select_n3A_312, %shift_right_arithmetic3A_314 : vector<16xi32>
        %add3A_316 = arith.constant 65536 : i32
        %add3A_317 = vector.broadcast %add3A_316 : i32 to vector<16xi32>
        %add3A_318 = arith.addi %shift_right_arithmetic3A_315, %add3A_317 : vector<16xi32>
        %and3A_319 = arith.constant 127 : i32
        %and3A_320 = vector.broadcast %and3A_319 : i32 to vector<16xi32>
        %and3A_321 = arith.andi %add3A_318, %and3A_320 : vector<16xi32>
        %add3A_322 = arith.constant 262144 : i32
        %add3A_323 = vector.broadcast %add3A_322 : i32 to vector<16xi32>
        %add3A_324 = arith.addi %add3A_323, %and3A_321 : vector<16xi32>
        %add3A_325 = vector.broadcast %select_n3A : i32 to vector<16xi32>
        %add3A_326 = arith.addi %add3A_318, %add3A_325 : vector<16xi32>
        %select_n3A_327 = arith.select %ge3A_225, %add3A_324, %add3A_326 : vector<16xi32>
        %swap3A_328 = arith.constant 48 : index
        %swap3A_329 = tpu.vector_load %arg25[%swap3A_328] {strides = array<i32>} : memref<128xi32, #tpu.memory_space<vmem>>, vector<16xi32>,
        tpu.vector_store %arg25[%swap3A_328], %select_n3A_327 {strides = array<i32>} : memref<128xi32, #tpu.memory_space<vmem>>, vector<16xi32>,
        %get3A_330 = arith.constant 64 : index
        %get3A_331 = tpu.vector_load %arg22[%get3A_330] {strides = array<i32>} : memref<128xf32, #tpu.memory_space<vmem>>, vector<16xf32>,
        %bitcast3A_332 = vector.bitcast %get3A_331 : vector<16xf32> to vector<16xi32>
        %lt3A_333 = arith.constant 0 : i32
        %lt3A_334 = vector.broadcast %lt3A_333 : i32 to vector<16xi32>
        %lt3A_335 = arith.cmpi slt, %bitcast3A_332, %lt3A_334 : vector<16xi32>
        %xor3A_336 = arith.constant 2147483647 : i32
        %xor3A_337 = vector.broadcast %xor3A_336 : i32 to vector<16xi32>
        %xor3A_338 = arith.xori %bitcast3A_332, %xor3A_337 : vector<16xi32>
        %select_n3A_339 = arith.select %lt3A_335, %xor3A_338, %bitcast3A_332 : vector<16xi1>, vector<16xi32>
        %shift_right_arithmetic3A_340 = arith.constant 15 : i32
        %shift_right_arithmetic3A_341 = vector.broadcast %shift_right_arithmetic3A_340 : i32 to vector<16xi32>
        %shift_right_arithmetic3A_342 = arith.shrsi %select_n3A_339, %shift_right_arithmetic3A_341 : vector<16xi32>
        %add3A_343 = arith.constant 65536 : i32
        %add3A_344 = vector.broadcast %add3A_343 : i32 to vector<16xi32>
        %add3A_345 = arith.addi %shift_right_arithmetic3A_342, %add3A_344 : vector<16xi32>
        %and3A_346 = arith.constant 127 : i32
        %and3A_347 = vector.broadcast %and3A_346 : i32 to vector<16xi32>
        %and3A_348 = arith.andi %add3A_345, %and3A_347 : vector<16xi32>
        %add3A_349 = arith.constant 262144 : i32
        %add3A_350 = vector.broadcast %add3A_349 : i32 to vector<16xi32>
        %add3A_351 = arith.addi %add3A_350, %and3A_348 : vector<16xi32>
        %add3A_352 = vector.broadcast %select_n3A : i32 to vector<16xi32>
        %add3A_353 = arith.addi %add3A_345, %add3A_352 : vector<16xi32>
        %select_n3A_354 = arith.select %ge3A_225, %add3A_351, %add3A_353 : vector<16xi32>
        %swap3A_355 = arith.constant 64 : index
        %swap3A_356 = tpu.vector_load %arg25[%swap3A_355] {strides = array<i32>} : memref<128xi32, #tpu.memory_space<vmem>>, vector<16xi32>,
        tpu.vector_store %arg25[%swap3A_355], %select_n3A_354 {strides = array<i32>} : memref<128xi32, #tpu.memory_space<vmem>>, vector<16xi32>,
        %get3A_357 = arith.constant 80 : index
        %get3A_358 = tpu.vector_load %arg22[%get3A_357] {strides = array<i32>} : memref<128xf32, #tpu.memory_space<vmem>>, vector<16xf32>,
        %bitcast3A_359 = vector.bitcast %get3A_358 : vector<16xf32> to vector<16xi32>
        %lt3A_360 = arith.constant 0 : i32
        %lt3A_361 = vector.broadcast %lt3A_360 : i32 to vector<16xi32>
        %lt3A_362 = arith.cmpi slt, %bitcast3A_359, %lt3A_361 : vector<16xi32>
        %xor3A_363 = arith.constant 2147483647 : i32
        %xor3A_364 = vector.broadcast %xor3A_363 : i32 to vector<16xi32>
        %xor3A_365 = arith.xori %bitcast3A_359, %xor3A_364 : vector<16xi32>
        %select_n3A_366 = arith.select %lt3A_362, %xor3A_365, %bitcast3A_359 : vector<16xi1>, vector<16xi32>
        %shift_right_arithmetic3A_367 = arith.constant 15 : i32
        %shift_right_arithmetic3A_368 = vector.broadcast %shift_right_arithmetic3A_367 : i32 to vector<16xi32>
        %shift_right_arithmetic3A_369 = arith.shrsi %select_n3A_366, %shift_right_arithmetic3A_368 : vector<16xi32>
        %add3A_370 = arith.constant 65536 : i32
        %add3A_371 = vector.broadcast %add3A_370 : i32 to vector<16xi32>
        %add3A_372 = arith.addi %shift_right_arithmetic3A_369, %add3A_371 : vector<16xi32>
        %and3A_373 = arith.constant 127 : i32
        %and3A_374 = vector.broadcast %and3A_373 : i32 to vector<16xi32>
        %and3A_375 = arith.andi %add3A_372, %and3A_374 : vector<16xi32>
        %add3A_376 = arith.constant 262144 : i32
        %add3A_377 = vector.broadcast %add3A_376 : i32 to vector<16xi32>
        %add3A_378 = arith.addi %add3A_377, %and3A_375 : vector<16xi32>
        %add3A_379 = vector.broadcast %select_n3A : i32 to vector<16xi32>
        %add3A_380 = arith.addi %add3A_372, %add3A_379 : vector<16xi32>
        %select_n3A_381 = arith.select %ge3A_225, %add3A_378, %add3A_380 : vector<16xi32>
        %swap3A_382 = arith.constant 80 : index
        %swap3A_383 = tpu.vector_load %arg25[%swap3A_382] {strides = array<i32>} : memref<128xi32, #tpu.memory_space<vmem>>, vector<16xi32>,
        tpu.vector_store %arg25[%swap3A_382], %select_n3A_381 {strides = array<i32>} : memref<128xi32, #tpu.memory_space<vmem>>, vector<16xi32>,
        %get3A_384 = arith.constant 96 : index
        %get3A_385 = tpu.vector_load %arg22[%get3A_384] {strides = array<i32>} : memref<128xf32, #tpu.memory_space<vmem>>, vector<16xf32>,
        %bitcast3A_386 = vector.bitcast %get3A_385 : vector<16xf32> to vector<16xi32>
        %lt3A_387 = arith.constant 0 : i32
        %lt3A_388 = vector.broadcast %lt3A_387 : i32 to vector<16xi32>
        %lt3A_389 = arith.cmpi slt, %bitcast3A_386, %lt3A_388 : vector<16xi32>
        %xor3A_390 = arith.constant 2147483647 : i32
        %xor3A_391 = vector.broadcast %xor3A_390 : i32 to vector<16xi32>
        %xor3A_392 = arith.xori %bitcast3A_386, %xor3A_391 : vector<16xi32>
        %select_n3A_393 = arith.select %lt3A_389, %xor3A_392, %bitcast3A_386 : vector<16xi1>, vector<16xi32>
        %shift_right_arithmetic3A_394 = arith.constant 15 : i32
        %shift_right_arithmetic3A_395 = vector.broadcast %shift_right_arithmetic3A_394 : i32 to vector<16xi32>
        %shift_right_arithmetic3A_396 = arith.shrsi %select_n3A_393, %shift_right_arithmetic3A_395 : vector<16xi32>
        %add3A_397 = arith.constant 65536 : i32
        %add3A_398 = vector.broadcast %add3A_397 : i32 to vector<16xi32>
        %add3A_399 = arith.addi %shift_right_arithmetic3A_396, %add3A_398 : vector<16xi32>
        %and3A_400 = arith.constant 127 : i32
        %and3A_401 = vector.broadcast %and3A_400 : i32 to vector<16xi32>
        %and3A_402 = arith.andi %add3A_399, %and3A_401 : vector<16xi32>
        %add3A_403 = arith.constant 262144 : i32
        %add3A_404 = vector.broadcast %add3A_403 : i32 to vector<16xi32>
        %add3A_405 = arith.addi %add3A_404, %and3A_402 : vector<16xi32>
        %add3A_406 = vector.broadcast %select_n3A : i32 to vector<16xi32>
        %add3A_407 = arith.addi %add3A_399, %add3A_406 : vector<16xi32>
        %select_n3A_408 = arith.select %ge3A_225, %add3A_405, %add3A_407 : vector<16xi32>
        %swap3A_409 = arith.constant 96 : index
        %swap3A_410 = tpu.vector_load %arg25[%swap3A_409] {strides = array<i32>} : memref<128xi32, #tpu.memory_space<vmem>>, vector<16xi32>,
        tpu.vector_store %arg25[%swap3A_409], %select_n3A_408 {strides = array<i32>} : memref<128xi32, #tpu.memory_space<vmem>>, vector<16xi32>,
        %get3A_411 = arith.constant 112 : index
        %get3A_412 = tpu.vector_load %arg22[%get3A_411] {strides = array<i32>} : memref<128xf32, #tpu.memory_space<vmem>>, vector<16xf32>,
        %bitcast3A_413 = vector.bitcast %get3A_412 : vector<16xf32> to vector<16xi32>
        %lt3A_414 = arith.constant 0 : i32
        %lt3A_415 = vector.broadcast %lt3A_414 : i32 to vector<16xi32>
        %lt3A_416 = arith.cmpi slt, %bitcast3A_413, %lt3A_415 : vector<16xi32>
        %xor3A_417 = arith.constant 2147483647 : i32
        %xor3A_418 = vector.broadcast %xor3A_417 : i32 to vector<16xi32>
        %xor3A_419 = arith.xori %bitcast3A_413, %xor3A_418 : vector<16xi32>
        %select_n3A_420 = arith.select %lt3A_416, %xor3A_419, %bitcast3A_413 : vector<16xi1>, vector<16xi32>
        %shift_right_arithmetic3A_421 = arith.constant 15 : i32
        %shift_right_arithmetic3A_422 = vector.broadcast %shift_right_arithmetic3A_421 : i32 to vector<16xi32>
        %shift_right_arithmetic3A_423 = arith.shrsi %select_n3A_420, %shift_right_arithmetic3A_422 : vector<16xi32>
        %add3A_424 = arith.constant 65536 : i32
        %add3A_425 = vector.broadcast %add3A_424 : i32 to vector<16xi32>
        %add3A_426 = arith.addi %shift_right_arithmetic3A_423, %add3A_425 : vector<16xi32>
        %and3A_427 = arith.constant 127 : i32
        %and3A_428 = vector.broadcast %and3A_427 : i32 to vector<16xi32>
        %and3A_429 = arith.andi %add3A_426, %and3A_428 : vector<16xi32>
        %add3A_430 = arith.constant 262144 : i32
        %add3A_431 = vector.broadcast %add3A_430 : i32 to vector<16xi32>
        %add3A_432 = arith.addi %add3A_431, %and3A_429 : vector<16xi32>
        %add3A_433 = vector.broadcast %select_n3A : i32 to vector<16xi32>
        %add3A_434 = arith.addi %add3A_426, %add3A_433 : vector<16xi32>
        %select_n3A_435 = arith.select %ge3A_225, %add3A_432, %add3A_434 : vector<16xi32>
        %swap3A_436 = arith.constant 112 : index
        %swap3A_437 = tpu.vector_load %arg25[%swap3A_436] {strides = array<i32>} : memref<128xi32, #tpu.memory_space<vmem>>, vector<16xi32>,
        tpu.vector_store %arg25[%swap3A_436], %select_n3A_435 {strides = array<i32>} : memref<128xi32, #tpu.memory_space<vmem>>, vector<16xi32>,
        %dma_start3A_438 = arith.constant 0 : i32
        %dma_start3A_439 = tpu.memref_slice %arg27[%dma_start3A_438] : memref<262272xf32, #tpu.memory_space<vmem_shared>> -> memref<262272xf32, #tpu.memory_space<vmem_shared>>
        tpu.enqueue_indirect_dma source(%arg26 : memref<128xf32, #tpu.memory_space<vmem>>) target(%dma_start3A_439 : memref<262272xf32, #tpu.memory_space<vmem_shared>>) offsets(%arg25 : memref<128xi32, #tpu.memory_space<vmem>>) semaphore(%arg39 : memref<!tpu.dma_semaphore, #tpu.memory_space<semaphore_mem>>) {add = true}
        %mul3A_440 = arith.constant 128 : i32
        %mul3A_441 = arith.muli %add3A_209, %mul3A_440 : i32
        %dma_start3A_442 = tpu.memref_slice %arg6[%mul3A_441] : memref<643072xf32, #tpu.memory_space<hbm>> -> memref<128xf32, #tpu.memory_space<hbm>>
        %dma_start3A_443 = tpu.memref_slice %arg6[%mul3A_441] : memref<643072xf32, #tpu.memory_space<hbm>> -> memref<128xf32, #tpu.memory_space<hbm>>
        tpu.enqueue_dma source(%arg22 : memref<128xf32, #tpu.memory_space<vmem>>) target(%dma_start3A_443 : memref<128xf32, #tpu.memory_space<hbm>>) target_semaphore(%arg42 : memref<!tpu.dma_semaphore, #tpu.memory_space<semaphore_mem>>)
      } else {
      }
    }
    %scan3A_136 = arith.constant 53 : i32
    %dma_wait3A_137 = arith.constant 0 : i32
    %dma_wait3A_138 = tpu.memref_slice %arg27[%dma_wait3A_137] : memref<262272xf32, #tpu.memory_space<vmem_shared>> -> memref<262272xf32, #tpu.memory_space<vmem_shared>>
    tpu.wait_indirect_dma semaphore(%arg37 : memref<!tpu.dma_semaphore, #tpu.memory_space<semaphore_mem>>) src(%arg26 : memref<128xf32, #tpu.memory_space<vmem>>) dst(%dma_wait3A_138 : memref<262272xf32, #tpu.memory_space<vmem_shared>>)
    %dma_wait3A_139 = arith.constant 0 : i32
    %dma_wait3A_140 = tpu.memref_slice %arg6[%dma_wait3A_139] : memref<643072xf32, #tpu.memory_space<hbm>> -> memref<128xf32, #tpu.memory_space<hbm>>
    %dma_wait3A_141 = arith.constant 0 : i32
    %dma_wait3A_142 = tpu.memref_slice %arg6[%dma_wait3A_141] : memref<643072xf32, #tpu.memory_space<hbm>> -> memref<128xf32, #tpu.memory_space<hbm>>
    tpu.wait_dma2 semaphore(%arg40 : memref<!tpu.dma_semaphore, #tpu.memory_space<semaphore_mem>>) src(%arg20 : memref<128xf32, #tpu.memory_space<vmem>>) dst(%dma_wait3A_142 : memref<128xf32, #tpu.memory_space<hbm>>)
    %dma_wait3A_143 = arith.constant 0 : i32
    %dma_wait3A_144 = tpu.memref_slice %arg27[%dma_wait3A_143] : memref<262272xf32, #tpu.memory_space<vmem_shared>> -> memref<262272xf32, #tpu.memory_space<vmem_shared>>
    tpu.wait_indirect_dma semaphore(%arg38 : memref<!tpu.dma_semaphore, #tpu.memory_space<semaphore_mem>>) src(%arg26 : memref<128xf32, #tpu.memory_space<vmem>>) dst(%dma_wait3A_144 : memref<262272xf32, #tpu.memory_space<vmem_shared>>)
    %dma_wait3A_145 = arith.constant 0 : i32
    %dma_wait3A_146 = tpu.memref_slice %arg6[%dma_wait3A_145] : memref<643072xf32, #tpu.memory_space<hbm>> -> memref<128xf32, #tpu.memory_space<hbm>>
    %dma_wait3A_147 = arith.constant 0 : i32
    %dma_wait3A_148 = tpu.memref_slice %arg6[%dma_wait3A_147] : memref<643072xf32, #tpu.memory_space<hbm>> -> memref<128xf32, #tpu.memory_space<hbm>>
    tpu.wait_dma2 semaphore(%arg41 : memref<!tpu.dma_semaphore, #tpu.memory_space<semaphore_mem>>) src(%arg21 : memref<128xf32, #tpu.memory_space<vmem>>) dst(%dma_wait3A_148 : memref<128xf32, #tpu.memory_space<hbm>>)
    %dma_wait3A_149 = arith.constant 0 : i32
    %dma_wait3A_150 = tpu.memref_slice %arg27[%dma_wait3A_149] : memref<262272xf32, #tpu.memory_space<vmem_shared>> -> memref<262272xf32, #tpu.memory_space<vmem_shared>>
    tpu.wait_indirect_dma semaphore(%arg39 : memref<!tpu.dma_semaphore, #tpu.memory_space<semaphore_mem>>) src(%arg26 : memref<128xf32, #tpu.memory_space<vmem>>) dst(%dma_wait3A_150 : memref<262272xf32, #tpu.memory_space<vmem_shared>>)
    %dma_wait3A_151 = arith.constant 0 : i32
    %dma_wait3A_152 = tpu.memref_slice %arg6[%dma_wait3A_151] : memref<643072xf32, #tpu.memory_space<hbm>> -> memref<128xf32, #tpu.memory_space<hbm>>
    %dma_wait3A_153 = arith.constant 0 : i32
    %dma_wait3A_154 = tpu.memref_slice %arg6[%dma_wait3A_153] : memref<643072xf32, #tpu.memory_space<hbm>> -> memref<128xf32, #tpu.memory_space<hbm>>
    tpu.wait_dma2 semaphore(%arg42 : memref<!tpu.dma_semaphore, #tpu.memory_space<semaphore_mem>>) src(%arg22 : memref<128xf32, #tpu.memory_space<vmem>>) dst(%dma_wait3A_154 : memref<128xf32, #tpu.memory_space<hbm>>)
    %barrier3A_155 = arith.constant 0 : index
    tpu.barrier barrier_id(%barrier3A_155)
    %mul3A_156 = arith.constant 16384 : i32
    %mul3A_157 = arith.muli %arg1, %mul3A_156 : i32
    %mul3A_158 = arith.constant 16384 : i32
    %mul3A_159 = arith.muli %arg1, %mul3A_158 : i32
    "tpu.region"() ({
      %run_scoped3A = tpu.sem_alloc : memref<!tpu.dma_semaphore, #tpu.memory_space<semaphore_mem>>
      %dma_start3A_160 = tpu.memref_slice %arg7[%arg0, %mul3A_159] : memref<2x262144xf32, #tpu.memory_space<hbm>> -> memref<1x16384xf32, #tpu.memory_space<hbm>>
      %dma_start3A_161 = tpu.memref_squeeze %dma_start3A_160 : memref<1x16384xf32, #tpu.memory_space<hbm>> -> memref<16384xf32, #tpu.memory_space<hbm>>
      %dma_start3A_162 = tpu.memref_slice %arg27[%mul3A_157] : memref<262272xf32, #tpu.memory_space<vmem_shared>> -> memref<16384xf32, #tpu.memory_space<vmem_shared>>
      tpu.enqueue_dma source(%dma_start3A_162 : memref<16384xf32, #tpu.memory_space<vmem_shared>>) target(%dma_start3A_161 : memref<16384xf32, #tpu.memory_space<hbm>>) target_semaphore(%run_scoped3A : memref<!tpu.dma_semaphore, #tpu.memory_space<semaphore_mem>>)
      %dma_wait3A_163 = tpu.memref_slice %arg7[%arg0, %mul3A_159] : memref<2x262144xf32, #tpu.memory_space<hbm>> -> memref<1x16384xf32, #tpu.memory_space<hbm>>
      %dma_wait3A_164 = tpu.memref_squeeze %dma_wait3A_163 : memref<1x16384xf32, #tpu.memory_space<hbm>> -> memref<16384xf32, #tpu.memory_space<hbm>>
      %dma_wait3A_165 = tpu.memref_slice %arg27[%mul3A_157] : memref<262272xf32, #tpu.memory_space<vmem_shared>> -> memref<16384xf32, #tpu.memory_space<vmem_shared>>
      tpu.wait_dma2 semaphore(%run_scoped3A : memref<!tpu.dma_semaphore, #tpu.memory_space<semaphore_mem>>) src(%dma_wait3A_165 : memref<16384xf32, #tpu.memory_space<vmem_shared>>) dst(%dma_wait3A_164 : memref<16384xf32, #tpu.memory_space<hbm>>)
      tpu.yield
    }) : () -> ()
    return
  }
}

module attributes {stable_mosaic.version = 14 : i64} {
  func.func @_tc_body(%arg0: memref<5024x128xf32, #tpu.memory_space<vmem>>, %arg1: memref<2x512x256xf32, #tpu.memory_space<vmem>>, %arg2: memref<2x512x256xf32, #tpu.memory_space<vmem>>, %arg3: memref<8x128xf32, #tpu.memory_space<vmem>>) attributes {dimension_semantics = [], scalar_prefetch = 0 : i64, scratch_operands = 0 : i64, tpu.core_type = #tpu.core_type<tc>} {
    %get3A = arith.constant 0 : index
    %get3A_0 = arith.constant 0 : index
    %get3A_1 = vector.load %arg0[%get3A, %get3A_0] : memref<5024x128xf32, #tpu.memory_space<vmem>>, vector<5024x128xf32>
    %iota3A = tpu.iota {dimensions = array<i32: 0>} : vector<5024x128xi32>
    %lt3A = arith.constant 2500 : i32
    %lt3A_2 = vector.broadcast %lt3A : i32 to vector<5024x128xi32>
    %lt3A_3 = arith.cmpi slt, %iota3A, %lt3A_2 : vector<5024x128xi32>
    %convert_element_type3A = arith.extui %lt3A_3 : vector<5024x128xi1> to vector<5024x128xi32>
    %convert_element_type3A_4 = arith.sitofp %convert_element_type3A : vector<5024x128xi32> to vector<5024x128xf32>
    %lt3A_5 = arith.constant 5000 : i32
    %lt3A_6 = vector.broadcast %lt3A_5 : i32 to vector<5024x128xi32>
    %lt3A_7 = arith.cmpi slt, %iota3A, %lt3A_6 : vector<5024x128xi32>
    %convert_element_type3A_8 = arith.extui %lt3A_7 : vector<5024x128xi1> to vector<5024x128xi32>
    %convert_element_type3A_9 = arith.sitofp %convert_element_type3A_8 : vector<5024x128xi32> to vector<5024x128xf32>
    %max3A = arith.constant 0.000000e+00 : f32
    %max3A_10 = vector.broadcast %max3A : f32 to vector<5024x128xf32>
    %max3A_11 = arith.maximumf %get3A_1, %max3A_10 : vector<5024x128xf32>
    %mul3A = arith.mulf %get3A_1, %convert_element_type3A_4 : vector<5024x128xf32>
    %sub3A = arith.subf %max3A_11, %mul3A : vector<5024x128xf32>
    %abs3A = math.absf %get3A_1 : vector<5024x128xf32>
    %neg3A = arith.constant 0.000000e+00 : f32
    %neg3A_12 = vector.broadcast %neg3A : f32 to vector<5024x128xf32>
    %neg3A_13 = arith.subf %neg3A_12, %abs3A : vector<5024x128xf32>
    %exp3A = math.exp %neg3A_13 : vector<5024x128xf32>
    %log1p3A = math.log1p %exp3A : vector<5024x128xf32>
    %add3A = arith.addf %sub3A, %log1p3A : vector<5024x128xf32>
    %mul3A_14 = arith.mulf %add3A, %convert_element_type3A_9 : vector<5024x128xf32>
    %reduce_sum3A = vector.shape_cast %mul3A_14 : vector<5024x128xf32> to vector<1x5024x128xf32>
    %reduce_sum3A_15 = arith.constant dense<0.000000e+00> : vector<1xf32>
    %reduce_sum3A_16 = vector.multi_reduction <add>, %reduce_sum3A, %reduce_sum3A_15 [1, 2] : vector<1x5024x128xf32> to vector<1xf32>
    %reduce_sum3A_17 = vector.shape_cast %reduce_sum3A_16 : vector<1xf32> to vector<1x1x1xf32>
    %reduce_sum3A_18 = vector.extract %reduce_sum3A_17[0, 0, 0] : f32 from vector<1x1x1xf32>
    %mul3A_19 = arith.constant 1.562500e-06 : f32
    %mul3A_20 = arith.mulf %reduce_sum3A_18, %mul3A_19 : f32
    %get3A_21 = arith.constant 0 : index
    %get3A_22 = arith.constant 0 : index
    %get3A_23 = arith.constant 0 : index
    %get3A_24 = vector.load %arg1[%get3A_21, %get3A_22, %get3A_23] : memref<2x512x256xf32, #tpu.memory_space<vmem>>, vector<1x512x256xf32>
    %get3A_25 = vector.shape_cast %get3A_24 : vector<1x512x256xf32> to vector<512x256xf32>
    %get3A_26 = arith.constant 1 : index
    %get3A_27 = arith.constant 0 : index
    %get3A_28 = arith.constant 0 : index
    %get3A_29 = vector.load %arg1[%get3A_26, %get3A_27, %get3A_28] : memref<2x512x256xf32, #tpu.memory_space<vmem>>, vector<1x512x256xf32>
    %get3A_30 = vector.shape_cast %get3A_29 : vector<1x512x256xf32> to vector<512x256xf32>
    %add3A_31 = arith.addf %get3A_25, %get3A_30 : vector<512x256xf32>
    %get3A_32 = arith.constant 0 : index
    %get3A_33 = arith.constant 0 : index
    %get3A_34 = arith.constant 0 : index
    %get3A_35 = vector.load %arg2[%get3A_32, %get3A_33, %get3A_34] : memref<2x512x256xf32, #tpu.memory_space<vmem>>, vector<1x512x256xf32>
    %get3A_36 = vector.shape_cast %get3A_35 : vector<1x512x256xf32> to vector<512x256xf32>
    %get3A_37 = arith.constant 1 : index
    %get3A_38 = arith.constant 0 : index
    %get3A_39 = arith.constant 0 : index
    %get3A_40 = vector.load %arg2[%get3A_37, %get3A_38, %get3A_39] : memref<2x512x256xf32, #tpu.memory_space<vmem>>, vector<1x512x256xf32>
    %get3A_41 = vector.shape_cast %get3A_40 : vector<1x512x256xf32> to vector<512x256xf32>
    %add3A_42 = arith.addf %get3A_36, %get3A_41 : vector<512x256xf32>
    %iota3A_43 = tpu.iota {dimensions = array<i32: 0>} : vector<256x256xi32>
    %iota3A_44 = tpu.iota {dimensions = array<i32: 1>} : vector<256x256xi32>
    %lt3A_45 = arith.cmpi slt, %iota3A_43, %iota3A_44 : vector<256x256xi32>
    %convert_element_type3A_46 = arith.extui %lt3A_45 : vector<256x256xi1> to vector<256x256xi32>
    %convert_element_type3A_47 = arith.sitofp %convert_element_type3A_46 : vector<256x256xi32> to vector<256x256xf32>
    %iota3A_48 = tpu.iota {dimensions = array<i32: 0>} : vector<512x512xi32>
    %iota3A_49 = tpu.iota {dimensions = array<i32: 1>} : vector<512x512xi32>
    %gt3A = arith.cmpi sgt, %iota3A_48, %iota3A_49 : vector<512x512xi32>
    %convert_element_type3A_50 = arith.extui %gt3A : vector<512x512xi1> to vector<512x512xi32>
    %convert_element_type3A_51 = arith.sitofp %convert_element_type3A_50 : vector<512x512xi32> to vector<512x512xf32>
    %dot_general3A = arith.constant dense<0.000000e+00> : vector<512x256xf32>
    %dot_general3A_52 = tpu.matmul %add3A_42, %convert_element_type3A_47, %dot_general3A {dimension_numbers = #tpu.dot_dimension_numbers<[1], [0], [0], [1], [0, 0, 1, 1], [], []>, transpose_lhs_hint = false} : vector<512x256xf32>, vector<256x256xf32>, vector<512x256xf32> -> vector<512x256xf32>
    %reduce_sum3A_53 = arith.constant dense<0.000000e+00> : vector<512xf32>
    %reduce_sum3A_54 = vector.multi_reduction <add>, %add3A_42, %reduce_sum3A_53 [1] : vector<512x256xf32> to vector<512xf32>
    %broadcast_in_dim3A = vector.shape_cast %reduce_sum3A_54 : vector<512xf32> to vector<512x1xf32>
    %dot_general3A_55 = arith.constant dense<0.000000e+00> : vector<512x1xf32>
    %dot_general3A_56 = tpu.matmul %convert_element_type3A_51, %broadcast_in_dim3A, %dot_general3A_55 {dimension_numbers = #tpu.dot_dimension_numbers<[1], [0], [0], [1], [0, 0, 1, 1], [], []>, transpose_lhs_hint = false} : vector<512x512xf32>, vector<512x1xf32>, vector<512x1xf32> -> vector<512x1xf32>
    %add3A_57 = vector.broadcast %dot_general3A_56 : vector<512x1xf32> to vector<512x256xf32>
    %add3A_58 = arith.addf %dot_general3A_52, %add3A_57 : vector<512x256xf32>
    %mul3A_59 = arith.constant 3.125000e-06 : f32
    %mul3A_60 = vector.broadcast %mul3A_59 : f32 to vector<512x256xf32>
    %mul3A_61 = arith.mulf %add3A_58, %mul3A_60 : vector<512x256xf32>
    %mul3A_62 = arith.mulf %add3A_31, %mul3A_61 : vector<512x256xf32>
    %reduce_sum3A_63 = vector.shape_cast %mul3A_62 : vector<512x256xf32> to vector<1x512x256xf32>
    %reduce_sum3A_64 = arith.constant dense<0.000000e+00> : vector<1xf32>
    %reduce_sum3A_65 = vector.multi_reduction <add>, %reduce_sum3A_63, %reduce_sum3A_64 [1, 2] : vector<1x512x256xf32> to vector<1xf32>
    %reduce_sum3A_66 = vector.shape_cast %reduce_sum3A_65 : vector<1xf32> to vector<1x1x1xf32>
    %reduce_sum3A_67 = vector.extract %reduce_sum3A_66[0, 0, 0] : f32 from vector<1x1x1xf32>
    %mul3A_68 = arith.mulf %add3A_31, %add3A_42 : vector<512x256xf32>
    %reduce_sum3A_69 = vector.shape_cast %mul3A_68 : vector<512x256xf32> to vector<1x512x256xf32>
    %reduce_sum3A_70 = arith.constant dense<0.000000e+00> : vector<1xf32>
    %reduce_sum3A_71 = vector.multi_reduction <add>, %reduce_sum3A_69, %reduce_sum3A_70 [1, 2] : vector<1x512x256xf32> to vector<1xf32>
    %reduce_sum3A_72 = vector.shape_cast %reduce_sum3A_71 : vector<1xf32> to vector<1x1x1xf32>
    %reduce_sum3A_73 = vector.extract %reduce_sum3A_72[0, 0, 0] : f32 from vector<1x1x1xf32>
    %mul3A_74 = arith.constant 1.562500e-06 : f32
    %mul3A_75 = arith.mulf %mul3A_74, %reduce_sum3A_73 : f32
    %add3A_76 = arith.addf %reduce_sum3A_67, %mul3A_75 : f32
    %mul3A_77 = arith.constant 3.125000e-06 : f32
    %mul3A_78 = arith.mulf %add3A_76, %mul3A_77 : f32
    %iota3A_79 = tpu.iota {dimensions = array<i32: 1>} : vector<8x128xi32>
    %iota3A_80 = tpu.iota {dimensions = array<i32: 0>} : vector<8x128xi32>
    %eq3A = arith.constant 0 : i32
    %eq3A_81 = vector.broadcast %eq3A : i32 to vector<8x128xi32>
    %eq3A_82 = arith.cmpi eq, %iota3A_80, %eq3A_81 : vector<8x128xi32>
    %eq3A_83 = arith.constant 0 : i32
    %eq3A_84 = vector.broadcast %eq3A_83 : i32 to vector<8x128xi32>
    %eq3A_85 = arith.cmpi eq, %iota3A_79, %eq3A_84 : vector<8x128xi32>
    %and3A = arith.andi %eq3A_82, %eq3A_85 : vector<8x128xi1>
    %eq3A_86 = arith.constant 0 : i32
    %eq3A_87 = vector.broadcast %eq3A_86 : i32 to vector<8x128xi32>
    %eq3A_88 = arith.cmpi eq, %iota3A_80, %eq3A_87 : vector<8x128xi32>
    %eq3A_89 = arith.constant 1 : i32
    %eq3A_90 = vector.broadcast %eq3A_89 : i32 to vector<8x128xi32>
    %eq3A_91 = arith.cmpi eq, %iota3A_79, %eq3A_90 : vector<8x128xi32>
    %and3A_92 = arith.andi %eq3A_88, %eq3A_91 : vector<8x128xi1>
    %jit3A = arith.constant 0.000000e+00 : f32
    %broadcast_in_dim3A_93 = vector.broadcast %mul3A_78 : f32 to vector<8x128xf32>
    %broadcast_in_dim3A_94 = vector.broadcast %jit3A : f32 to vector<8x128xf32>
    %select_n3A = arith.select %and3A_92, %broadcast_in_dim3A_93, %broadcast_in_dim3A_94 : vector<8x128xi1>, vector<8x128xf32>
    %broadcast_in_dim3A_95 = vector.broadcast %mul3A_20 : f32 to vector<8x128xf32>
    %select_n3A_96 = arith.select %and3A, %broadcast_in_dim3A_95, %select_n3A : vector<8x128xi1>, vector<8x128xf32>
    %swap3A = arith.constant 0 : index
    %swap3A_97 = arith.constant 0 : index
    %swap3A_98 = vector.load %arg3[%swap3A, %swap3A_97] : memref<8x128xf32, #tpu.memory_space<vmem>>, vector<8x128xf32>
    tpu.vector_store %arg3[%swap3A, %swap3A_97], %select_n3A_96 {strides = array<i32>} : memref<8x128xf32, #tpu.memory_space<vmem>>, vector<8x128xf32>,
    return
  }
}

</mosaic_0001>

<sc_bundles>
// kernel: kernel.4.cloned.1.call-start
scs
__scs_entry_jumppad:
0x0: {  	(pc) =	sbr.rel $0x88, $3  }
0x1: {  	(tag) =	ssettag $0x0;
	lr =	simm.s32 $0x1  }
0x2: {  	[smem:$0x3F9E] =	sst lr;
	_ =	strace $0xD0000000  }
0x3: {  	_ = 	snop  }
0x4: {  	_ = 	snop  }
0x5: {  	_ = 	snop  }
0x6: {  	_ = 	snop  }
0x7: {  	_ = 	snop  }
__scs_overlays_trampoline_lowered:
0x8: {  	[smem:$0x3FAD] =	sst s0  }
0x9: {  	[smem:$0x3FAE] =	sst s1  }
0xa: {  	[smem:$0x3FAF] =	sst s2  }
0xb: {  	[smem:$0x3FB0] =	sst s3  }
0xc: {  	[smem:$0x3FB1] =	sst s4  }
0xd: {  	[smem:$0x3FB2] =	sst s5  }
0xe: {  	[smem:$0x3FB3] =	sst s6  }
0xf: {  	[smem:$0x3FB4] =	sst s7  }
0x10: {  	[smem:$0x3FB5] =	sst s8  }
0x11: {  	[smem:$0x3FB6] =	sst s9;
	s0 =	simm.s32 @!p0 $0x0  }
0x12: {  	s1 =	sld [smem:$0x3F9C];
	s0 =	simm.s32 @p0 $0x1  }
0x13: {  	[smem:$0x3FB7] =	sst s0;
	s0 =	simm.s32 @!p1 $0x0  }
0x14: {  	s2 =	sld [smem:$0x3F9B];
	s0 =	simm.s32 @p1 $0x1  }
0x15: {  	[smem:$0x3FB8] =	sst s0;
	s0 =	simm.s32 @!p2 $0x0  }
0x16: {  	s3 =	sld [smem:$0x3FDB];
	s0 =	simm.s32 @p2 $0x1  }
0x17: {  	s4 =	simm.s32 $0x1BF5;
	[smem:$0x3FBA] =	sst s0  }
0x18: {  	s0 =	sld [smem:$0x3F9D];
	_ =	swait.ge [sflag:s4], $0x0  }
0x19: {  	s7 =	sld [smem:$0x3F9E]  }
0x1a: {  	s8 =	sadd.s32 $0xFFFFE003, lr  }
0x1b: {  	s9 =	sadd.s32 $0xFFFFFEF7, lr;
	s5 =	simm.s32 $0xFFFFFFFF;
	p2 =	slt.u32 s8, $0xFFFFF086  }
0x1c: {  	p1 =	slt.u32 s9, $0xF7A;
	s5 =	simm.s32 @!p2 $0x0  }
0x1d: {  	s5 =	simm.s32 @p1 $0x1;
	p0 =	seq.s32 s7, s2  }
0x1e: {  	s7 =	smul.u32 @!p0 $0xF7A, s2;
	p2 =	seq.s32 @!p0 s5, $0x0  }
0x1f: {  	s9 =	smul.u32 $0xF7A, s1;
	s8 =	simm.s32 @!p0 $0x1BF5;
	p2 =	por !p2, p0  }
0x20: {  	[sflag:s8] =	ssyncset.s32 @!p0 $0xFFFFF086;
	s6 =	sadd.s32 @!p0 s3, s7;
	s7 =	simm.s32 @!p0 $0x108  }
0x21: {  	s3 =	sadd.s32 s3, s9;
	s6 =	sadd.s32 @!p0 $0x88, s6;
	s7 =	simm.s32 @p2 $0x1082  }
0x22: {  	[simem:s7], [sflag:s8] =	dma.local @!p0 [hbm:s6], $0xF7A  }
0x23: {  	s9 =	sor.u32 $0xD0000000, s2;
	s6 =	simm.s32 $0x108;
	_ =	swait.ge @!p0 [sflag:s8], $0x0  }
0x24: {  	s3 =	sadd.s32 $0x88, s3;
	s6 =	simm.s32 @!p1 $0x1082;
	[sflag:s4] =	ssyncset.s32 $0xFFFFF086  }
0x25: {  	[simem:s6], [sflag:s4] =	dma.local [hbm:s3], $0xF7A  }
0x26: {  	[smem:$0x3F9E] =	sst s1;
	(tag) =	ssettag s2;
	_ =	strace s9  }
0x27: {  	s1 =	sld [smem:$0x3FAE]  }
0x28: {  	s2 =	sld [smem:$0x3FAF]  }
0x29: {  	s4 =	sld [smem:$0x3FB1]  }
0x2a: {  	p0 =	seq.s32 s5, $0x0;
	s5 =	sld [smem:$0x3FB2]  }
0x2b: {  	s6 =	sld [smem:$0x3FB3]  }
0x2c: {  	s7 =	sld [smem:$0x3FB4]  }
0x2d: {  	s3 =	simm.s32 $0x108;
	s8 =	sld [smem:$0x3FB5]  }
0x2e: {  	s3 =	simm.s32 @!p0 $0x1082;
	s9 =	sld [smem:$0x3FB6]  }
0x2f: {  	lr =	sadd.s32 s0, s3;
	s0 =	sld [smem:$0x3FAD]  }
0x30: {  	s3 =	sld [smem:$0x3FB0]  }
0x31: {  	[smem:$0x3FB9] =	sst s10  }
0x32: {  	s10 =	sld [smem:$0x3FB7];
	_ =	sdelay $0x3  }
0x33: {  	p0 =	seq.s32 s10, $0x1;
	s10 =	sld [smem:$0x3FB9];
	_ =	sdelay $0x3  }
0x34: {  	[smem:$0x3FB9] =	sst s10  }
0x35: {  	s10 =	sld [smem:$0x3FB8];
	_ =	sdelay $0x3  }
0x36: {  	p1 =	seq.s32 s10, $0x1;
	s10 =	sld [smem:$0x3FB9];
	_ =	sdelay $0x3  }
0x37: {  	[smem:$0x3FB9] =	sst s10  }
0x38: {  	s10 =	sld [smem:$0x3FBA]  }
0x39: {  	_ = 	snop;
	(pc) =	sbr.ind lr, $3  }
0x3a: {  	_ = 	snop  }
0x3b: {  	_ = 	snop  }
0x3c: {  	p2 =	seq.s32 s10, $0x1;
	s10 =	sld [smem:$0x3FB9]  }
0x3d: {  	_ =	shalt  }
0x3e: {  	_ =	shalt  }
0x3f: {  	_ =	shalt  }
0x40: {  	_ =	shalt  }
0x41: {  	_ =	shalt  }
0x42: {  	_ =	shalt  }
0x43: {  	_ =	shalt  }
0x44: {  	_ =	shalt  }
0x45: {  	_ =	shalt  }
0x46: {  	_ =	shalt  }
0x47: {  	_ =	shalt  }
0x48: {  	_ =	shalt  }
0x49: {  	_ =	shalt  }
0x4a: {  	_ =	shalt  }
0x4b: {  	_ =	shalt  }
0x4c: {  	_ =	shalt  }
0x4d: {  	_ =	shalt  }
0x4e: {  	_ =	shalt  }
0x4f: {  	_ =	shalt  }
0x50: {  	_ =	shalt  }
0x51: {  	_ =	shalt  }
0x52: {  	_ =	shalt  }
0x53: {  	_ =	shalt  }
0x54: {  	_ =	shalt  }
0x55: {  	_ =	shalt  }
0x56: {  	_ =	shalt  }
0x57: {  	_ =	shalt  }
0x58: {  	_ =	shalt  }
0x59: {  	_ =	shalt  }
0x5a: {  	_ =	shalt  }
0x5b: {  	_ =	shalt  }
0x5c: {  	_ =	shalt  }
0x5d: {  	_ =	shalt  }
0x5e: {  	_ =	shalt  }
0x5f: {  	_ =	shalt  }
0x60: {  	_ =	shalt  }
0x61: {  	_ =	shalt  }
0x62: {  	_ =	shalt  }
0x63: {  	_ =	shalt  }
0x64: {  	_ =	shalt  }
0x65: {  	_ =	shalt  }
0x66: {  	_ =	shalt  }
0x67: {  	_ =	shalt  }
0x68: {  	_ =	shalt  }
0x69: {  	_ =	shalt  }
0x6a: {  	_ =	shalt  }
0x6b: {  	_ =	shalt  }
0x6c: {  	_ =	shalt  }
0x6d: {  	_ =	shalt  }
0x6e: {  	_ =	shalt  }
0x6f: {  	_ =	shalt  }
0x70: {  	_ =	shalt  }
0x71: {  	_ =	shalt  }
0x72: {  	_ =	shalt  }
0x73: {  	_ =	shalt  }
0x74: {  	_ =	shalt  }
0x75: {  	_ =	shalt  }
0x76: {  	_ =	shalt  }
0x77: {  	_ =	shalt  }
0x78: {  	_ =	shalt  }
0x79: {  	_ =	shalt  }
0x7a: {  	_ =	shalt  }
0x7b: {  	_ =	shalt  }
0x7c: {  	_ =	shalt  }
0x7d: {  	_ =	shalt  }
0x7e: {  	_ =	shalt  }
0x7f: {  	_ =	shalt  }
0x80: {  	_ =	shalt  }
0x81: {  	_ =	shalt  }
0x82: {  	_ =	shalt  }
0x83: {  	_ =	shalt  }
0x84: {  	_ =	shalt  }
0x85: {  	_ =	shalt  }
0x86: {  	_ =	shalt  }
0x87: {  	_ =	shalt  }
.Lfunc_end0:
.L_simem_size_0:
called_computation_lowered:
.L_overlay_start_0:
0x88: {  	s2 =	sld [smem:$0x3FD9]  }
0x89: {  	s3 =	sld [smem:$0x3FFE];
	_ =	sdelay $0x1  }
0x8a: {  	s1 =	srdreg.scid  }
0x8b: {  	s0 =	sand.u32 $0x1, s1  }
0x8c: {  	s17 =	sshll.u32 s0, $0xA;
	s2 =	sadd.s32 s3, s2  }
0x8d: {  	s2 =	sadd.s32 s2, s17  }
0x8e: {  	[smem:$0x3FC5] =	sst s2  }
0x8f: {  	_ = 	snop  }
0x90: {  	s2 =	sld [smem:$0x3FC9]  }
0x91: {  	s18 =	sld [smem:$0x3FC8]  }
0x92: {  	s4 =	sld [smem:$0x3FC7];
	(tm) =	ssettm $0x1  }
0x93: {  	s5 =	sld [smem:$0x3FFB];
	_ =	sdelay $0x3  }
0x94: {  	_ =	strace s5  }
0x95: {  	s5 =	sld [smem:$0x3FFC];
	_ =	sdelay $0x3  }
0x96: {  	_ =	strace s5  }
0x97: {  	s5 =	sld [smem:$0x3FFD];
	_ =	sdelay $0x3  }
0x98: {  	_ =	strace s5  }
0x99: {  	_ =	strace $0x8FFFFFFF  }
0x9a: {  	s19 =	sld [smem:$0x3FDB];
	_ =	sdelay $0x1  }
0x9b: {  	s6 =	simm.s32 $_scs_section_size  }
0x9c: {  	s7 =	simm.s32 $_size__tile_overlayer_lowered;
	s8 =	simm.s32 $_tile_overlayer_lowered  }
0x9d: {  	s22 =	simm.s32 $0x1BFF;
	s21 =	sshll.u32 s8, $0x1;
	s5 =	sadd.s32 s6, s19  }
0x9e: {  	s9 =	simm.s32 $0x0;
	s20 =	sshll.u32 s7, $0x1;
	s7 =	sadd.s32 s21, s5  }
0x9f: {  	[timem:s9], [sflag:s22] =	dma.local [hbm:s7], s20  }
0xa0: {  	_ =	swait.ge [sflag:s22], s20  }
0xa1: {  	s6 =	ssub.s32 $0x0, s20;
	[sflag:s22] =	ssyncset.done $0x0  }
0xa2: {  	[sflag:s22] =	ssyncadd.s32 s6;
	_ =	sdelay $0x1  }
0xa3: {  	s23 =	simm.s32 $0x1B8B  }
0xa4: {  	_ =	swait.ge [sflag:s23], $0x1  }
0xa5: {  	[sflag:s23] =	ssyncset.done $0x0  }
0xa6: {  	s25 =	simm.s32 $0x1B8E;
	s24 =	sld [smem:$0x3FFE];
	[sflag:s23] =	ssyncadd.s32 $0xFFFFFFFF  }
0xa7: {  	s26 =	simm.s32 $execute0_lowered;
	[smem:$0x3FD2] =	sst s25  }
0xa8: {  	s7 =	sshll.u32 s26, $0x1;
	_ =	strace $0x80000046;
	[dreg:$0x1] =	wrdreg $0xFFFFFFFF  }
0xa9: {  	s28 =	simm.s32 $_size_execute0_lowered;
	s5 =	sadd.s32 s5, s7;
	[dreg:$0x0] =	wrdreg $0x0  }
0xaa: {  	s7 =	sshll.u32 s28, $0x1;
	[dreg:$0x2] =	wrdreg s5  }
0xab: {  	[dreg:$0x3] =	wrdreg s7  }
0xac: {  	[dreg:$0x4] =	wrdreg $0xC0  }
0xad: {  	_ =	task [dreg:s9], $0x5FFFF  }
0xae: {  	[dreg:$0x1] =	wrdreg $0xFFFFFFFF  }
0xaf: {  	[dreg:$0x0] =	wrdreg $0x60  }
0xb0: {  	[dreg:$0x2] =	wrdreg s2  }
0xb1: {  	[dreg:$0x3] =	wrdreg s18  }
0xb2: {  	[dreg:$0x4] =	wrdreg s4  }
0xb3: {  	[dreg:$0x5] =	wrdreg s24  }
0xb4: {  	[dreg:$0x6] =	wrdreg $0x186800  }
0xb5: {  	[dreg:$0x7] =	wrdreg $0x9  }
0xb6: {  	_ =	task.clear_ibuf [dreg:s9], $0x8FFFF;
	_ =	strace $0x90000046  }
0xb7: {  	s29 =	simm.s32 $0x9;
	_ =	strace $0x80000048  }
0xb8: {  	_ =	swait.ge [sflag:s29], $0x1  }
0xb9: {  	[sflag:s29] =	ssyncadd.s32 $0xFFFFFFFF  }
0xba: {  	_ =	strace $0x90000048  }
0xbb: {  	_ =	sfence  }
0xbc: {  	s30 =	sld [smem:$0x0];
	_ =	sdelay $0x2  }
0xbd: {  	s31 =	sshll.u32 s1, $0xD;
	s1 =	sshrl.u32 s1, $0x2  }
0xbe: {  	s3 =	sand.u32 $0x4000, s31;
	s1 =	sadd.s32 s1, s30  }
0xbf: {  	s0 =	sor.u32 s3, s0;
	s1 =	sshll.u32 s1, $0x11  }
0xc0: {  	s0 =	sor.u32 s1, s0  }
0xc1: {  	s0 =	sadd.s32 $0x8F2B, s0  }
0xc2: {  	[sflag:s0] =	ssyncadd.remote.s32 $0x1  }
0xc3: {  	_ =	sfence.sel $0xFFFF  }
0xc4: {  	[dreg:$0x0] =	wrdreg $0xFFFFFFFF;
	(pc) =	sbr.abs _section_cstart, $3  }
0xc5: {  	[dreg:$0x1] =	wrdreg $0xFFFFFFFF  }
0xc6: {  	_ =	task.clear_ibuf [dreg:s9], $0x2FFFF;
	_ =	strace $0x9FFFFFFF  }
0xc7: {  	(tm) =	ssettm $0x7FFFFFFF  }
tec
execute0_lowered:
.L_overlay_start_1:
0x0: {  	(tag) =	ssettag $0x1  }
0x1: {  	s1 =	rddreg [dreg:$0x0]  }
0x2: {  	s9 =	rddreg [dreg:$0x1]  }
0x3: {  	s3 =	rddreg [dreg:$0x2]  }
0x4: {  	s0 =	rddreg [dreg:$0x3]  }
0x5: {  	s10 =	rddreg [dreg:$0x4];
	s5 =	simm.s32 $0x0  }
0x6: {  	s2 =	srdreg.scid;
	s11 =	stileid.u32;
	s30 =	simm.s32 $0x80  }
0x7: {  	s29 =	simm.s32 $0x10300;
	s28 =	simm.s32 $0x3;
	[smem:$0x7FF] =	sst s5  }
0x8: {  	s2 =	sand.u32 $0x1, s2;
	s4 =	sadd.s32 $0x1000, s0;
	s8 =	sadd.s32 $0x11800, s0  }
0x9: {  	s26 =	sshll.u32 s11, $0x1;
	s13 =	sshll.u32 s11, $0xE;
	_ =	strace $0x80000047  }
0xa: {  	[dreg:$0x6] =	wrdreg s4;
	s6 =	sshll.u32 s2, $0x4;
	s12 =	sor.u32 s2, s26  }
0xb: {  	s0 =	sadd.s32 s6, s0;
	s6 =	sadd.s32 s13, s10;
	[dreg:$0x7] =	wrdreg s12  }
0xc: {  	s25 =	ssub.s32 $0x2, s2;
	s21 =	sor.u32 $0x60, s12;
	[dreg:$0x8] =	wrdreg s6  }
0xd: {  	s7 =	sshrl.u32 s25, $0x1;
	s22 =	sor.u32 $0x80, s12;
	[dreg:$0x10] =	wrdreg s21  }
0xe: {  	s15 =	sshll.u32 s12, $0x5;
	s23 =	sor.u32 $0x20, s12;
	[dreg:$0x11] =	wrdreg s22  }
0xf: {  	s13 =	sadd.s32 $0x10, s9;
	s24 =	sor.u32 $0xA0, s12;
	[dreg:$0x12] =	wrdreg s23  }
0x10: {  	s4 =	ssub.s32 s25, s7;
	s7 =	sadd.s32 s15, s13;
	[dreg:$0x13] =	wrdreg s24  }
0x11: {  	s31 =	sshll.u32 s11, $0xC;
	s16 =	sadd.s32 s9, s15;
	[dreg:$0xb] =	wrdreg s7  }
0x12: {  	s14 =	sshll.u32 s11, $0x6;
	s25 =	sor.u32 $0x40, s12;
	[dreg:$0xa] =	wrdreg s16  }
0x13: {  	s0 =	sadd.s32 s31, s0;
	s31 =	sor.u32 $0x1380, s12;
	[dreg:$0x14] =	wrdreg s25  }
0x14: {  	s2 =	simm.s32 $0x10;
	s6 =	sor.u32 $0x1C10, s14;
	[dreg:$0x17] =	wrdreg s31  }
0x15: {  	s10 =	simm.s32 $0x1;
	s17 =	sadd.s32 $0x400, s16;
	[dreg:$0x9] =	wrdreg s6  }
0x16: {  	s14 =	simm.s32 $0x300;
	s18 =	sadd.s32 $0x410, s16;
	[dreg:$0xc] =	wrdreg s17  }
0x17: {  	s15 =	simm.s32 $0x4300;
	s19 =	sadd.s32 $0x800, s16;
	[dreg:$0xd] =	wrdreg s18  }
.Ltmp0:
0x18: {  	s20 =	sadd.s32 $0x810, s16;
	[dreg:$0xe] =	wrdreg s19;
	(pc) =	sbr.rel .LBB2_1-.Ltmp0, $4  }
0x19: {  	s0 =	sadd.s32 $0x1800, s0;
	s26 =	smax.u32 s4, $0x1;
	[dreg:$0xf] =	wrdreg s20  }
0x1a: {  	s16 =	simm.s32 $0x2;
	s25 =	simm.s32 $0x5;
	[dreg:$0x15] =	wrdreg s0  }
0x1b: {  	v0 =	vlaneseq.u32;
	s7 =	simm.s32 $0x14300;
	s4 =	simm.s32 $0x0;
	[dreg:$0x16] =	wrdreg s26  }
0x1c: {  	v1 =	vimm.f32 $1.000000000e+00;
	v2 =	vmul.u32 $0x80, v0;
	s26 =	sadd.s32 $0x10, s3;
	s17 =	simm.s32 $0x8300;
	s18 =	simm.s32 $0xC300  }
.LBB2_24:
0x1d: {  	s0 =	simm.s32 $0xA  }
0x1e: {  	_ =	swait.ge [sflag:s0], $0x80  }
0x1f: {  	[sflag:s0] =	ssyncset.done $0x0  }
0x20: {  	s12 =	simm.s32 $0xD;
	[sflag:s0] =	ssyncadd.s32 $0xFFFFFF80  }
0x21: {  	_ =	swait.ge [sflag:s12], $0x80  }
0x22: {  	[sflag:s12] =	ssyncset.done $0x0  }
0x23: {  	s19 =	simm.s32 $0xB;
	[sflag:s12] =	ssyncadd.s32 $0xFFFFFF80  }
0x24: {  	_ =	swait.ge [sflag:s19], $0x80  }
0x25: {  	[sflag:s19] =	ssyncset.done $0x0  }
0x26: {  	s20 =	simm.s32 $0xE;
	[sflag:s19] =	ssyncadd.s32 $0xFFFFFF80  }
0x27: {  	_ =	swait.ge [sflag:s20], $0x80  }
0x28: {  	[sflag:s20] =	ssyncset.done $0x0  }
0x29: {  	s21 =	simm.s32 $0xC;
	[sflag:s20] =	ssyncadd.s32 $0xFFFFFF80  }
0x2a: {  	_ =	swait.ge [sflag:s21], $0x80  }
0x2b: {  	[sflag:s21] =	ssyncset.done $0x0  }
0x2c: {  	s22 =	simm.s32 $0xF;
	[sflag:s21] =	ssyncadd.s32 $0xFFFFFF80  }
0x2d: {  	_ =	swait.ge [sflag:s22], $0x80  }
0x2e: {  	[sflag:s22] =	ssyncset.done $0x0  }
0x2f: {  	[sflag:s22] =	ssyncadd.s32 $0xFFFFFF80  }
0x30: {  	[bflag:$0x0] =	sbarrier.arrive $0xFFFF  }
0x31: {  	s6 =	rddreg [dreg:$0x9]  }
0x32: {  	s23 =	rddreg [dreg:$0x15]  }
0x33: {  	s2 =	simm.s32 $0x10;
	s4 =	simm.s32 $0x20;
	s9 =	rddreg [dreg:$0x19]  }
0x34: {  	[hbm:s23@s4], [sflag:s6] =	dma.strided [spmem:s9@s2], $0x800, s10, $0x10   }
0x35: {  	_ =	swait.ge [sflag:s2], $0x800  }
0x36: {  	s24 =	rddreg [dreg:$0x18]  }
0x37: {  	s31 =	rddreg [dreg:$0x16];
	s4 =	sadd.s32 $0x1, s24  }
0x38: {  	p0 =	sne.s32 s4, s31  }
.Ltmp1:
0x39: {  	_ = 	snop;
	(pc) =	sbr.rel @!p0 .LBB2_25-.Ltmp1, $3  }
0x3a: {  	_ =	sdelay $0x1  }
0x3b: {  	[sflag:s2] =	ssyncset.done $0x0  }
0x3c: {  	[sflag:s2] =	ssyncadd.s32 $0xFFFFF800  }
.LBB2_1:
0x3d: {  	[dreg:$0x18] =	wrdreg s4  }
0x3e: {  	s0 =	rddreg [dreg:$0x8]  }
0x3f: {  	s31 =	rddreg [dreg:$0x6];
	s24 =	sshrl.u32 s0, $0x3  }
0x40: {  	[dreg:$0x19] =	wrdreg s24  }
0x41: {  	[spmem:s24], [sflag:s6] =	dma.local [hbm:s31], $0x800  }
0x42: {  	_ =	swait.ge [sflag:s2], $0x800  }
0x43: {  	[sflag:s2] =	ssyncset.done $0x0  }
0x44: {  	[sflag:s2] =	ssyncadd.s32 $0xFFFFF800  }
0x45: {  	[tilespmem:$0x18600] =	vst v1  }
0x46: {  	[tilespmem:$0x18610] =	vst v1  }
0x47: {  	[tilespmem:$0x18620] =	vst v1  }
0x48: {  	[tilespmem:$0x18630] =	vst v1  }
0x49: {  	[tilespmem:$0x18640] =	vst v1  }
0x4a: {  	[tilespmem:$0x18650] =	vst v1  }
0x4b: {  	[tilespmem:$0x18660] =	vst v1  }
0x4c: {  	[tilespmem:$0x18670] =	vst v1  }
0x4d: {  	[bflag:$0x0] =	sbarrier.arrive $0xFFFF  }
0x4e: {  	s9 =	rddreg [dreg:$0xa]  }
0x4f: {  	[tilespmem:s5], [sflag:$0x1] =	stream.linear.gather [hbm4b:s9+s5], $0x80, $0x38;
	[tilespmem:$0x1C688] =	vst v63  }
0x50: {  	s11 =	rddreg [dreg:$0xb]  }
0x51: {  	[tilespmem:s30], [sflag:$0x1] =	stream.linear.gather [hbm4b:s11+s5], $0x80, $0x38;
	[tilespmem:$0x1C688] =	vst v63  }
0x52: {  	s19 =	simm.s32 $0x100;
	s12 =	rddreg [dreg:$0xc]  }
0x53: {  	[tilespmem:s19], [sflag:$0x2] =	stream.linear.gather [hbm4b:s12+s5], $0x80, $0x38;
	[tilespmem:$0x1C688] =	vst v63  }
0x54: {  	s21 =	simm.s32 $0x180;
	s20 =	rddreg [dreg:$0xd]  }
0x55: {  	[tilespmem:s21], [sflag:$0x2] =	stream.linear.gather [hbm4b:s20+s5], $0x80, $0x38;
	[tilespmem:$0x1C688] =	vst v63  }
0x56: {  	s23 =	simm.s32 $0x200;
	s22 =	rddreg [dreg:$0xe]  }
0x57: {  	[tilespmem:s23], [sflag:$0x3] =	stream.linear.gather [hbm4b:s22+s5], $0x80, $0x38;
	[tilespmem:$0x1C688] =	vst v63  }
0x58: {  	s31 =	simm.s32 $0x280;
	s24 =	rddreg [dreg:$0xf]  }
0x59: {  	[tilespmem:s31], [sflag:$0x3] =	stream.linear.gather [hbm4b:s24+s5], $0x80, $0x38;
	[tilespmem:$0x1C688] =	vst v63  }
0x5a: {  	_ =	swait.ge [sflag:s10], $0x80  }
0x5b: {  	[sflag:s10] =	ssyncset.done $0x0  }
0x5c: {  	[sflag:s10] =	ssyncadd.s32 $0xFFFFFF80  }
0x5d: {  	_ =	swait.ge [sflag:s10], $0x80  }
0x5e: {  	[sflag:s10] =	ssyncset.done $0x0  }
0x5f: {  	[sflag:s10] =	ssyncadd.s32 $0xFFFFFF80  }
0x60: {  	[tilespmem:s14], [sflag:$0x4] =	stream.indirect.gather [hbm4b:s1+s30], $0x80, s5, s30, $0xb8;
	[tilespmem:$0x1C688] =	vst v63  }
0x61: {  	_ = 	snop  }
0x62: {  	[tilespmem:s15], [sflag:$0x5] =	stream.indirect.gather [hbm4b:s1+s30], $0x80, s30, s30, $0xb8;
	[tilespmem:$0x1C688] =	vst v63  }
0x63: {  	_ =	swait.ge [sflag:s16], $0x80  }
0x64: {  	[sflag:s16] =	ssyncset.done $0x0  }
0x65: {  	[sflag:s16] =	ssyncadd.s32 $0xFFFFFF80  }
0x66: {  	_ =	swait.ge [sflag:s16], $0x80  }
0x67: {  	[sflag:s16] =	ssyncset.done $0x0  }
0x68: {  	[sflag:s16] =	ssyncadd.s32 $0xFFFFFF80  }
0x69: {  	[tilespmem:s17], [sflag:$0x6] =	stream.indirect.gather [hbm4b:s1+s30], $0x80, s19, s30, $0xb8;
	[tilespmem:$0x1C688] =	vst v63  }
0x6a: {  	s9 =	simm.s32 $0x0  }
0x6b: {  	[tilespmem:s18], [sflag:$0x7] =	stream.indirect.gather [hbm4b:s1+s30], $0x80, s21, s30, $0xb8;
	[tilespmem:$0x1C688] =	vst v63  }
.LBB2_2:
0x6c: {  	p1 =	seq.s32 s9, $0x34  }
.Ltmp2:
0x6d: {  	_ = 	snop;
	(pc) =	sbr.rel @!p1 .LBB2_3-.Ltmp2, $1  }
0x6e: {  	_ =	sdelay $0x3  }
0x6f: {  	s0 =	simm.s32 $0x4  }
0x70: {  	_ =	swait.ge [sflag:s0], $0x4000  }
.Ltmp3:
0x71: {  	[sflag:s0] =	ssyncset.done $0x0;
	(pc) =	sbr.rel .LBB2_6-.Ltmp3, $4  }
0x72: {  	[sflag:s0] =	ssyncadd.s32 $0xFFFFC000  }
0x73: {  	_ =	swait.ge [sflag:s25], $0x4000  }
0x74: {  	[sflag:s25] =	ssyncset.done $0x0  }
0x75: {  	s0 =	simm.s32 $0x1380;
	s20 =	rddreg [dreg:$0x17];
	[sflag:s25] =	ssyncadd.s32 $0xFFFFC000  }
.LBB2_3:
0x76: {  	_ =	swait.ge [sflag:s28], $0x80  }
0x77: {  	[sflag:s28] =	ssyncset.done $0x0  }
0x78: {  	[sflag:s28] =	ssyncadd.s32 $0xFFFFFF80  }
0x79: {  	_ =	swait.ge [sflag:s28], $0x80  }
0x7a: {  	[sflag:s28] =	ssyncset.done $0x0  }
0x7b: {  	s0 =	simm.s32 $0x200;
	[sflag:s28] =	ssyncadd.s32 $0xFFFFFF80  }
0x7c: {  	[tilespmem:s29], [sflag:$0x8] =	stream.indirect.gather [hbm4b:s1+s30], $0x80, s0, s30, $0xb8;
	[tilespmem:$0x1C688] =	vst v63  }
0x7d: {  	s23 =	simm.s32 $0x280;
	s2 =	simm.s32 $0x4  }
0x7e: {  	[tilespmem:s7], [sflag:$0x9] =	stream.indirect.gather [hbm4b:s1+s30], $0x80, s23, s30, $0xb8;
	[tilespmem:$0x1C688] =	vst v63  }
0x7f: {  	_ =	swait.ge [sflag:s2], $0x4000  }
0x80: {  	s0 =	smul.u32 $0x60, s9;
	[sflag:s2] =	ssyncset.done $0x0  }
0x81: {  	s24 =	rddreg [dreg:$0x10];
	[sflag:s2] =	ssyncadd.s32 $0xFFFFC000  }
0x82: {  	s2 =	sadd.s32 s24, s0;
	_ =	swait.ge [sflag:s25], $0x4000  }
0x83: {  	p0 =	slt.u32 s2, $0x9C4;
	[sflag:s25] =	ssyncset.done $0x0  }
0x84: {  	s11 =	sshll.u32 @p0 s2, $0x5;
	[sflag:s25] =	ssyncadd.s32 $0xFFFFC000  }
0x85: {  	s12 =	simm.s32 @p0 $0x0;
	p3 =	sgt.u32 @!p0 s2, $0x1387;
	s4 =	rddreg [dreg:$0x1]  }
0x86: {  	p2 =	por !p3, p0;
	p3 =	por p3, p0;
	s4 =	sadd.s32 @p0 s4, s11  }
0x87: {  	[tilespmem:s12], [sflag:$0x1] =	stream.linear.gather @p0 [hbm4b:s4+s12], $0x80, $0x38;
	[tilespmem:$0x1C688] =	vst v63  }
0x88: {  	s2 =	sshll.u32 @!p3 s2, $0x8;
	s4 =	simm.s32 @!p2 $0x0  }
0x89: {  	[tilespmem:s4], [sflag:$0x1] =	stream.linear.gather @!p2 [hbm4b:s3+s4], $0x80, $0x38;
	[tilespmem:$0x1C688] =	vst v63  }
0x8a: {  	s4 =	sadd.s32 @!p3 $0xFFF63C00, s2  }
0x8b: {  	s2 =	sadd.s32 @!p3 $0xFFF63C80, s2;
	s4 =	sshrl.u32 @!p3 s4, $0x3  }
0x8c: {  	s12 =	simm.s32 @!p3 $0x0;
	s2 =	sshrl.u32 @!p3 s2, $0x3;
	s4 =	sadd.s32 @!p3 s3, s4  }
0x8d: {  	[tilespmem:s12], [sflag:$0x1] =	stream.linear.gather @!p3 [hbm4b:s4+s12], $0x80, $0x38;
	[tilespmem:$0x1C688] =	vst v63  }
0x8e: {  	s2 =	sadd.s32 @!p3 s3, s2;
	s4 =	smov.u32 s26  }
0x8f: {  	s11 =	sadd.s32 @p0 s11, s13;
	s4 =	smov.u32 @p2 s2  }
0x90: {  	s4 =	smov.u32 @p0 s11;
	p0 =	seq.s32 s9, $0x0  }
.Ltmp4:
0x91: {  	_ = 	snop;
	(pc) =	sbr.rel @p0 .LBB2_4-.Ltmp4, $4  }
0x92: {  	_ = 	snop  }
0x93: {  	s31 =	rddreg [dreg:$0x7]  }
0x94: {  	s20 =	sor.u32 s31, s0;
	s2 =	simm.s32 $0x0  }
0x95: {  	[tilespmem:s30], [sflag:$0x1] =	stream.linear.gather [hbm4b:s4+s2], $0x80, $0x38;
	[tilespmem:$0x1C688] =	vst v63  }
.LBB2_6:
0x96: {  	s2 =	simm.s32 $0xA  }
0x97: {  	_ =	swait.ge [sflag:s2], $0x80  }
0x98: {  	[sflag:s2] =	ssyncset.done $0x0  }
0x99: {  	s31 =	simm.s32 $0xD;
	[sflag:s2] =	ssyncadd.s32 $0xFFFFFF80  }
0x9a: {  	_ =	swait.ge [sflag:s31], $0x80  }
0x9b: {  	[sflag:s31] =	ssyncset.done $0x0  }
0x9c: {  	p0 =	por $0x0, $0x0;
	s2 =	smov.u32 s0;
	[sflag:s31] =	ssyncadd.s32 $0xFFFFFF80  }
.LBB2_7:
0x9d: {  	s21 =	simm.s32 $0x0  }
.LBB2_8:
0x9e: {  	s23 =	sshll.u32 s21, $0x4  }
0x9f: {  	s0 =	simm.s32 $0x17;
	v3 =	vmov s23  }
0xa0: {  	v4 =	vadd.s32 s0, v0;
	v3 =	vshll.u32 v3, $0x7  }
0xa1: {  	s4 =	simm.s32 $0x18;
	v4 =	vand.u32 $0x7F, v4;
	v3 =	vor.u32 v2, v3  }
0xa2: {  	s6 =	simm.s32 $0x1B;
	v5 =	vadd.s32 s4, v0;
	v4 =	vor.u32 v3, v4  }
0xa3: {  	s4 =	simm.s32 $0x16;
	v6 =	vadd.s32 s6, v0;
	v5 =	vand.u32 $0x7F, v5  }
0xa4: {  	s31 =	simm.s32 $0x15;
	v7 =	vadd.s32 s4, v0;
	v6 =	vand.u32 $0x7F, v6;
	v9 =	vor.u32 v3, v5  }
0xa5: {  	v20 =	vadd.s32 s31, v0;
	v7 =	vand.u32 $0x7F, v7;
	v10 =	vor.u32 v3, v6  }
0xa6: {  	s11 =	simm.s32 $0x1C;
	v20 =	vand.u32 $0x7F, v20;
	v11 =	vor.u32 v3, v7  }
0xa7: {  	s12 =	simm.s32 $0x13;
	v5 =	vadd.s32 s11, v0;
	v20 =	vor.u32 v3, v20;
	v13 =	vld.idx.msk [tilespmem:v4+s14+$0x0], $0xffff  }
0xa8: {  	v6 =	vadd.s32 s12, v0;
	v5 =	vand.u32 $0x7F, v5;
	v14 =	vld.idx.msk [tilespmem:v4+s15+$0x0], $0xffff  }
0xa9: {  	s22 =	simm.s32 $0xD;
	v8 =	vor.u32 v0, v3;
	v12 =	vor.u32 v3, v5;
	v5 =	vand.u32 $0x7F, v6;
	v4 =	vld.idx.msk [tilespmem:v9+s15+$0x0], $0xffff  }
0xaa: {  	v17 =	vadd.s32 s22, v8;
	v15 =	vor.u32 v3, v5;
	v5 =	vld.idx.msk [tilespmem:v10+s15+$0x0], $0xffff  }
0xab: {  	v7 =	vld.idx.msk [tilespmem:v11+s15+$0x0], $0xffff  }
0xac: {  	v34 =	vld.idx.msk [tilespmem:v20+s14+$0x0], $0xffff  }
0xad: {  	s22 =	simm.s32 $0x3;
	v35 =	vld.idx.msk [tilespmem:v20+s15+$0x0], $0xffff  }
0xae: {  	v27 =	vadd.s32 s22, v8;
	v20 =	vld.idx.msk [tilespmem:v9+s14+$0x0], $0xffff  }
0xaf: {  	v25 =	vld.idx.msk [tilespmem:v17+s14+$0x0], $0xffff  }
0xb0: {  	s19 =	simm.s32 $0x11;
	v26 =	vld.idx.msk [tilespmem:v17+s15+$0x0], $0xffff  }
0xb1: {  	v6 =	vadd.s32 s19, v0;
	s22 =	simm.s32 $0x8;
	v22 =	vld.idx.msk [tilespmem:v12+s14+$0x0], $0xffff  }
0xb2: {  	s24 =	simm.s32 $0x1A;
	v6 =	vand.u32 $0x7F, v6;
	v49 =	vadd.s32 s22, v8;
	v12 =	vld.idx.msk [tilespmem:v12+s15+$0x0], $0xffff  }
0xb3: {  	v16 =	vor.u32 v3, v6;
	v6 =	vadd.s32 s24, v0;
	v37 =	vld.idx.msk [tilespmem:v27+s15+$0x0], $0xffff  }
0xb4: {  	s12 =	simm.s32 $0x1F;
	v6 =	vand.u32 $0x7F, v6;
	v48 =	vld.idx.msk [tilespmem:v27+s14+$0x0], $0xffff  }
0xb5: {  	v18 =	vadd.s32 s12, v0;
	v19 =	vor.u32 v3, v6;
	v24 =	vld.idx.msk [tilespmem:v15+s14+$0x0], $0xffff  }
0xb6: {  	v6 =	vand.u32 $0x7F, v18;
	v15 =	vld.idx.msk [tilespmem:v15+s15+$0x0], $0xffff  }
0xb7: {  	s6 =	simm.s32 $0x19;
	v18 =	vor.u32 v3, v6;
	v28 =	vld.idx.msk [tilespmem:v49+s15+$0x0], $0xffff  }
0xb8: {  	v17 =	vadd.s32 s6, v0;
	s6 =	simm.s32 $0x1;
	v6 =	vld.idx.msk [tilespmem:v16+s15+$0x0], $0xffff  }
0xb9: {  	v9 =	vadd.s32 s6, v8;
	v16 =	vld.idx.msk [tilespmem:v16+s14+$0x0], $0xffff  }
0xba: {  	s4 =	simm.s32 $0x1E;
	v17 =	vand.u32 $0x7F, v17;
	v29 =	vld.idx.msk [tilespmem:v19+s14+$0x0], $0xffff  }
0xbb: {  	v21 =	vadd.s32 s4, v0;
	v17 =	vor.u32 v3, v17;
	v30 =	vld.idx.msk [tilespmem:v19+s15+$0x0], $0xffff  }
0xbc: {  	v21 =	vand.u32 $0x7F, v21;
	v31 =	vld.idx.msk [tilespmem:v18+s14+$0x0], $0xffff  }
0xbd: {  	s11 =	simm.s32 $0x1D;
	v19 =	vor.u32 v3, v21;
	v32 =	vld.idx.msk [tilespmem:v18+s15+$0x0], $0xffff  }
0xbe: {  	v21 =	vadd.s32 s11, v0;
	v47 =	vld.idx.msk [tilespmem:v9+s15+$0x0], $0xffff  }
0xbf: {  	v21 =	vand.u32 $0x7F, v21;
	v50 =	vld.idx.msk [tilespmem:v9+s14+$0x0], $0xffff  }
0xc0: {  	v18 =	vor.u32 v3, v21;
	v38 =	vld.idx.msk [tilespmem:v17+s14+$0x0], $0xffff  }
0xc1: {  	v43 =	vld.idx.msk [tilespmem:v17+s15+$0x0], $0xffff  }
0xc2: {  	s19 =	simm.s32 $0x0;
	v21 =	vld.idx.msk [tilespmem:v19+s15+$0x0], $0xffff  }
0xc3: {  	v17 =	vor.u32 s19, v8;
	v23 =	vld.idx.msk [tilespmem:v19+s14+$0x0], $0xffff  }
0xc4: {  	s19 =	simm.s32 $0x6;
	v19 =	vld.idx.msk [tilespmem:v11+s14+$0x0], $0xffff  }
0xc5: {  	v46 =	vadd.s32 s19, v8;
	v39 =	vld.idx.msk [tilespmem:v18+s14+$0x0], $0xffff  }
0xc6: {  	s31 =	simm.s32 $0x2;
	v40 =	vld.idx.msk [tilespmem:v18+s15+$0x0], $0xffff  }
0xc7: {  	v11 =	vadd.s32 s31, v8;
	v18 =	vld.idx.msk [tilespmem:v10+s14+$0x0], $0xffff  }
0xc8: {  	s24 =	simm.s32 $0x4;
	v33 =	vld.idx.msk [tilespmem:v17+s14+$0x0], $0xffff  }
0xc9: {  	v10 =	vadd.s32 s24, v8;
	v36 =	vld.idx.msk [tilespmem:v17+s15+$0x0], $0xffff  }
0xca: {  	s11 =	simm.s32 $0x7;
	v52 =	vld.idx.msk [tilespmem:v46+s15+$0x0], $0xffff  }
0xcb: {  	v44 =	vadd.s32 s11, v8;
	v59 =	vld.idx.msk [tilespmem:v46+s14+$0x0], $0xffff  }
0xcc: {  	s11 =	simm.s32 $0xB;
	v42 =	vld.idx.msk [tilespmem:v11+s14+$0x0], $0xffff  }
0xcd: {  	v9 =	vmul.f32 v14, v13;
	v13 =	vmul.f32 v32, v31;
	v31 =	vadd.s32 s11, v8;
	v11 =	vld.idx.msk [tilespmem:v11+s15+$0x0], $0xffff  }
0xce: {  	s6 =	simm.s32 $0xE;
	s24 =	simm.s32 $0x5;
	v41 =	vld.idx.msk [tilespmem:v10+s15+$0x0], $0xffff  }
0xcf: {  	v60 =	vadd.s32 s6, v8;
	s31 =	simm.s32 $0xA;
	v27 =	vadd.s32 s24, v8;
	v45 =	vld.idx.msk [tilespmem:v10+s14+$0x0], $0xffff  }
0xd0: {  	v14 =	vmul.f32 v26, v25;
	v51 =	vld.idx.msk [tilespmem:v44+s15+$0x0], $0xffff;
	s24 =	simm.s32 $0x14;
	v10 =	vmul.f32 v12, v22;
	v22 =	vadd.s32 s31, v8  }
0xd1: {  	s4 =	simm.s32 $0xC;
	v62 =	vmul.f32 v37, v48;
	v61 =	vld.idx.msk [tilespmem:v44+s14+$0x0], $0xffff;
	v17 =	vmul.f32 v15, v24;
	v63 =	vadd.s32 s24, v0  }
0xd2: {  	v32 =	vld.idx.msk [tilespmem:v31+s15+$0x0], $0xffff;
	v12 =	vmul.f32 v30, v29;
	v15 =	vmul.f32 v36, v33;
	v36 =	vadd.s32 s4, v8  }
0xd3: {  	v33 =	vld.idx.msk [tilespmem:v49+s14+$0x0], $0xffff;
	v29 =	vimm.f32 $0.0e+00;
	v44 =	vmul.f32 v52, v59;
	v26 =	vmul.f32 v11, v42  }
0xd4: {  	s22 =	simm.s32 $0x10;
	v24 =	vld.idx.msk [tilespmem:v27+s15+$0x0], $0xffff;
	v30 =	vadd.f32 v15, v29;
	v11 =	vmul.f32 v47, v50;
	v41 =	vmul.f32 v41, v45  }
0xd5: {  	v15 =	vmul.f32 v35, v34;
	v34 =	vor.u32 s22, v8;
	v42 =	vadd.f32 v62, v29;
	v37 =	vld.idx.msk [tilespmem:v22+s15+$0x0], $0xffff  }
0xd6: {  	s19 =	simm.s32 $0x12;
	v25 =	vadd.f32 v11, v29;
	v11 =	vmul.f32 v40, v39;
	v35 =	vadd.f32 v41, v30;
	v41 =	vld.idx.msk [tilespmem:v22+s14+$0x0], $0xffff  }
0xd7: {  	v40 =	vadd.f32 v26, v29;
	v29 =	vld.idx.msk [tilespmem:v36+s15+$0x0], $0xffff;
	v26 =	vadd.s32 s19, v0;
	v45 =	vmul.f32 v51, v61  }
0xd8: {  	s31 =	simm.s32 $0xF;
	v39 =	vld.idx.msk [tilespmem:v60+s14+$0x0], $0xffff;
	v26 =	vand.u32 $0x7F, v26;
	v22 =	vmul.f32 v43, v38;
	v38 =	vand.u32 $0x7F, v63  }
0xd9: {  	s0 =	simm.s32 $0x9;
	s11 =	simm.s32 $0x0;
	v30 =	vld.idx.msk [tilespmem:v60+s15+$0x0], $0xffff;
	v26 =	vor.u32 v3, v26;
	v43 =	vadd.s32 s31, v8;
	v38 =	vor.u32 v3, v38  }
.LBB2_9:
0xda: {  	s11 =	sadd.s32 $0x8, s11;
	v28 =	vmul.f32 v28, v33;
	v33 =	vadd.s32 s0, v8;
	v36 =	vld.idx.msk [tilespmem:v36+s14+$0x0], $0xffff;
	v21 =	vmul.f32 v21, v23;
	s12 =	sadd.s32 $0x20, s12  }
0xdb: {  	v37 =	vmul.f32 v37, v41;
	s0 =	sadd.s32 $0xFFFFFFF8, s12;
	s4 =	sadd.s32 $0xFFFFFFF9, s12;
	p2 =	slt.u32 s11, $0x18;
	v23 =	vld.idx.msk [tilespmem:v27+s14+$0x0], $0xffff;
	v27 =	vadd.f32 v44, v40;
	v40 =	vadd.f32 v45, v42  }
0xdc: {  	s22 =	sadd.s32 $0xFFFFFFF4, s12;
	v41 =	vadd.s32 s0, v0;
	v42 =	vadd.s32 s4, v0;
	s0 =	sadd.s32 $0xFFFFFFFC, s12;
	s4 =	sadd.s32 $0xFFFFFFFD, s12;
	v28 =	vadd.f32 v28, v35;
	v31 =	vld.idx.msk [tilespmem:v31+s14+$0x0], $0xffff  }
0xdd: {  	s19 =	sadd.s32 $0xFFFFFFEE, s12;
	s6 =	sadd.s32 $0xFFFFFFF2, s12;
	s31 =	sadd.s32 $0xFFFFFFF7, s12;
	v35 =	vadd.s32 s22, v0;
	v41 =	vand.u32 $0x7F, v41;
	v42 =	vand.u32 $0x7F, v42;
	v44 =	vld.idx.msk [tilespmem:v34+s14+$0x0], $0xffff  }
0xde: {  	s24 =	sadd.s32 $0xFFFFFFFB, s12;
	s22 =	sadd.s32 $0xFFFFFFF6, s12;
	v45 =	vadd.s32 s31, v0;
	v46 =	vadd.s32 s0, v0;
	v47 =	vadd.s32 s4, v0;
	s0 =	sadd.s32 $0xFFFFFFFF, s12;
	v48 =	vld.idx.msk [tilespmem:v43+s15+$0x0], $0xffff  }
0xdf: {  	s31 =	sadd.s32 $0xFFFFFFFA, s12;
	v35 =	vand.u32 $0x7F, v35;
	v45 =	vand.u32 $0x7F, v45;
	s4 =	sadd.s32 $0xFFFFFFFE, s12;
	v46 =	vand.u32 $0x7F, v46;
	v49 =	vld.idx.msk [tilespmem:v33+s15+$0x0], $0xffff  }
0xe0: {  	v27 =	vadd.f32 v37, v27;
	v47 =	vand.u32 $0x7F, v47;
	v29 =	vmul.f32 v29, v36;
	v36 =	vld.idx.msk [tilespmem:v43+s14+$0x0], $0xffff  }
0xe1: {  	v37 =	vor.u32 v3, v47;
	v23 =	vmul.f32 v24, v23;
	v24 =	vmul.f32 v30, v39;
	v30 =	vld.idx.msk [tilespmem:v34+s15+$0x0], $0xffff  }
0xe2: {  	v34 =	vor.u32 v3, v41;
	v31 =	vmul.f32 v32, v31;
	v28 =	vadd.f32 v29, v28;
	v29 =	vld.idx.msk [tilespmem:v38+s14+$0x0], $0xffff  }
0xe3: {  	v32 =	vadd.s32 s19, v8;
	v23 =	vadd.f32 v23, v25;
	v39 =	vadd.f32 v24, v27;
	v38 =	vld.idx.msk [tilespmem:v38+s15+$0x0], $0xffff  }
0xe4: {  	v25 =	vadd.s32 s6, v0;
	v24 =	vor.u32 v3, v42;
	v31 =	vadd.f32 v31, v40;
	v40 =	vld.idx.msk [tilespmem:v26+s14+$0x0], $0xffff  }
0xe5: {  	v41 =	vadd.s32 s12, v0;
	v27 =	vand.u32 $0x7F, v25;
	v25 =	vor.u32 v3, v46;
	v26 =	vld.idx.msk [tilespmem:v26+s15+$0x0], $0xffff  }
0xe6: {  	v42 =	vor.u32 v3, v27;
	v27 =	vor.u32 v3, v45;
	v36 =	vmul.f32 v48, v36;
	v33 =	vld.idx.msk [tilespmem:v33+s14+$0x0], $0xffff  }
0xe7: {  	v41 =	vand.u32 $0x7F, v41;
	v45 =	vadd.s32 s24, v0;
	v30 =	vmul.f32 v30, v44;
	v43 =	vld.idx.msk [tilespmem:v34+s14+$0x0], $0xffff  }
0xe8: {  	v41 =	vor.u32 v3, v41;
	v44 =	vand.u32 $0x7F, v45;
	v31 =	vadd.f32 v36, v31;
	v34 =	vld.idx.msk [tilespmem:v34+s15+$0x0], $0xffff  }
0xe9: {  	v35 =	vor.u32 v3, v35;
	v28 =	vadd.f32 v30, v28;
	v29 =	vmul.f32 v38, v29;
	v36 =	vld.idx.msk [tilespmem:v24+s15+$0x0], $0xffff  }
0xea: {  	v30 =	vadd.s32 s22, v0;
	v38 =	vor.u32 v3, v44;
	v17 =	vadd.f32 v17, v31;
	v44 =	vld.idx.msk [tilespmem:v25+s15+$0x0], $0xffff  }
0xeb: {  	v4 =	vmul.f32 v4, v20;
	v26 =	vmul.f32 v26, v40;
	v28 =	vadd.f32 v29, v28;
	v31 =	vld.idx.msk [tilespmem:v27+s15+$0x0], $0xffff  }
0xec: {  	v5 =	vmul.f32 v5, v18;
	v29 =	vmul.f32 v49, v33;
	v17 =	vadd.f32 v9, v17;
	v20 =	vld.idx.msk [tilespmem:v37+s14+$0x0], $0xffff  }
0xed: {  	v7 =	vmul.f32 v7, v19;
	v26 =	vadd.f32 v26, v39;
	v33 =	vadd.f32 v4, v28;
	v18 =	vld.idx.msk [tilespmem:v37+s15+$0x0], $0xffff  }
0xee: {  	v9 =	vmul.f32 v34, v43;
	v23 =	vadd.f32 v29, v23;
	v29 =	vadd.f32 v5, v17;
	v19 =	vld.idx.msk [tilespmem:v35+s14+$0x0], $0xffff  }
0xef: {  	v16 =	vmul.f32 v6, v16;
	v34 =	vadd.f32 v7, v26;
	v28 =	vadd.f32 v10, v33;
	v17 =	vld.idx.msk [tilespmem:v35+s15+$0x0], $0xffff  }
0xf0: {  	v10 =	vand.u32 $0x7F, v30;
	v4 =	vmovc v36;
	v14 =	vadd.f32 v14, v23;
	v26 =	vadd.f32 v13, v29;
	v6 =	vld.idx.msk [tilespmem:v42+s15+$0x0], $0xffff  }
0xf1: {  	v23 =	vor.u32 v3, v10;
	v10 =	vadd.s32 s0, v0;
	v5 =	vmovc v44;
	v12 =	vadd.f32 v12, v34;
	v13 =	vld.idx.msk [tilespmem:v32+s14+$0x0], $0xffff  }
0xf2: {  	v30 =	vadd.s32 s31, v0;
	v7 =	vmovc v31;
	v14 =	vadd.f32 v16, v14;
	v29 =	vld.idx.msk [tilespmem:v32+s15+$0x0], $0xffff;
	v32 =	vand.u32 $0x7F, v10  }
0xf3: {  	v16 =	vand.u32 $0x7F, v30;
	v10 =	vmul.f32 v18, v20;
	v34 =	vadd.f32 v21, v12;
	v30 =	vld.idx.msk [tilespmem:v38+s14+$0x0], $0xffff  }
0xf4: {  	v16 =	vor.u32 v3, v16;
	v18 =	vor.u32 v3, v32;
	v14 =	vadd.f32 v15, v14;
	v12 =	vld.idx.msk [tilespmem:v38+s15+$0x0], $0xffff  }
0xf5: {  	v15 =	vadd.s32 s4, v0;
	v17 =	vmul.f32 v17, v19;
	v19 =	vld.idx.msk [tilespmem:v41+s14+$0x0], $0xffff  }
0xf6: {  	v15 =	vand.u32 $0x7F, v15;
	v21 =	vadd.f32 v22, v14;
	v20 =	vld.idx.msk [tilespmem:v41+s15+$0x0], $0xffff  }
0xf7: {  	v15 =	vor.u32 v3, v15;
	v22 =	vld.idx.msk [tilespmem:v23+s14+$0x0], $0xffff  }
0xf8: {  	v14 =	vmul.f32 v29, v13;
	v29 =	vadd.f32 v11, v21;
	v23 =	vld.idx.msk [tilespmem:v23+s15+$0x0], $0xffff  }
0xf9: {  	v21 =	vld.idx.msk [tilespmem:v18+s15+$0x0], $0xffff  }
0xfa: {  	v12 =	vmul.f32 v12, v30;
	v32 =	vld.idx.msk [tilespmem:v16+s14+$0x0], $0xffff;
	_ =	sdelay $0x1  }
0xfb: {  	v13 =	vmul.f32 v20, v19;
	v11 =	vld.idx.msk [tilespmem:v15+s14+$0x0], $0xffff  }
0xfc: {  	v19 =	vld.idx.msk [tilespmem:v15+s15+$0x0], $0xffff  }
0xfd: {  	v15 =	vmul.f32 v23, v22;
	_ =	sdelay $0x4  }
0xfe: {  	v11 =	vmul.f32 v19, v11;
	_ =	sdelay $0x1  }
0xff: {  	s0 =	sadd.s32 $0xFFFFFFE1, s12;
	v22 =	vld.idx.msk [tilespmem:v16+s15+$0x0], $0xffff  }
0x100: {  	s6 =	sadd.s32 $0xFFFFFFE4, s12;
	s4 =	sadd.s32 $0xFFFFFFE3, s12;
	v30 =	vor.u32 s0, v8;
	s0 =	sadd.s32 $0xFFFFFFE2, s12;
	v23 =	vld.idx.msk [tilespmem:v18+s14+$0x0], $0xffff  }
0x101: {  	v35 =	vadd.s32 s6, v8;
	v33 =	vadd.s32 s4, v8;
	v31 =	vadd.s32 s0, v8;
	v16 =	vld.idx.msk [tilespmem:v42+s14+$0x0], $0xffff  }
0x102: {  	s0 =	sadd.s32 $0xFFFFFFE5, s12;
	v18 =	vld.idx.msk [tilespmem:v25+s14+$0x0], $0xffff  }
0x103: {  	v25 =	vadd.s32 s0, v8;
	v19 =	vld.idx.msk [tilespmem:v27+s14+$0x0], $0xffff  }
0x104: {  	v20 =	vld.idx.msk [tilespmem:v24+s14+$0x0], $0xffff  }
0x105: {  	v24 =	vld.idx.msk [tilespmem:v30+s14+$0x0], $0xffff  }
0x106: {  	v27 =	vld.idx.msk [tilespmem:v30+s15+$0x0], $0xffff  }
0x107: {  	v30 =	vld.idx.msk [tilespmem:v35+s15+$0x0], $0xffff  }
0x108: {  	s4 =	sadd.s32 $0xFFFFFFE8, s12;
	s0 =	sadd.s32 $0xFFFFFFE7, s12;
	v37 =	vld.idx.msk [tilespmem:v25+s15+$0x0], $0xffff  }
0x109: {  	v39 =	vadd.s32 s4, v8;
	v38 =	vadd.s32 s0, v8;
	v36 =	vld.idx.msk [tilespmem:v33+s14+$0x0], $0xffff  }
0x10a: {  	v25 =	vld.idx.msk [tilespmem:v25+s14+$0x0], $0xffff  }
0x10b: {  	s4 =	sadd.s32 $0xFFFFFFE9, s12;
	s0 =	sadd.s32 $0xFFFFFFE6, s12;
	v40 =	vld.idx.msk [tilespmem:v31+s15+$0x0], $0xffff  }
0x10c: {  	v41 =	vadd.s32 s4, v8;
	v24 =	vmul.f32 v27, v24;
	v27 =	vadd.s32 s0, v8;
	v35 =	vld.idx.msk [tilespmem:v35+s14+$0x0], $0xffff  }
0x10d: {  	v33 =	vld.idx.msk [tilespmem:v33+s15+$0x0], $0xffff  }
0x10e: {  	v42 =	vadd.f32 v24, v28;
	v43 =	vld.idx.msk [tilespmem:v31+s14+$0x0], $0xffff  }
0x10f: {  	s0 =	sadd.s32 $0xFFFFFFEB, s12;
	v45 =	vld.idx.msk [tilespmem:v39+s15+$0x0], $0xffff  }
0x110: {  	v46 =	vadd.s32 s0, v8;
	v44 =	vld.idx.msk [tilespmem:v38+s15+$0x0], $0xffff  }
0x111: {  	v28 =	vld.idx.msk [tilespmem:v41+s15+$0x0], $0xffff  }
0x112: {  	s4 =	sadd.s32 $0xFFFFFFED, s12;
	s0 =	sadd.s32 $0xFFFFFFEC, s12;
	v30 =	vmul.f32 v30, v35;
	v24 =	vld.idx.msk [tilespmem:v27+s15+$0x0], $0xffff  }
0x113: {  	v31 =	vadd.s32 s0, v8;
	s0 =	sadd.s32 $0xFFFFFFEF, s12;
	v35 =	vmul.f32 v33, v36;
	v36 =	vadd.s32 s4, v8;
	v33 =	vld.idx.msk [tilespmem:v41+s14+$0x0], $0xffff  }
0x114: {  	v40 =	vmul.f32 v40, v43;
	v41 =	vmul.f32 v37, v25;
	v43 =	vadd.s32 s0, v8;
	v38 =	vld.idx.msk [tilespmem:v38+s14+$0x0], $0xffff  }
0x115: {  	v39 =	vld.idx.msk [tilespmem:v39+s14+$0x0], $0xffff  }
0x116: {  	v25 =	vadd.f32 v40, v29;
	v40 =	vadd.f32 v35, v34;
	v37 =	vld.idx.msk [tilespmem:v46+s15+$0x0], $0xffff  }
.Ltmp5:
0x117: {  	s0 =	sadd.s32 $0xFFFFFFF3, s12;
	v35 =	vadd.f32 v41, v42;
	v41 =	vld.idx.msk [tilespmem:v46+s14+$0x0], $0xffff;
	(pc) =	sbr.rel @p2 .LBB2_9-.Ltmp5, $4  }
0x118: {  	s6 =	sadd.s32 $0xFFFFFFF5, s12;
	v22 =	vmul.f32 v22, v32;
	s4 =	sadd.s32 $0xFFFFFFF1, s12;
	v42 =	vadd.f32 v30, v26;
	v26 =	vadd.s32 s0, v0;
	v29 =	vld.idx.msk [tilespmem:v36+s15+$0x0], $0xffff  }
0x119: {  	s0 =	sadd.s32 $0xFFFFFFEA, s12;
	v34 =	vor.u32 s4, v8;
	v26 =	vand.u32 $0x7F, v26;
	v46 =	vadd.s32 s6, v0;
	v30 =	vld.idx.msk [tilespmem:v43+s15+$0x0], $0xffff  }
0x11a: {  	s4 =	sadd.s32 $0xFFFFFFF0, s12;
	v26 =	vor.u32 v3, v26;
	v44 =	vmul.f32 v44, v38;
	v38 =	vand.u32 $0x7F, v46;
	v32 =	vld.idx.msk [tilespmem:v31+s15+$0x0], $0xffff  }
0x11b: {  	v45 =	vmul.f32 v45, v39;
	v38 =	vor.u32 v3, v38;
	v39 =	vld.idx.msk [tilespmem:v43+s14+$0x0], $0xffff;
	v43 =	vadd.s32 s4, v8  }
0x11c: {  	_ =	sdelay $0x3  }
0x11d: {  	v61 =	vld.idx.msk [tilespmem:v36+s14+$0x0], $0xffff  }
0x11e: {  	v3 =	vadd.s32 s0, v8;
	v27 =	vld.idx.msk [tilespmem:v27+s14+$0x0], $0xffff  }
0x11f: {  	v31 =	vld.idx.msk [tilespmem:v31+s14+$0x0], $0xffff  }
0x120: {  	v62 =	vld.idx.msk [tilespmem:v34+s14+$0x0], $0xffff  }
0x121: {  	v46 =	vld.idx.msk [tilespmem:v43+s15+$0x0], $0xffff  }
0x122: {  	v63 =	vld.idx.msk [tilespmem:v43+s14+$0x0], $0xffff  }
0x123: {  	v47 =	vld.idx.msk [tilespmem:v3+s15+$0x0], $0xffff  }
0x124: {  	v3 =	vld.idx.msk [tilespmem:v3+s14+$0x0], $0xffff  }
0x125: {  	v48 =	vld.idx.msk [tilespmem:v34+s15+$0x0], $0xffff  }
0x126: {  	v28 =	vmul.f32 v28, v33;
	v37 =	vmul.f32 v37, v41;
	v51 =	vld.idx.msk [tilespmem:v26+s14+$0x0], $0xffff  }
0x127: {  	v40 =	vadd.f32 v44, v40;
	v53 =	vld.idx.msk [tilespmem:v26+s15+$0x0], $0xffff;
	v6 =	vmul.f32 v6, v16;
	v24 =	vmul.f32 v24, v27  }
0x128: {  	v49 =	vld.idx.msk [tilespmem:v38+s14+$0x0], $0xffff;
	v42 =	vadd.f32 v45, v42;
	v28 =	vadd.f32 v28, v35;
	v30 =	vmul.f32 v30, v39  }
0x129: {  	v50 =	vld.idx.msk [tilespmem:v38+s15+$0x0], $0xffff;
	v31 =	vmul.f32 v32, v31;
	v24 =	vadd.f32 v24, v25;
	v3 =	vmul.f32 v47, v3  }
0x12a: {  	v52 =	vadd.f32 v37, v40;
	v8 =	vmul.f32 v29, v61;
	v55 =	vmul.f32 v46, v63  }
0x12b: {  	v56 =	vmul.f32 v48, v62;
	v54 =	vadd.f32 v31, v42;
	v3 =	vadd.f32 v3, v24  }
0x12c: {  	v26 =	vmul.f32 v53, v51;
	v29 =	vadd.f32 v30, v52;
	v8 =	vadd.f32 v8, v28  }
0x12d: {  	v7 =	vmul.f32 v7, v19;
	v57 =	vadd.f32 v55, v54;
	v3 =	vadd.f32 v14, v3  }
0x12e: {  	v58 =	vmul.f32 v50, v49;
	v60 =	vadd.f32 v26, v29;
	v8 =	vadd.f32 v56, v8  }
0x12f: {  	v59 =	vadd.f32 v17, v57;
	v3 =	vadd.f32 v6, v3  }
0x130: {  	v4 =	vmul.f32 v4, v20;
	v7 =	vadd.f32 v7, v60;
	v8 =	vadd.f32 v58, v8  }
0x131: {  	v5 =	vmul.f32 v5, v18;
	v61 =	vadd.f32 v9, v59;
	v3 =	vadd.f32 v15, v3  }
0x132: {  	v62 =	vmul.f32 v21, v23;
	v7 =	vadd.f32 v12, v7;
	v4 =	vadd.f32 v4, v8  }
0x133: {  	v5 =	vadd.f32 v5, v61;
	v3 =	vadd.f32 v22, v3  }
0x134: {  	v4 =	vadd.f32 v10, v4;
	v6 =	vadd.f32 v62, v7  }
0x135: {  	s21 =	sadd.s32 $0x1, s21;
	v5 =	vadd.f32 v13, v5;
	v3 =	vadd.f32 v11, v3  }
0x136: {  	p2 =	sne.s32 s21, $0x8  }
.Ltmp6:
0x137: {  	v63 =	vadd.f32 v5, v6;
	v3 =	vadd.f32 v3, v4;
	(pc) =	sbr.rel @p2 .LBB2_8-.Ltmp6, $3  }
0x138: {  	_ = 	snop  }
0x139: {  	v3 =	vadd.f32 v63, v3;
	_ =	sdelay $0x1  }
0x13a: {  	[tilespmem:s23+$0x18300] =	vst v3  }
0x13b: {  	v3 =	vld [tilespmem:$0x18300]  }
0x13c: {  	v4 =	vld [tilespmem:$0x18310]  }
0x13d: {  	v7 =	vld [tilespmem:$0x18320]  }
0x13e: {  	v8 =	vld [tilespmem:$0x18330]  }
0x13f: {  	p2 =	slt.u32 s20, $0x9C4;
	s0 =	simm.s32 $0x0;
	v10 =	vld [tilespmem:$0x18340]  }
0x140: {  	v11 =	vld [tilespmem:$0x18350];
	s0 =	simm.s32 @!p2 $0x20000  }
0x141: {  	v12 =	vld [tilespmem:$0x18360];
	v6 =	vmov s0  }
0x142: {  	v49 =	vld [tilespmem:$0x18370];
	v35 =	vor.u32 $0x10000, v6;
	v5 =	vshra.s32 v3, $0xF  }
0x143: {  	vm0 =	vlt.s32 v3, $0x0;
	v36 =	vshra.s32 v4, $0xF;
	vm9 =	vlt.s32 v4, $0x0  }
0x144: {  	v41 =	vshra.s32 v7, $0xF;
	vm10 =	vlt.s32 v7, $0x0;
	v44 =	vshra.s32 v8, $0xF  }
0x145: {  	vm11 =	vlt.s32 v8, $0x0;
	v46 =	vshra.s32 v10, $0xF;
	vm12 =	vlt.s32 v10, $0x0  }
0x146: {  	v13 =	vshra.s32 v11, $0xF;
	vm13 =	vlt.s32 v11, $0x0;
	v50 =	vshra.s32 v12, $0xF  }
0x147: {  	vm14 =	vlt.s32 v12, $0x0;
	v56 =	vshra.s32 v49, $0xF;
	vm15 =	vlt.s32 v49, $0x0  }
0x148: {  	v3 =	vxor.u32 $0xFFFF, v5;
	v37 =	vxor.u32 $0xFFFF, v36;
	v42 =	vxor.u32 $0xFFFF, v41  }
0x149: {  	v45 =	vxor.u32 $0xFFFF, v44;
	v47 =	vxor.u32 $0xFFFF, v46;
	v48 =	vxor.u32 $0xFFFF, v13  }
0x14a: {  	v51 =	vxor.u32 $0xFFFF, v50;
	v58 =	vxor.u32 $0xFFFF, v56;
	v3 =	vsel vm0, v3, v5  }
0x14b: {  	v5 =	vbroadcast v35, $0x0;
	v4 =	vsel vm9, v37, v36;
	v43 =	vsel vm10, v42, v41  }
0x14c: {  	v7 =	vsel vm11, v45, v44;
	v10 =	vsel vm13, v48, v13;
	v12 =	vsel vm14, v51, v50  }
0x14d: {  	v59 =	vsel vm15, v58, v56;
	v9 =	vand.u32 $0x7F, v3;
	v39 =	vand.u32 $0x7F, v4  }
0x14e: {  	v8 =	vand.u32 $0x7F, v7;
	v54 =	vand.u32 $0x7F, v10;
	v38 =	vor.u32 $0x40000, v9  }
0x14f: {  	v3 =	vadd.s32 v3, v5;
	v40 =	vor.u32 $0x40000, v39;
	v4 =	vadd.s32 v4, v5  }
0x150: {  	p6 =	sgt.u32 s20, $0x1387;
	v9 =	vand.u32 $0x7F, v43;
	v6 =	vadd.s32 v43, v5;
	v8 =	vor.u32 $0x40000, v8  }
0x151: {  	v7 =	vadd.s32 v7, v5;
	v3 =	vpsel p6, v38, v3;
	v9 =	vor.u32 $0x40000, v9  }
0x152: {  	v4 =	vpsel p6, v40, v4;
	v6 =	vpsel p6, v9, v6;
	v9 =	vsel vm12, v47, v46;
	[tilespmem:$0x18480] =	vst v3  }
0x153: {  	v60 =	vand.u32 $0x7F, v12;
	v7 =	vpsel p6, v8, v7;
	[tilespmem:$0x18490] =	vst v4;
	v52 =	vand.u32 $0x7F, v9  }
0x154: {  	v55 =	vor.u32 $0x40000, v54;
	[tilespmem:$0x184B0] =	vst v7;
	v53 =	vadd.s32 v9, v5;
	v3 =	vor.u32 $0x40000, v52  }
0x155: {  	v57 =	vadd.s32 v10, v5;
	v61 =	vadd.s32 v12, v5;
	[tilespmem:$0x184A0] =	vst v6;
	v3 =	vpsel p6, v3, v53  }
0x156: {  	v8 =	vand.u32 $0x7F, v59;
	v4 =	vpsel p6, v55, v57;
	[tilespmem:$0x184C0] =	vst v3;
	v3 =	vor.u32 $0x40000, v60  }
0x157: {  	v62 =	vadd.s32 v59, v5;
	v63 =	vor.u32 $0x40000, v8;
	[tilespmem:$0x184D0] =	vst v4;
	v3 =	vpsel p6, v3, v61  }
.Ltmp7:
0x158: {  	s23 =	rddreg [dreg:$0x4];
	[tilespmem:$0x184E0] =	vst v3;
	v3 =	vpsel p6, v63, v62;
	(pc) =	sbr.rel @p1 .LBB2_24-.Ltmp7, $4  }
0x159: {  	s4 =	simm.s32 $0x18480;
	s6 =	simm.s32 $0x18600;
	s24 =	sshll.u32 s20, $0x4;
	[tilespmem:$0x184F0] =	vst v3  }
0x15a: {  	[spmem:s23] =	stream.indirect.scatter.add.f32 [tilespmem:s6], [sflag:$0xA], $0x1, s4, s30, $0xb8;
	[tilespmem:$0x1C688] =	vst v63  }
0x15b: {  	s31 =	simm.s32 $0x18300;
	s0 =	sadd.s32 s8, s24  }
0x15c: {  	[hbm4b:s0+s5] =	stream.linear.scatter [tilespmem:s31], [sflag:$0xD], $0x80, $0x38;
	[tilespmem:$0x1C688] =	vst v63  }
0x15d: {  	_ =	swait.ge [sflag:s10], $0x80  }
0x15e: {  	[sflag:s10] =	ssyncset.done $0x0  }
0x15f: {  	[sflag:s10] =	ssyncadd.s32 $0xFFFFFF80  }
0x160: {  	_ =	swait.ge [sflag:s10], $0x80  }
0x161: {  	[sflag:s10] =	ssyncset.done $0x0  }
0x162: {  	p1 =	sgt.u32 s9, $0x32;
	s0 =	rddreg [dreg:$0x11];
	[sflag:s10] =	ssyncadd.s32 $0xFFFFFF80  }
0x163: {  	[tilespmem:s14], [sflag:$0x4] =	stream.indirect.gather [hbm4b:s1+s30], $0x80, s5, s30, $0xb8;
	[tilespmem:$0x1C688] =	vst v63  }
0x164: {  	s4 =	simm.s32 $0x6;
	s0 =	sadd.s32 @!p1 s0, s2  }
0x165: {  	[tilespmem:s15], [sflag:$0x5] =	stream.indirect.gather [hbm4b:s1+s30], $0x80, s30, s30, $0xb8;
	[tilespmem:$0x1C688] =	vst v63  }
0x166: {  	p3 =	sgt.u32 @!p1 s0, $0x9C3;
	_ =	swait.ge [sflag:s4], $0x4000  }
0x167: {  	p2 =	por !p3, p1;
	[sflag:s4] =	ssyncset.done $0x0  }
0x168: {  	s24 =	simm.s32 $0x7;
	p5 =	sgt.s32 @!p2 s0, $0x1387;
	[sflag:s4] =	ssyncadd.s32 $0xFFFFC000  }
0x169: {  	p4 =	por @!p1 !p5, !p3;
	p5 =	por @!p1 p5, !p3;
	_ =	swait.ge [sflag:s24], $0x4000  }
0x16a: {  	p6 =	por p4, p1;
	p5 =	por p5, p1;
	[sflag:s24] =	ssyncset.done $0x0  }
0x16b: {  	s4 =	simm.s32 @!p6 $0x0;
	s6 =	simm.s32 @!p6 $0x100;
	[sflag:s24] =	ssyncadd.s32 $0xFFFFC000  }
0x16c: {  	[tilespmem:s6], [sflag:$0x2] =	stream.linear.gather @!p6 [hbm4b:s3+s4], $0x80, $0x38;
	[tilespmem:$0x1C688] =	vst v63  }
0x16d: {  	p3 =	por p3, p1;
	p4 =	por !p4, p1;
	s4 =	sshll.u32 @!p5 s0, $0x8  }
0x16e: {  	s11 =	simm.s32 @!p5 $0x0;
	s6 =	sadd.s32 @!p5 $0xFFF63C00, s4;
	s4 =	sadd.s32 @!p5 $0xFFF63C80, s4  }
0x16f: {  	s12 =	simm.s32 @!p5 $0x100;
	s6 =	sshrl.u32 @!p5 s6, $0x3;
	s4 =	sshrl.u32 @!p5 s4, $0x3  }
0x170: {  	s0 =	sshll.u32 @!p3 s0, $0x5;
	s6 =	sadd.s32 @!p5 s3, s6;
	s4 =	sadd.s32 @!p5 s3, s4  }
0x171: {  	[tilespmem:s12], [sflag:$0x2] =	stream.linear.gather @!p5 [hbm4b:s6+s11], $0x80, $0x38;
	[tilespmem:$0x1C688] =	vst v63  }
0x172: {  	s6 =	rddreg [dreg:$0x1];
	s11 =	simm.s32 @!p3 $0x0;
	s12 =	simm.s32 @!p3 $0x100  }
0x173: {  	s4 =	smov.u32 @p4 s26;
	s6 =	sadd.s32 @!p3 s6, s0;
	s0 =	sadd.s32 @!p3 s0, s13  }
0x174: {  	[tilespmem:s12], [sflag:$0x2] =	stream.linear.gather @!p3 [hbm4b:s6+s11], $0x80, $0x38;
	[tilespmem:$0x1C688] =	vst v63  }
0x175: {  	s4 =	smov.u32 @p2 s0;
	s0 =	simm.s32 @!p1 $0x0;
	s6 =	simm.s32 @!p1 $0x180  }
0x176: {  	[tilespmem:s6], [sflag:$0x2] =	stream.linear.gather @!p1 [hbm4b:s4+s0], $0x80, $0x38;
	[tilespmem:$0x1C688] =	vst v63  }
0x177: {  	s0 =	simm.s32 @!p0 $0xB  }
0x178: {  	_ =	swait.ge @!p0 [sflag:s0], $0x80  }
0x179: {  	[sflag:s0] =	ssyncset.done @!p0 $0x0  }
0x17a: {  	[sflag:s0] =	ssyncadd.s32 @!p0 $0xFFFFFF80;
	s0 =	simm.s32 @!p0 $0xE  }
0x17b: {  	_ =	swait.ge @!p0 [sflag:s0], $0x80  }
0x17c: {  	[sflag:s0] =	ssyncset.done @!p0 $0x0;
	s31 =	rddreg [dreg:$0x12]  }
0x17d: {  	s21 =	simm.s32 $0x0;
	s20 =	sadd.s32 s31, s2;
	[sflag:s0] =	ssyncadd.s32 @!p0 $0xFFFFFF80  }
.LBB2_13:
0x17e: {  	s23 =	sshll.u32 s21, $0x4  }
0x17f: {  	s0 =	simm.s32 $0x17;
	v3 =	vmov s23  }
0x180: {  	v4 =	vadd.s32 s0, v0;
	v3 =	vshll.u32 v3, $0x7  }
0x181: {  	s4 =	simm.s32 $0x18;
	v4 =	vand.u32 $0x7F, v4;
	v3 =	vor.u32 v2, v3  }
0x182: {  	s6 =	simm.s32 $0x1B;
	v5 =	vadd.s32 s4, v0;
	v4 =	vor.u32 v3, v4  }
0x183: {  	s4 =	simm.s32 $0x16;
	v6 =	vadd.s32 s6, v0;
	v5 =	vand.u32 $0x7F, v5  }
0x184: {  	s31 =	simm.s32 $0x15;
	v7 =	vadd.s32 s4, v0;
	v6 =	vand.u32 $0x7F, v6;
	v9 =	vor.u32 v3, v5  }
0x185: {  	v20 =	vadd.s32 s31, v0;
	v7 =	vand.u32 $0x7F, v7;
	v10 =	vor.u32 v3, v6  }
0x186: {  	s11 =	simm.s32 $0x1C;
	v20 =	vand.u32 $0x7F, v20;
	v11 =	vor.u32 v3, v7  }
0x187: {  	s12 =	simm.s32 $0x13;
	v5 =	vadd.s32 s11, v0;
	v20 =	vor.u32 v3, v20;
	v13 =	vld.idx.msk [tilespmem:v4+s17+$0x0], $0xffff  }
0x188: {  	v6 =	vadd.s32 s12, v0;
	v5 =	vand.u32 $0x7F, v5;
	v14 =	vld.idx.msk [tilespmem:v4+s18+$0x0], $0xffff  }
0x189: {  	s22 =	simm.s32 $0xD;
	v8 =	vor.u32 v0, v3;
	v12 =	vor.u32 v3, v5;
	v5 =	vand.u32 $0x7F, v6;
	v4 =	vld.idx.msk [tilespmem:v9+s18+$0x0], $0xffff  }
0x18a: {  	v17 =	vadd.s32 s22, v8;
	v15 =	vor.u32 v3, v5;
	v5 =	vld.idx.msk [tilespmem:v10+s18+$0x0], $0xffff  }
0x18b: {  	v7 =	vld.idx.msk [tilespmem:v11+s18+$0x0], $0xffff  }
0x18c: {  	v34 =	vld.idx.msk [tilespmem:v20+s17+$0x0], $0xffff  }
0x18d: {  	s22 =	simm.s32 $0x3;
	v35 =	vld.idx.msk [tilespmem:v20+s18+$0x0], $0xffff  }
0x18e: {  	v27 =	vadd.s32 s22, v8;
	v20 =	vld.idx.msk [tilespmem:v9+s17+$0x0], $0xffff  }
0x18f: {  	v25 =	vld.idx.msk [tilespmem:v17+s17+$0x0], $0xffff  }
0x190: {  	s19 =	simm.s32 $0x11;
	v26 =	vld.idx.msk [tilespmem:v17+s18+$0x0], $0xffff  }
0x191: {  	v6 =	vadd.s32 s19, v0;
	s22 =	simm.s32 $0x8;
	v22 =	vld.idx.msk [tilespmem:v12+s17+$0x0], $0xffff  }
0x192: {  	s24 =	simm.s32 $0x1A;
	v6 =	vand.u32 $0x7F, v6;
	v49 =	vadd.s32 s22, v8;
	v12 =	vld.idx.msk [tilespmem:v12+s18+$0x0], $0xffff  }
0x193: {  	v16 =	vor.u32 v3, v6;
	v6 =	vadd.s32 s24, v0;
	v37 =	vld.idx.msk [tilespmem:v27+s18+$0x0], $0xffff  }
0x194: {  	s12 =	simm.s32 $0x1F;
	v6 =	vand.u32 $0x7F, v6;
	v48 =	vld.idx.msk [tilespmem:v27+s17+$0x0], $0xffff  }
0x195: {  	v18 =	vadd.s32 s12, v0;
	v19 =	vor.u32 v3, v6;
	v24 =	vld.idx.msk [tilespmem:v15+s17+$0x0], $0xffff  }
0x196: {  	v6 =	vand.u32 $0x7F, v18;
	v15 =	vld.idx.msk [tilespmem:v15+s18+$0x0], $0xffff  }
0x197: {  	s6 =	simm.s32 $0x19;
	v18 =	vor.u32 v3, v6;
	v28 =	vld.idx.msk [tilespmem:v49+s18+$0x0], $0xffff  }
0x198: {  	v17 =	vadd.s32 s6, v0;
	s6 =	simm.s32 $0x1;
	v6 =	vld.idx.msk [tilespmem:v16+s18+$0x0], $0xffff  }
0x199: {  	v9 =	vadd.s32 s6, v8;
	v16 =	vld.idx.msk [tilespmem:v16+s17+$0x0], $0xffff  }
0x19a: {  	s4 =	simm.s32 $0x1E;
	v17 =	vand.u32 $0x7F, v17;
	v29 =	vld.idx.msk [tilespmem:v19+s17+$0x0], $0xffff  }
0x19b: {  	v21 =	vadd.s32 s4, v0;
	v17 =	vor.u32 v3, v17;
	v30 =	vld.idx.msk [tilespmem:v19+s18+$0x0], $0xffff  }
0x19c: {  	v21 =	vand.u32 $0x7F, v21;
	v31 =	vld.idx.msk [tilespmem:v18+s17+$0x0], $0xffff  }
0x19d: {  	s11 =	simm.s32 $0x1D;
	v19 =	vor.u32 v3, v21;
	v32 =	vld.idx.msk [tilespmem:v18+s18+$0x0], $0xffff  }
0x19e: {  	v21 =	vadd.s32 s11, v0;
	v47 =	vld.idx.msk [tilespmem:v9+s18+$0x0], $0xffff  }
0x19f: {  	v21 =	vand.u32 $0x7F, v21;
	v50 =	vld.idx.msk [tilespmem:v9+s17+$0x0], $0xffff  }
0x1a0: {  	v18 =	vor.u32 v3, v21;
	v38 =	vld.idx.msk [tilespmem:v17+s17+$0x0], $0xffff  }
0x1a1: {  	v43 =	vld.idx.msk [tilespmem:v17+s18+$0x0], $0xffff  }
0x1a2: {  	s19 =	simm.s32 $0x0;
	v21 =	vld.idx.msk [tilespmem:v19+s18+$0x0], $0xffff  }
0x1a3: {  	v17 =	vor.u32 s19, v8;
	v23 =	vld.idx.msk [tilespmem:v19+s17+$0x0], $0xffff  }
0x1a4: {  	s19 =	simm.s32 $0x6;
	v19 =	vld.idx.msk [tilespmem:v11+s17+$0x0], $0xffff  }
0x1a5: {  	v46 =	vadd.s32 s19, v8;
	v39 =	vld.idx.msk [tilespmem:v18+s17+$0x0], $0xffff  }
0x1a6: {  	s31 =	simm.s32 $0x2;
	v40 =	vld.idx.msk [tilespmem:v18+s18+$0x0], $0xffff  }
0x1a7: {  	v11 =	vadd.s32 s31, v8;
	v18 =	vld.idx.msk [tilespmem:v10+s17+$0x0], $0xffff  }
0x1a8: {  	s24 =	simm.s32 $0x4;
	v33 =	vld.idx.msk [tilespmem:v17+s17+$0x0], $0xffff  }
0x1a9: {  	v10 =	vadd.s32 s24, v8;
	v36 =	vld.idx.msk [tilespmem:v17+s18+$0x0], $0xffff  }
0x1aa: {  	s11 =	simm.s32 $0x7;
	v52 =	vld.idx.msk [tilespmem:v46+s18+$0x0], $0xffff  }
0x1ab: {  	v44 =	vadd.s32 s11, v8;
	v59 =	vld.idx.msk [tilespmem:v46+s17+$0x0], $0xffff  }
0x1ac: {  	s11 =	simm.s32 $0xB;
	v42 =	vld.idx.msk [tilespmem:v11+s17+$0x0], $0xffff  }
0x1ad: {  	v9 =	vmul.f32 v14, v13;
	v13 =	vmul.f32 v32, v31;
	v31 =	vadd.s32 s11, v8;
	v11 =	vld.idx.msk [tilespmem:v11+s18+$0x0], $0xffff  }
0x1ae: {  	s6 =	simm.s32 $0xE;
	s24 =	simm.s32 $0x5;
	v41 =	vld.idx.msk [tilespmem:v10+s18+$0x0], $0xffff  }
0x1af: {  	v60 =	vadd.s32 s6, v8;
	s31 =	simm.s32 $0xA;
	v27 =	vadd.s32 s24, v8;
	v45 =	vld.idx.msk [tilespmem:v10+s17+$0x0], $0xffff  }
0x1b0: {  	v14 =	vmul.f32 v26, v25;
	v51 =	vld.idx.msk [tilespmem:v44+s18+$0x0], $0xffff;
	s24 =	simm.s32 $0x14;
	v10 =	vmul.f32 v12, v22;
	v22 =	vadd.s32 s31, v8  }
0x1b1: {  	s4 =	simm.s32 $0xC;
	v62 =	vmul.f32 v37, v48;
	v61 =	vld.idx.msk [tilespmem:v44+s17+$0x0], $0xffff;
	v17 =	vmul.f32 v15, v24;
	v63 =	vadd.s32 s24, v0  }
0x1b2: {  	v32 =	vld.idx.msk [tilespmem:v31+s18+$0x0], $0xffff;
	v12 =	vmul.f32 v30, v29;
	v15 =	vmul.f32 v36, v33;
	v36 =	vadd.s32 s4, v8  }
0x1b3: {  	v33 =	vld.idx.msk [tilespmem:v49+s17+$0x0], $0xffff;
	v29 =	vimm.f32 $0.0e+00;
	v44 =	vmul.f32 v52, v59;
	v26 =	vmul.f32 v11, v42  }
0x1b4: {  	s22 =	simm.s32 $0x10;
	v24 =	vld.idx.msk [tilespmem:v27+s18+$0x0], $0xffff;
	v30 =	vadd.f32 v15, v29;
	v11 =	vmul.f32 v47, v50;
	v41 =	vmul.f32 v41, v45  }
0x1b5: {  	v15 =	vmul.f32 v35, v34;
	v34 =	vor.u32 s22, v8;
	v42 =	vadd.f32 v62, v29;
	v37 =	vld.idx.msk [tilespmem:v22+s18+$0x0], $0xffff  }
0x1b6: {  	s19 =	simm.s32 $0x12;
	v25 =	vadd.f32 v11, v29;
	v11 =	vmul.f32 v40, v39;
	v35 =	vadd.f32 v41, v30;
	v41 =	vld.idx.msk [tilespmem:v22+s17+$0x0], $0xffff  }
0x1b7: {  	v40 =	vadd.f32 v26, v29;
	v29 =	vld.idx.msk [tilespmem:v36+s18+$0x0], $0xffff;
	v26 =	vadd.s32 s19, v0;
	v45 =	vmul.f32 v51, v61  }
0x1b8: {  	s31 =	simm.s32 $0xF;
	v39 =	vld.idx.msk [tilespmem:v60+s17+$0x0], $0xffff;
	v26 =	vand.u32 $0x7F, v26;
	v22 =	vmul.f32 v43, v38;
	v38 =	vand.u32 $0x7F, v63  }
0x1b9: {  	s0 =	simm.s32 $0x9;
	s11 =	simm.s32 $0x0;
	v30 =	vld.idx.msk [tilespmem:v60+s18+$0x0], $0xffff;
	v26 =	vor.u32 v3, v26;
	v43 =	vadd.s32 s31, v8;
	v38 =	vor.u32 v3, v38  }
.LBB2_14:
0x1ba: {  	s11 =	sadd.s32 $0x8, s11;
	v28 =	vmul.f32 v28, v33;
	v33 =	vadd.s32 s0, v8;
	v36 =	vld.idx.msk [tilespmem:v36+s17+$0x0], $0xffff;
	v21 =	vmul.f32 v21, v23;
	s12 =	sadd.s32 $0x20, s12  }
0x1bb: {  	v37 =	vmul.f32 v37, v41;
	s0 =	sadd.s32 $0xFFFFFFF8, s12;
	s4 =	sadd.s32 $0xFFFFFFF9, s12;
	p2 =	slt.u32 s11, $0x18;
	v23 =	vld.idx.msk [tilespmem:v27+s17+$0x0], $0xffff;
	v27 =	vadd.f32 v44, v40;
	v40 =	vadd.f32 v45, v42  }
0x1bc: {  	s6 =	sadd.s32 $0xFFFFFFF4, s12;
	v41 =	vadd.s32 s0, v0;
	v42 =	vadd.s32 s4, v0;
	s0 =	sadd.s32 $0xFFFFFFFC, s12;
	s4 =	sadd.s32 $0xFFFFFFFD, s12;
	v28 =	vadd.f32 v28, v35;
	v31 =	vld.idx.msk [tilespmem:v31+s17+$0x0], $0xffff  }
0x1bd: {  	s19 =	sadd.s32 $0xFFFFFFEE, s12;
	s24 =	sadd.s32 $0xFFFFFFF2, s12;
	v35 =	vadd.s32 s6, v0;
	s6 =	sadd.s32 $0xFFFFFFF7, s12;
	v41 =	vand.u32 $0x7F, v41;
	v42 =	vand.u32 $0x7F, v42;
	v44 =	vld.idx.msk [tilespmem:v34+s17+$0x0], $0xffff  }
0x1be: {  	s22 =	sadd.s32 $0xFFFFFFF6, s12;
	s31 =	sadd.s32 $0xFFFFFFFF, s12;
	v45 =	vadd.s32 s6, v0;
	s6 =	sadd.s32 $0xFFFFFFFB, s12;
	v46 =	vadd.s32 s0, v0;
	v47 =	vadd.s32 s4, v0;
	v48 =	vld.idx.msk [tilespmem:v43+s18+$0x0], $0xffff  }
0x1bf: {  	v35 =	vand.u32 $0x7F, v35;
	s0 =	sadd.s32 $0xFFFFFFFA, s12;
	s4 =	sadd.s32 $0xFFFFFFFE, s12;
	v45 =	vand.u32 $0x7F, v45;
	v46 =	vand.u32 $0x7F, v46;
	v49 =	vld.idx.msk [tilespmem:v33+s18+$0x0], $0xffff  }
0x1c0: {  	v27 =	vadd.f32 v37, v27;
	v47 =	vand.u32 $0x7F, v47;
	v29 =	vmul.f32 v29, v36;
	v36 =	vld.idx.msk [tilespmem:v43+s17+$0x0], $0xffff  }
0x1c1: {  	v37 =	vor.u32 v3, v47;
	v23 =	vmul.f32 v24, v23;
	v24 =	vmul.f32 v30, v39;
	v30 =	vld.idx.msk [tilespmem:v34+s18+$0x0], $0xffff  }
0x1c2: {  	v34 =	vor.u32 v3, v41;
	v31 =	vmul.f32 v32, v31;
	v28 =	vadd.f32 v29, v28;
	v29 =	vld.idx.msk [tilespmem:v38+s17+$0x0], $0xffff  }
0x1c3: {  	v32 =	vadd.s32 s19, v8;
	v23 =	vadd.f32 v23, v25;
	v39 =	vadd.f32 v24, v27;
	v38 =	vld.idx.msk [tilespmem:v38+s18+$0x0], $0xffff  }
0x1c4: {  	v25 =	vadd.s32 s24, v0;
	v24 =	vor.u32 v3, v42;
	v31 =	vadd.f32 v31, v40;
	v40 =	vld.idx.msk [tilespmem:v26+s17+$0x0], $0xffff  }
0x1c5: {  	v41 =	vadd.s32 s12, v0;
	v27 =	vand.u32 $0x7F, v25;
	v25 =	vor.u32 v3, v46;
	v26 =	vld.idx.msk [tilespmem:v26+s18+$0x0], $0xffff  }
0x1c6: {  	v42 =	vor.u32 v3, v27;
	v27 =	vor.u32 v3, v45;
	v36 =	vmul.f32 v48, v36;
	v33 =	vld.idx.msk [tilespmem:v33+s17+$0x0], $0xffff  }
0x1c7: {  	v41 =	vand.u32 $0x7F, v41;
	v45 =	vadd.s32 s6, v0;
	v30 =	vmul.f32 v30, v44;
	v43 =	vld.idx.msk [tilespmem:v34+s17+$0x0], $0xffff  }
0x1c8: {  	v41 =	vor.u32 v3, v41;
	v44 =	vand.u32 $0x7F, v45;
	v31 =	vadd.f32 v36, v31;
	v34 =	vld.idx.msk [tilespmem:v34+s18+$0x0], $0xffff  }
0x1c9: {  	v35 =	vor.u32 v3, v35;
	v28 =	vadd.f32 v30, v28;
	v29 =	vmul.f32 v38, v29;
	v36 =	vld.idx.msk [tilespmem:v24+s18+$0x0], $0xffff  }
0x1ca: {  	v30 =	vadd.s32 s22, v0;
	v38 =	vor.u32 v3, v44;
	v17 =	vadd.f32 v17, v31;
	v44 =	vld.idx.msk [tilespmem:v25+s18+$0x0], $0xffff  }
0x1cb: {  	v4 =	vmul.f32 v4, v20;
	v26 =	vmul.f32 v26, v40;
	v28 =	vadd.f32 v29, v28;
	v31 =	vld.idx.msk [tilespmem:v27+s18+$0x0], $0xffff  }
0x1cc: {  	v5 =	vmul.f32 v5, v18;
	v29 =	vmul.f32 v49, v33;
	v17 =	vadd.f32 v9, v17;
	v20 =	vld.idx.msk [tilespmem:v37+s17+$0x0], $0xffff  }
0x1cd: {  	v7 =	vmul.f32 v7, v19;
	v26 =	vadd.f32 v26, v39;
	v33 =	vadd.f32 v4, v28;
	v18 =	vld.idx.msk [tilespmem:v37+s18+$0x0], $0xffff  }
0x1ce: {  	v9 =	vmul.f32 v34, v43;
	v23 =	vadd.f32 v29, v23;
	v29 =	vadd.f32 v5, v17;
	v19 =	vld.idx.msk [tilespmem:v35+s17+$0x0], $0xffff  }
0x1cf: {  	v16 =	vmul.f32 v6, v16;
	v34 =	vadd.f32 v7, v26;
	v28 =	vadd.f32 v10, v33;
	v17 =	vld.idx.msk [tilespmem:v35+s18+$0x0], $0xffff  }
0x1d0: {  	v10 =	vand.u32 $0x7F, v30;
	v4 =	vmovc v36;
	v14 =	vadd.f32 v14, v23;
	v26 =	vadd.f32 v13, v29;
	v6 =	vld.idx.msk [tilespmem:v42+s18+$0x0], $0xffff  }
0x1d1: {  	v23 =	vor.u32 v3, v10;
	v10 =	vadd.s32 s31, v0;
	v5 =	vmovc v44;
	v12 =	vadd.f32 v12, v34;
	v13 =	vld.idx.msk [tilespmem:v32+s17+$0x0], $0xffff  }
0x1d2: {  	v30 =	vadd.s32 s0, v0;
	v7 =	vmovc v31;
	v14 =	vadd.f32 v16, v14;
	v29 =	vld.idx.msk [tilespmem:v32+s18+$0x0], $0xffff;
	v32 =	vand.u32 $0x7F, v10  }
0x1d3: {  	v16 =	vand.u32 $0x7F, v30;
	v10 =	vmul.f32 v18, v20;
	v34 =	vadd.f32 v21, v12;
	v30 =	vld.idx.msk [tilespmem:v38+s17+$0x0], $0xffff  }
0x1d4: {  	v16 =	vor.u32 v3, v16;
	v18 =	vor.u32 v3, v32;
	v14 =	vadd.f32 v15, v14;
	v12 =	vld.idx.msk [tilespmem:v38+s18+$0x0], $0xffff  }
0x1d5: {  	v15 =	vadd.s32 s4, v0;
	v17 =	vmul.f32 v17, v19;
	v19 =	vld.idx.msk [tilespmem:v41+s17+$0x0], $0xffff  }
0x1d6: {  	v15 =	vand.u32 $0x7F, v15;
	v21 =	vadd.f32 v22, v14;
	v20 =	vld.idx.msk [tilespmem:v41+s18+$0x0], $0xffff  }
0x1d7: {  	v15 =	vor.u32 v3, v15;
	v22 =	vld.idx.msk [tilespmem:v23+s17+$0x0], $0xffff  }
0x1d8: {  	v14 =	vmul.f32 v29, v13;
	v29 =	vadd.f32 v11, v21;
	v23 =	vld.idx.msk [tilespmem:v23+s18+$0x0], $0xffff  }
0x1d9: {  	v21 =	vld.idx.msk [tilespmem:v18+s18+$0x0], $0xffff  }
0x1da: {  	v12 =	vmul.f32 v12, v30;
	v32 =	vld.idx.msk [tilespmem:v16+s17+$0x0], $0xffff;
	_ =	sdelay $0x1  }
0x1db: {  	v13 =	vmul.f32 v20, v19;
	v11 =	vld.idx.msk [tilespmem:v15+s17+$0x0], $0xffff  }
0x1dc: {  	v19 =	vld.idx.msk [tilespmem:v15+s18+$0x0], $0xffff  }
0x1dd: {  	v15 =	vmul.f32 v23, v22;
	_ =	sdelay $0x4  }
0x1de: {  	v11 =	vmul.f32 v19, v11;
	_ =	sdelay $0x1  }
0x1df: {  	s0 =	sadd.s32 $0xFFFFFFE1, s12;
	v22 =	vld.idx.msk [tilespmem:v16+s18+$0x0], $0xffff  }
0x1e0: {  	s6 =	sadd.s32 $0xFFFFFFE4, s12;
	s4 =	sadd.s32 $0xFFFFFFE3, s12;
	v30 =	vor.u32 s0, v8;
	s0 =	sadd.s32 $0xFFFFFFE2, s12;
	v23 =	vld.idx.msk [tilespmem:v18+s17+$0x0], $0xffff  }
0x1e1: {  	v35 =	vadd.s32 s6, v8;
	v33 =	vadd.s32 s4, v8;
	v31 =	vadd.s32 s0, v8;
	v16 =	vld.idx.msk [tilespmem:v42+s17+$0x0], $0xffff  }
0x1e2: {  	s0 =	sadd.s32 $0xFFFFFFE5, s12;
	v18 =	vld.idx.msk [tilespmem:v25+s17+$0x0], $0xffff  }
0x1e3: {  	v25 =	vadd.s32 s0, v8;
	v19 =	vld.idx.msk [tilespmem:v27+s17+$0x0], $0xffff  }
0x1e4: {  	v20 =	vld.idx.msk [tilespmem:v24+s17+$0x0], $0xffff  }
0x1e5: {  	v24 =	vld.idx.msk [tilespmem:v30+s17+$0x0], $0xffff  }
0x1e6: {  	v27 =	vld.idx.msk [tilespmem:v30+s18+$0x0], $0xffff  }
0x1e7: {  	v30 =	vld.idx.msk [tilespmem:v35+s18+$0x0], $0xffff  }
0x1e8: {  	s4 =	sadd.s32 $0xFFFFFFE8, s12;
	s0 =	sadd.s32 $0xFFFFFFE7, s12;
	v37 =	vld.idx.msk [tilespmem:v25+s18+$0x0], $0xffff  }
0x1e9: {  	v39 =	vadd.s32 s4, v8;
	v38 =	vadd.s32 s0, v8;
	v36 =	vld.idx.msk [tilespmem:v33+s17+$0x0], $0xffff  }
0x1ea: {  	v25 =	vld.idx.msk [tilespmem:v25+s17+$0x0], $0xffff  }
0x1eb: {  	s4 =	sadd.s32 $0xFFFFFFE9, s12;
	s0 =	sadd.s32 $0xFFFFFFE6, s12;
	v40 =	vld.idx.msk [tilespmem:v31+s18+$0x0], $0xffff  }
0x1ec: {  	v41 =	vadd.s32 s4, v8;
	v24 =	vmul.f32 v27, v24;
	v27 =	vadd.s32 s0, v8;
	v35 =	vld.idx.msk [tilespmem:v35+s17+$0x0], $0xffff  }
0x1ed: {  	v33 =	vld.idx.msk [tilespmem:v33+s18+$0x0], $0xffff  }
0x1ee: {  	v42 =	vadd.f32 v24, v28;
	v43 =	vld.idx.msk [tilespmem:v31+s17+$0x0], $0xffff  }
0x1ef: {  	s0 =	sadd.s32 $0xFFFFFFEB, s12;
	v45 =	vld.idx.msk [tilespmem:v39+s18+$0x0], $0xffff  }
0x1f0: {  	v46 =	vadd.s32 s0, v8;
	v44 =	vld.idx.msk [tilespmem:v38+s18+$0x0], $0xffff  }
0x1f1: {  	v28 =	vld.idx.msk [tilespmem:v41+s18+$0x0], $0xffff  }
0x1f2: {  	s4 =	sadd.s32 $0xFFFFFFED, s12;
	s0 =	sadd.s32 $0xFFFFFFEC, s12;
	v30 =	vmul.f32 v30, v35;
	v24 =	vld.idx.msk [tilespmem:v27+s18+$0x0], $0xffff  }
0x1f3: {  	v31 =	vadd.s32 s0, v8;
	s0 =	sadd.s32 $0xFFFFFFEF, s12;
	v35 =	vmul.f32 v33, v36;
	v36 =	vadd.s32 s4, v8;
	v33 =	vld.idx.msk [tilespmem:v41+s17+$0x0], $0xffff  }
0x1f4: {  	v40 =	vmul.f32 v40, v43;
	v41 =	vmul.f32 v37, v25;
	v43 =	vadd.s32 s0, v8;
	v38 =	vld.idx.msk [tilespmem:v38+s17+$0x0], $0xffff  }
0x1f5: {  	v39 =	vld.idx.msk [tilespmem:v39+s17+$0x0], $0xffff  }
0x1f6: {  	v25 =	vadd.f32 v40, v29;
	v40 =	vadd.f32 v35, v34;
	v37 =	vld.idx.msk [tilespmem:v46+s18+$0x0], $0xffff  }
.Ltmp8:
0x1f7: {  	s0 =	sadd.s32 $0xFFFFFFF3, s12;
	v35 =	vadd.f32 v41, v42;
	v41 =	vld.idx.msk [tilespmem:v46+s17+$0x0], $0xffff;
	(pc) =	sbr.rel @p2 .LBB2_14-.Ltmp8, $4  }
0x1f8: {  	s6 =	sadd.s32 $0xFFFFFFF5, s12;
	v22 =	vmul.f32 v22, v32;
	s4 =	sadd.s32 $0xFFFFFFF1, s12;
	v42 =	vadd.f32 v30, v26;
	v26 =	vadd.s32 s0, v0;
	v29 =	vld.idx.msk [tilespmem:v36+s18+$0x0], $0xffff  }
0x1f9: {  	s0 =	sadd.s32 $0xFFFFFFEA, s12;
	v34 =	vor.u32 s4, v8;
	v26 =	vand.u32 $0x7F, v26;
	v46 =	vadd.s32 s6, v0;
	v30 =	vld.idx.msk [tilespmem:v43+s18+$0x0], $0xffff  }
0x1fa: {  	s4 =	sadd.s32 $0xFFFFFFF0, s12;
	v26 =	vor.u32 v3, v26;
	v44 =	vmul.f32 v44, v38;
	v38 =	vand.u32 $0x7F, v46;
	v32 =	vld.idx.msk [tilespmem:v31+s18+$0x0], $0xffff  }
0x1fb: {  	v45 =	vmul.f32 v45, v39;
	v38 =	vor.u32 v3, v38;
	v39 =	vld.idx.msk [tilespmem:v43+s17+$0x0], $0xffff;
	v43 =	vadd.s32 s4, v8  }
0x1fc: {  	_ =	sdelay $0x3  }
0x1fd: {  	v61 =	vld.idx.msk [tilespmem:v36+s17+$0x0], $0xffff  }
0x1fe: {  	v3 =	vadd.s32 s0, v8;
	v27 =	vld.idx.msk [tilespmem:v27+s17+$0x0], $0xffff  }
0x1ff: {  	v31 =	vld.idx.msk [tilespmem:v31+s17+$0x0], $0xffff  }
0x200: {  	v62 =	vld.idx.msk [tilespmem:v34+s17+$0x0], $0xffff  }
0x201: {  	v46 =	vld.idx.msk [tilespmem:v43+s18+$0x0], $0xffff  }
0x202: {  	v63 =	vld.idx.msk [tilespmem:v43+s17+$0x0], $0xffff  }
0x203: {  	v47 =	vld.idx.msk [tilespmem:v3+s18+$0x0], $0xffff  }
0x204: {  	v3 =	vld.idx.msk [tilespmem:v3+s17+$0x0], $0xffff  }
0x205: {  	v48 =	vld.idx.msk [tilespmem:v34+s18+$0x0], $0xffff  }
0x206: {  	v28 =	vmul.f32 v28, v33;
	v37 =	vmul.f32 v37, v41;
	v51 =	vld.idx.msk [tilespmem:v26+s17+$0x0], $0xffff  }
0x207: {  	v40 =	vadd.f32 v44, v40;
	v53 =	vld.idx.msk [tilespmem:v26+s18+$0x0], $0xffff;
	v6 =	vmul.f32 v6, v16;
	v24 =	vmul.f32 v24, v27  }
0x208: {  	v49 =	vld.idx.msk [tilespmem:v38+s17+$0x0], $0xffff;
	v42 =	vadd.f32 v45, v42;
	v28 =	vadd.f32 v28, v35;
	v30 =	vmul.f32 v30, v39  }
0x209: {  	v50 =	vld.idx.msk [tilespmem:v38+s18+$0x0], $0xffff;
	v31 =	vmul.f32 v32, v31;
	v24 =	vadd.f32 v24, v25;
	v3 =	vmul.f32 v47, v3  }
0x20a: {  	v52 =	vadd.f32 v37, v40;
	v8 =	vmul.f32 v29, v61;
	v55 =	vmul.f32 v46, v63  }
0x20b: {  	v56 =	vmul.f32 v48, v62;
	v54 =	vadd.f32 v31, v42;
	v3 =	vadd.f32 v3, v24  }
0x20c: {  	v26 =	vmul.f32 v53, v51;
	v29 =	vadd.f32 v30, v52;
	v8 =	vadd.f32 v8, v28  }
0x20d: {  	v7 =	vmul.f32 v7, v19;
	v57 =	vadd.f32 v55, v54;
	v3 =	vadd.f32 v14, v3  }
0x20e: {  	v58 =	vmul.f32 v50, v49;
	v60 =	vadd.f32 v26, v29;
	v8 =	vadd.f32 v56, v8  }
0x20f: {  	v59 =	vadd.f32 v17, v57;
	v3 =	vadd.f32 v6, v3  }
0x210: {  	v4 =	vmul.f32 v4, v20;
	v7 =	vadd.f32 v7, v60;
	v8 =	vadd.f32 v58, v8  }
0x211: {  	v5 =	vmul.f32 v5, v18;
	v61 =	vadd.f32 v9, v59;
	v3 =	vadd.f32 v15, v3  }
0x212: {  	v62 =	vmul.f32 v21, v23;
	v7 =	vadd.f32 v12, v7;
	v4 =	vadd.f32 v4, v8  }
0x213: {  	v5 =	vadd.f32 v5, v61;
	v3 =	vadd.f32 v22, v3  }
0x214: {  	v4 =	vadd.f32 v10, v4;
	v6 =	vadd.f32 v62, v7  }
0x215: {  	s21 =	sadd.s32 $0x1, s21;
	v5 =	vadd.f32 v13, v5;
	v3 =	vadd.f32 v11, v3  }
0x216: {  	p2 =	sne.s32 s21, $0x8  }
.Ltmp9:
0x217: {  	v63 =	vadd.f32 v5, v6;
	v3 =	vadd.f32 v3, v4;
	(pc) =	sbr.rel @p2 .LBB2_13-.Ltmp9, $3  }
0x218: {  	_ = 	snop  }
0x219: {  	v3 =	vadd.f32 v63, v3;
	_ =	sdelay $0x1  }
0x21a: {  	[tilespmem:s23+$0x18380] =	vst v3  }
0x21b: {  	v3 =	vld [tilespmem:$0x18380]  }
0x21c: {  	v4 =	vld [tilespmem:$0x18390]  }
0x21d: {  	v7 =	vld [tilespmem:$0x183A0]  }
0x21e: {  	v8 =	vld [tilespmem:$0x183B0]  }
0x21f: {  	p2 =	slt.u32 s20, $0x9C4;
	s0 =	simm.s32 $0x0;
	v10 =	vld [tilespmem:$0x183C0]  }
0x220: {  	v11 =	vld [tilespmem:$0x183D0];
	s0 =	simm.s32 @!p2 $0x20000  }
0x221: {  	v12 =	vld [tilespmem:$0x183E0];
	v6 =	vmov s0  }
0x222: {  	v49 =	vld [tilespmem:$0x183F0];
	v35 =	vor.u32 $0x10000, v6;
	v5 =	vshra.s32 v3, $0xF  }
0x223: {  	vm0 =	vlt.s32 v3, $0x0;
	v36 =	vshra.s32 v4, $0xF;
	vm9 =	vlt.s32 v4, $0x0  }
0x224: {  	v41 =	vshra.s32 v7, $0xF;
	vm10 =	vlt.s32 v7, $0x0;
	v44 =	vshra.s32 v8, $0xF  }
0x225: {  	vm11 =	vlt.s32 v8, $0x0;
	v46 =	vshra.s32 v10, $0xF;
	vm12 =	vlt.s32 v10, $0x0  }
0x226: {  	v13 =	vshra.s32 v11, $0xF;
	vm13 =	vlt.s32 v11, $0x0;
	v50 =	vshra.s32 v12, $0xF  }
0x227: {  	vm14 =	vlt.s32 v12, $0x0;
	v56 =	vshra.s32 v49, $0xF;
	vm15 =	vlt.s32 v49, $0x0  }
0x228: {  	v3 =	vxor.u32 $0xFFFF, v5;
	v37 =	vxor.u32 $0xFFFF, v36;
	v42 =	vxor.u32 $0xFFFF, v41  }
0x229: {  	v45 =	vxor.u32 $0xFFFF, v44;
	v47 =	vxor.u32 $0xFFFF, v46;
	v48 =	vxor.u32 $0xFFFF, v13  }
0x22a: {  	v51 =	vxor.u32 $0xFFFF, v50;
	v58 =	vxor.u32 $0xFFFF, v56;
	v3 =	vsel vm0, v3, v5  }
0x22b: {  	v5 =	vbroadcast v35, $0x0;
	v4 =	vsel vm9, v37, v36;
	v43 =	vsel vm10, v42, v41  }
0x22c: {  	v7 =	vsel vm11, v45, v44;
	v10 =	vsel vm13, v48, v13;
	v12 =	vsel vm14, v51, v50  }
0x22d: {  	v59 =	vsel vm15, v58, v56;
	v9 =	vand.u32 $0x7F, v3;
	v39 =	vand.u32 $0x7F, v4  }
0x22e: {  	v8 =	vand.u32 $0x7F, v7;
	v54 =	vand.u32 $0x7F, v10;
	v38 =	vor.u32 $0x40000, v9  }
0x22f: {  	v3 =	vadd.s32 v3, v5;
	v40 =	vor.u32 $0x40000, v39;
	v4 =	vadd.s32 v4, v5  }
0x230: {  	p6 =	sgt.u32 s20, $0x1387;
	v9 =	vand.u32 $0x7F, v43;
	v6 =	vadd.s32 v43, v5;
	v8 =	vor.u32 $0x40000, v8  }
0x231: {  	v7 =	vadd.s32 v7, v5;
	v3 =	vpsel p6, v38, v3;
	v9 =	vor.u32 $0x40000, v9  }
0x232: {  	v4 =	vpsel p6, v40, v4;
	v6 =	vpsel p6, v9, v6;
	v9 =	vsel vm12, v47, v46;
	[tilespmem:$0x18500] =	vst v3  }
0x233: {  	v60 =	vand.u32 $0x7F, v12;
	v7 =	vpsel p6, v8, v7;
	[tilespmem:$0x18510] =	vst v4;
	v52 =	vand.u32 $0x7F, v9  }
0x234: {  	v55 =	vor.u32 $0x40000, v54;
	[tilespmem:$0x18530] =	vst v7;
	v53 =	vadd.s32 v9, v5;
	v3 =	vor.u32 $0x40000, v52  }
0x235: {  	v57 =	vadd.s32 v10, v5;
	v61 =	vadd.s32 v12, v5;
	[tilespmem:$0x18520] =	vst v6;
	v3 =	vpsel p6, v3, v53  }
0x236: {  	v8 =	vand.u32 $0x7F, v59;
	v4 =	vpsel p6, v55, v57;
	[tilespmem:$0x18540] =	vst v3;
	v3 =	vor.u32 $0x40000, v60  }
0x237: {  	v62 =	vadd.s32 v59, v5;
	v63 =	vor.u32 $0x40000, v8;
	[tilespmem:$0x18550] =	vst v4;
	v3 =	vpsel p6, v3, v61  }
.Ltmp10:
0x238: {  	s23 =	rddreg [dreg:$0x4];
	[tilespmem:$0x18560] =	vst v3;
	v3 =	vpsel p6, v63, v62;
	(pc) =	sbr.rel @p1 .LBB2_18-.Ltmp10, $4  }
0x239: {  	s4 =	simm.s32 $0x18600;
	s6 =	simm.s32 $0x18500;
	s24 =	sshll.u32 s20, $0x4;
	[tilespmem:$0x18570] =	vst v3  }
0x23a: {  	[spmem:s23] =	stream.indirect.scatter.add.f32 [tilespmem:s4], [sflag:$0xB], $0x1, s6, s30, $0xb8;
	[tilespmem:$0x1C688] =	vst v63  }
0x23b: {  	s31 =	simm.s32 $0x18380;
	s0 =	sadd.s32 s8, s24  }
0x23c: {  	[hbm4b:s0+s5] =	stream.linear.scatter [tilespmem:s31], [sflag:$0xE], $0x80, $0x38;
	[tilespmem:$0x1C688] =	vst v63  }
0x23d: {  	_ =	swait.ge [sflag:s16], $0x80  }
0x23e: {  	[sflag:s16] =	ssyncset.done $0x0  }
0x23f: {  	[sflag:s16] =	ssyncadd.s32 $0xFFFFFF80  }
0x240: {  	_ =	swait.ge [sflag:s16], $0x80  }
0x241: {  	[sflag:s16] =	ssyncset.done $0x0  }
0x242: {  	s0 =	simm.s32 $0x100;
	[sflag:s16] =	ssyncadd.s32 $0xFFFFFF80  }
0x243: {  	[tilespmem:s17], [sflag:$0x6] =	stream.indirect.gather [hbm4b:s1+s30], $0x80, s0, s30, $0xb8;
	[tilespmem:$0x1C688] =	vst v63  }
0x244: {  	s23 =	simm.s32 $0x180;
	s4 =	simm.s32 $0x8  }
0x245: {  	[tilespmem:s18], [sflag:$0x7] =	stream.indirect.gather [hbm4b:s1+s30], $0x80, s23, s30, $0xb8;
	[tilespmem:$0x1C688] =	vst v63  }
0x246: {  	_ =	swait.ge [sflag:s4], $0x4000  }
0x247: {  	s24 =	rddreg [dreg:$0x13]  }
0x248: {  	[sflag:s4] =	ssyncset.done $0x0;
	s0 =	sadd.s32 s24, s2  }
0x249: {  	s31 =	simm.s32 $0x9;
	[sflag:s4] =	ssyncadd.s32 $0xFFFFC000;
	p1 =	sgt.u32 s0, $0x9C3  }
0x24a: {  	_ =	swait.ge [sflag:s31], $0x4000;
	p2 =	sgt.s32 @p1 s0, $0x1387  }
0x24b: {  	[sflag:s31] =	ssyncset.done $0x0;
	p3 =	por !p2, !p1  }
0x24c: {  	[sflag:s31] =	ssyncadd.s32 $0xFFFFC000;
	s4 =	simm.s32 @!p3 $0x0;
	s6 =	simm.s32 @!p3 $0x200  }
0x24d: {  	[tilespmem:s6], [sflag:$0x3] =	stream.linear.gather @!p3 [hbm4b:s3+s4], $0x80, $0x38;
	[tilespmem:$0x1C688] =	vst v63  }
0x24e: {  	p2 =	por p2, !p1;
	s6 =	simm.s32 @!p3 $0x280  }
0x24f: {  	[tilespmem:s6], [sflag:$0x3] =	stream.linear.gather @!p3 [hbm4b:s26+s4], $0x80, $0x38;
	[tilespmem:$0x1C688] =	vst v63  }
0x250: {  	s4 =	sshll.u32 @!p2 s0, $0x8  }
0x251: {  	s6 =	sadd.s32 @!p2 $0xFFF63C00, s4  }
0x252: {  	s11 =	simm.s32 @!p2 $0x0;
	s4 =	sadd.s32 @!p2 $0xFFF63C80, s4;
	s6 =	sshrl.u32 @!p2 s6, $0x3  }
0x253: {  	s12 =	simm.s32 @!p2 $0x200;
	s4 =	sshrl.u32 @!p2 s4, $0x3;
	s6 =	sadd.s32 @!p2 s3, s6  }
0x254: {  	[tilespmem:s12], [sflag:$0x3] =	stream.linear.gather @!p2 [hbm4b:s6+s11], $0x80, $0x38;
	[tilespmem:$0x1C688] =	vst v63  }
0x255: {  	s4 =	sadd.s32 @!p2 s3, s4;
	s6 =	simm.s32 @!p2 $0x280  }
0x256: {  	[tilespmem:s6], [sflag:$0x3] =	stream.linear.gather @!p2 [hbm4b:s4+s11], $0x80, $0x38;
	[tilespmem:$0x1C688] =	vst v63  }
.Ltmp11:
0x257: {  	s0 =	sshll.u32 @!p1 s0, $0x5;
	s4 =	rddreg [dreg:$0x1];
	(pc) =	sbr.rel .LBB2_19-.Ltmp11, $4  }
0x258: {  	s6 =	simm.s32 @!p1 $0x0;
	s11 =	simm.s32 @!p1 $0x200;
	s4 =	sadd.s32 @!p1 s4, s0  }
0x259: {  	[tilespmem:s11], [sflag:$0x3] =	stream.linear.gather @!p1 [hbm4b:s4+s6], $0x80, $0x38;
	[tilespmem:$0x1C688] =	vst v63  }
0x25a: {  	s0 =	sadd.s32 @!p1 s0, s13;
	s4 =	simm.s32 @!p1 $0x280  }
0x25b: {  	[tilespmem:s4], [sflag:$0x3] =	stream.linear.gather @!p1 [hbm4b:s0+s6], $0x80, $0x38;
	[tilespmem:$0x1C688] =	vst v63  }
.LBB2_18:
0x25c: {  	s0 =	simm.s32 $0x8  }
0x25d: {  	_ =	swait.ge [sflag:s0], $0x4000  }
0x25e: {  	[sflag:s0] =	ssyncset.done $0x0  }
0x25f: {  	s31 =	simm.s32 $0x9;
	[sflag:s0] =	ssyncadd.s32 $0xFFFFC000  }
0x260: {  	_ =	swait.ge [sflag:s31], $0x4000  }
0x261: {  	[sflag:s31] =	ssyncset.done $0x0  }
0x262: {  	[sflag:s31] =	ssyncadd.s32 $0xFFFFC000  }
.LBB2_19:
0x263: {  	s0 =	simm.s32 @!p0 $0xC  }
0x264: {  	_ =	swait.ge @!p0 [sflag:s0], $0x80  }
0x265: {  	[sflag:s0] =	ssyncset.done @!p0 $0x0  }
0x266: {  	[sflag:s0] =	ssyncadd.s32 @!p0 $0xFFFFFF80;
	s0 =	simm.s32 @!p0 $0xF  }
0x267: {  	_ =	swait.ge @!p0 [sflag:s0], $0x80  }
0x268: {  	[sflag:s0] =	ssyncset.done @!p0 $0x0;
	s4 =	rddreg [dreg:$0x14]  }
0x269: {  	s20 =	simm.s32 $0x0;
	s2 =	sadd.s32 s4, s2;
	[sflag:s0] =	ssyncadd.s32 @!p0 $0xFFFFFF80  }
.LBB2_20:
0x26a: {  	s21 =	sshll.u32 s20, $0x4  }
0x26b: {  	s0 =	simm.s32 $0x17;
	v3 =	vmov s21  }
0x26c: {  	v4 =	vadd.s32 s0, v0;
	v3 =	vshll.u32 v3, $0x7  }
0x26d: {  	s23 =	simm.s32 $0x18;
	v4 =	vand.u32 $0x7F, v4;
	v3 =	vor.u32 v2, v3  }
0x26e: {  	s24 =	simm.s32 $0x1B;
	v5 =	vadd.s32 s23, v0;
	v4 =	vor.u32 v3, v4  }
0x26f: {  	s4 =	simm.s32 $0x16;
	v6 =	vadd.s32 s24, v0;
	v5 =	vand.u32 $0x7F, v5  }
0x270: {  	s19 =	simm.s32 $0x15;
	v7 =	vadd.s32 s4, v0;
	v6 =	vand.u32 $0x7F, v6;
	v9 =	vor.u32 v3, v5  }
0x271: {  	v20 =	vadd.s32 s19, v0;
	v7 =	vand.u32 $0x7F, v7;
	v10 =	vor.u32 v3, v6  }
0x272: {  	s31 =	simm.s32 $0x1C;
	v20 =	vand.u32 $0x7F, v20;
	v11 =	vor.u32 v3, v7  }
0x273: {  	s4 =	simm.s32 $0x13;
	v5 =	vadd.s32 s31, v0;
	v20 =	vor.u32 v3, v20;
	v13 =	vld.idx.msk [tilespmem:v4+s29+$0x0], $0xffff  }
0x274: {  	v6 =	vadd.s32 s4, v0;
	v5 =	vand.u32 $0x7F, v5;
	v14 =	vld.idx.msk [tilespmem:v4+s7+$0x0], $0xffff  }
0x275: {  	s11 =	simm.s32 $0xD;
	v8 =	vor.u32 v0, v3;
	v12 =	vor.u32 v3, v5;
	v5 =	vand.u32 $0x7F, v6;
	v4 =	vld.idx.msk [tilespmem:v9+s7+$0x0], $0xffff  }
0x276: {  	v17 =	vadd.s32 s11, v8;
	v15 =	vor.u32 v3, v5;
	v5 =	vld.idx.msk [tilespmem:v10+s7+$0x0], $0xffff  }
0x277: {  	s4 =	simm.s32 $0x3;
	v7 =	vld.idx.msk [tilespmem:v11+s7+$0x0], $0xffff  }
0x278: {  	s22 =	simm.s32 $0x1E;
	v27 =	vadd.s32 s4, v8;
	v34 =	vld.idx.msk [tilespmem:v20+s29+$0x0], $0xffff  }
0x279: {  	v21 =	vadd.s32 s22, v0;
	s22 =	simm.s32 $0x7;
	v35 =	vld.idx.msk [tilespmem:v20+s7+$0x0], $0xffff  }
0x27a: {  	v44 =	vadd.s32 s22, v8;
	v20 =	vld.idx.msk [tilespmem:v9+s29+$0x0], $0xffff  }
0x27b: {  	v25 =	vld.idx.msk [tilespmem:v17+s29+$0x0], $0xffff  }
0x27c: {  	v26 =	vld.idx.msk [tilespmem:v17+s7+$0x0], $0xffff  }
0x27d: {  	s6 =	simm.s32 $0x11;
	v37 =	vld.idx.msk [tilespmem:v27+s7+$0x0], $0xffff  }
0x27e: {  	v6 =	vadd.s32 s6, v0;
	v48 =	vld.idx.msk [tilespmem:v27+s29+$0x0], $0xffff  }
0x27f: {  	v6 =	vand.u32 $0x7F, v6;
	v51 =	vld.idx.msk [tilespmem:v44+s7+$0x0], $0xffff  }
0x280: {  	s12 =	simm.s32 $0x1A;
	s19 =	simm.s32 $0x1;
	v16 =	vor.u32 v3, v6;
	v61 =	vld.idx.msk [tilespmem:v44+s29+$0x0], $0xffff  }
0x281: {  	v6 =	vadd.s32 s12, v0;
	v9 =	vadd.s32 s19, v8;
	v22 =	vld.idx.msk [tilespmem:v12+s29+$0x0], $0xffff  }
0x282: {  	s12 =	simm.s32 $0x1F;
	v6 =	vand.u32 $0x7F, v6;
	v12 =	vld.idx.msk [tilespmem:v12+s7+$0x0], $0xffff  }
0x283: {  	v18 =	vadd.s32 s12, v0;
	v19 =	vor.u32 v3, v6;
	v24 =	vld.idx.msk [tilespmem:v15+s29+$0x0], $0xffff  }
0x284: {  	v6 =	vand.u32 $0x7F, v18;
	v15 =	vld.idx.msk [tilespmem:v15+s7+$0x0], $0xffff  }
0x285: {  	s23 =	simm.s32 $0x19;
	v18 =	vor.u32 v3, v6;
	v6 =	vld.idx.msk [tilespmem:v16+s7+$0x0], $0xffff  }
0x286: {  	v17 =	vadd.s32 s23, v0;
	s23 =	simm.s32 $0x6;
	v47 =	vld.idx.msk [tilespmem:v9+s7+$0x0], $0xffff  }
0x287: {  	v46 =	vadd.s32 s23, v8;
	v50 =	vld.idx.msk [tilespmem:v9+s29+$0x0], $0xffff  }
0x288: {  	v17 =	vand.u32 $0x7F, v17;
	v29 =	vld.idx.msk [tilespmem:v19+s29+$0x0], $0xffff  }
0x289: {  	v17 =	vor.u32 v3, v17;
	v30 =	vld.idx.msk [tilespmem:v19+s7+$0x0], $0xffff  }
0x28a: {  	v21 =	vand.u32 $0x7F, v21;
	v31 =	vld.idx.msk [tilespmem:v18+s29+$0x0], $0xffff  }
0x28b: {  	s24 =	simm.s32 $0x1D;
	v19 =	vor.u32 v3, v21;
	v32 =	vld.idx.msk [tilespmem:v18+s7+$0x0], $0xffff  }
0x28c: {  	v21 =	vadd.s32 s24, v0;
	v52 =	vld.idx.msk [tilespmem:v46+s7+$0x0], $0xffff  }
0x28d: {  	v21 =	vand.u32 $0x7F, v21;
	v59 =	vld.idx.msk [tilespmem:v46+s29+$0x0], $0xffff  }
0x28e: {  	v18 =	vor.u32 v3, v21;
	v38 =	vld.idx.msk [tilespmem:v17+s29+$0x0], $0xffff  }
0x28f: {  	v43 =	vld.idx.msk [tilespmem:v17+s7+$0x0], $0xffff  }
0x290: {  	s31 =	simm.s32 $0x0;
	v21 =	vld.idx.msk [tilespmem:v19+s7+$0x0], $0xffff  }
0x291: {  	v17 =	vor.u32 s31, v8;
	v23 =	vld.idx.msk [tilespmem:v19+s29+$0x0], $0xffff  }
0x292: {  	s11 =	simm.s32 $0x2;
	v19 =	vld.idx.msk [tilespmem:v11+s29+$0x0], $0xffff  }
0x293: {  	v11 =	vadd.s32 s11, v8;
	v39 =	vld.idx.msk [tilespmem:v18+s29+$0x0], $0xffff  }
0x294: {  	s6 =	simm.s32 $0x4;
	v40 =	vld.idx.msk [tilespmem:v18+s7+$0x0], $0xffff  }
0x295: {  	v18 =	vld.idx.msk [tilespmem:v10+s29+$0x0], $0xffff;
	v10 =	vadd.s32 s6, v8  }
0x296: {  	v33 =	vld.idx.msk [tilespmem:v17+s29+$0x0], $0xffff  }
0x297: {  	s24 =	simm.s32 $0x8;
	v36 =	vld.idx.msk [tilespmem:v17+s7+$0x0], $0xffff  }
0x298: {  	v49 =	vadd.s32 s24, v8;
	s31 =	simm.s32 $0x5;
	v42 =	vld.idx.msk [tilespmem:v11+s29+$0x0], $0xffff  }
0x299: {  	s19 =	simm.s32 $0xB;
	v27 =	vadd.s32 s31, v8;
	v11 =	vld.idx.msk [tilespmem:v11+s7+$0x0], $0xffff  }
0x29a: {  	v9 =	vmul.f32 v14, v13;
	v13 =	vmul.f32 v32, v31;
	v31 =	vadd.s32 s19, v8;
	v41 =	vld.idx.msk [tilespmem:v10+s7+$0x0], $0xffff  }
0x29b: {  	s4 =	simm.s32 $0xA;
	v14 =	vmul.f32 v26, v25;
	v45 =	vld.idx.msk [tilespmem:v10+s29+$0x0], $0xffff  }
0x29c: {  	v16 =	vld.idx.msk [tilespmem:v16+s29+$0x0], $0xffff;
	v62 =	vmul.f32 v37, v48;
	s24 =	simm.s32 $0x14;
	s11 =	simm.s32 $0xE;
	v10 =	vmul.f32 v12, v22;
	v22 =	vadd.s32 s4, v8  }
0x29d: {  	v63 =	vadd.s32 s24, v0;
	v28 =	vld.idx.msk [tilespmem:v49+s7+$0x0], $0xffff;
	v60 =	vadd.s32 s11, v8;
	v44 =	vmul.f32 v52, v59;
	s6 =	simm.s32 $0xC  }
0x29e: {  	v17 =	vmul.f32 v15, v24;
	v24 =	vld.idx.msk [tilespmem:v27+s7+$0x0], $0xffff;
	v15 =	vmul.f32 v36, v33;
	v36 =	vadd.s32 s6, v8  }
0x29f: {  	v32 =	vld.idx.msk [tilespmem:v31+s7+$0x0], $0xffff;
	v12 =	vmul.f32 v30, v29;
	v29 =	vimm.f32 $0.0e+00;
	v26 =	vmul.f32 v11, v42  }
0x2a0: {  	s23 =	simm.s32 $0x10;
	v33 =	vld.idx.msk [tilespmem:v49+s29+$0x0], $0xffff;
	v30 =	vadd.f32 v15, v29;
	v11 =	vmul.f32 v47, v50;
	v41 =	vmul.f32 v41, v45  }
0x2a1: {  	v15 =	vmul.f32 v35, v34;
	v34 =	vor.u32 s23, v8;
	v42 =	vadd.f32 v62, v29;
	v37 =	vld.idx.msk [tilespmem:v22+s7+$0x0], $0xffff  }
0x2a2: {  	s22 =	simm.s32 $0x12;
	v25 =	vadd.f32 v11, v29;
	v11 =	vmul.f32 v40, v39;
	v35 =	vadd.f32 v41, v30;
	v41 =	vld.idx.msk [tilespmem:v22+s29+$0x0], $0xffff  }
0x2a3: {  	v40 =	vadd.f32 v26, v29;
	v29 =	vld.idx.msk [tilespmem:v36+s7+$0x0], $0xffff;
	v26 =	vadd.s32 s22, v0;
	v45 =	vmul.f32 v51, v61  }
0x2a4: {  	s31 =	simm.s32 $0xF;
	v39 =	vld.idx.msk [tilespmem:v60+s29+$0x0], $0xffff;
	v26 =	vand.u32 $0x7F, v26;
	v22 =	vmul.f32 v43, v38;
	v38 =	vand.u32 $0x7F, v63  }
0x2a5: {  	s0 =	simm.s32 $0x9;
	s11 =	simm.s32 $0x0;
	v30 =	vld.idx.msk [tilespmem:v60+s7+$0x0], $0xffff;
	v26 =	vor.u32 v3, v26;
	v43 =	vadd.s32 s31, v8;
	v38 =	vor.u32 v3, v38  }
.LBB2_21:
0x2a6: {  	s11 =	sadd.s32 $0x8, s11;
	v28 =	vmul.f32 v28, v33;
	v33 =	vadd.s32 s0, v8;
	v36 =	vld.idx.msk [tilespmem:v36+s29+$0x0], $0xffff;
	v21 =	vmul.f32 v21, v23;
	s12 =	sadd.s32 $0x20, s12  }
0x2a7: {  	v37 =	vmul.f32 v37, v41;
	s0 =	sadd.s32 $0xFFFFFFF8, s12;
	s4 =	sadd.s32 $0xFFFFFFF9, s12;
	p0 =	slt.u32 s11, $0x18;
	v23 =	vld.idx.msk [tilespmem:v27+s29+$0x0], $0xffff;
	v27 =	vadd.f32 v44, v40;
	v40 =	vadd.f32 v45, v42  }
0x2a8: {  	s6 =	sadd.s32 $0xFFFFFFF4, s12;
	v41 =	vadd.s32 s0, v0;
	v42 =	vadd.s32 s4, v0;
	s0 =	sadd.s32 $0xFFFFFFFC, s12;
	s4 =	sadd.s32 $0xFFFFFFFD, s12;
	v28 =	vadd.f32 v28, v35;
	v31 =	vld.idx.msk [tilespmem:v31+s29+$0x0], $0xffff  }
0x2a9: {  	s19 =	sadd.s32 $0xFFFFFFEE, s12;
	s24 =	sadd.s32 $0xFFFFFFF2, s12;
	v35 =	vadd.s32 s6, v0;
	s6 =	sadd.s32 $0xFFFFFFF7, s12;
	v41 =	vand.u32 $0x7F, v41;
	v42 =	vand.u32 $0x7F, v42;
	v44 =	vld.idx.msk [tilespmem:v34+s29+$0x0], $0xffff  }
0x2aa: {  	s22 =	sadd.s32 $0xFFFFFFF6, s12;
	s23 =	sadd.s32 $0xFFFFFFFF, s12;
	v45 =	vadd.s32 s6, v0;
	s6 =	sadd.s32 $0xFFFFFFFB, s12;
	v46 =	vadd.s32 s0, v0;
	v47 =	vadd.s32 s4, v0;
	v48 =	vld.idx.msk [tilespmem:v43+s7+$0x0], $0xffff  }
0x2ab: {  	v35 =	vand.u32 $0x7F, v35;
	s0 =	sadd.s32 $0xFFFFFFFA, s12;
	s4 =	sadd.s32 $0xFFFFFFFE, s12;
	v45 =	vand.u32 $0x7F, v45;
	v46 =	vand.u32 $0x7F, v46;
	v49 =	vld.idx.msk [tilespmem:v33+s7+$0x0], $0xffff  }
0x2ac: {  	v27 =	vadd.f32 v37, v27;
	v47 =	vand.u32 $0x7F, v47;
	v29 =	vmul.f32 v29, v36;
	v36 =	vld.idx.msk [tilespmem:v43+s29+$0x0], $0xffff  }
0x2ad: {  	v37 =	vor.u32 v3, v47;
	v23 =	vmul.f32 v24, v23;
	v24 =	vmul.f32 v30, v39;
	v30 =	vld.idx.msk [tilespmem:v34+s7+$0x0], $0xffff  }
0x2ae: {  	v34 =	vor.u32 v3, v41;
	v31 =	vmul.f32 v32, v31;
	v28 =	vadd.f32 v29, v28;
	v29 =	vld.idx.msk [tilespmem:v38+s29+$0x0], $0xffff  }
0x2af: {  	v32 =	vadd.s32 s19, v8;
	v23 =	vadd.f32 v23, v25;
	v39 =	vadd.f32 v24, v27;
	v38 =	vld.idx.msk [tilespmem:v38+s7+$0x0], $0xffff  }
0x2b0: {  	v25 =	vadd.s32 s24, v0;
	v24 =	vor.u32 v3, v42;
	v31 =	vadd.f32 v31, v40;
	v40 =	vld.idx.msk [tilespmem:v26+s29+$0x0], $0xffff  }
0x2b1: {  	v41 =	vadd.s32 s12, v0;
	v27 =	vand.u32 $0x7F, v25;
	v25 =	vor.u32 v3, v46;
	v26 =	vld.idx.msk [tilespmem:v26+s7+$0x0], $0xffff  }
0x2b2: {  	v42 =	vor.u32 v3, v27;
	v27 =	vor.u32 v3, v45;
	v36 =	vmul.f32 v48, v36;
	v33 =	vld.idx.msk [tilespmem:v33+s29+$0x0], $0xffff  }
0x2b3: {  	v41 =	vand.u32 $0x7F, v41;
	v45 =	vadd.s32 s6, v0;
	v30 =	vmul.f32 v30, v44;
	v43 =	vld.idx.msk [tilespmem:v34+s29+$0x0], $0xffff  }
0x2b4: {  	v41 =	vor.u32 v3, v41;
	v44 =	vand.u32 $0x7F, v45;
	v31 =	vadd.f32 v36, v31;
	v34 =	vld.idx.msk [tilespmem:v34+s7+$0x0], $0xffff  }
0x2b5: {  	v35 =	vor.u32 v3, v35;
	v28 =	vadd.f32 v30, v28;
	v29 =	vmul.f32 v38, v29;
	v36 =	vld.idx.msk [tilespmem:v24+s7+$0x0], $0xffff  }
0x2b6: {  	v30 =	vadd.s32 s22, v0;
	v38 =	vor.u32 v3, v44;
	v17 =	vadd.f32 v17, v31;
	v44 =	vld.idx.msk [tilespmem:v25+s7+$0x0], $0xffff  }
0x2b7: {  	v4 =	vmul.f32 v4, v20;
	v26 =	vmul.f32 v26, v40;
	v28 =	vadd.f32 v29, v28;
	v31 =	vld.idx.msk [tilespmem:v27+s7+$0x0], $0xffff  }
0x2b8: {  	v5 =	vmul.f32 v5, v18;
	v29 =	vmul.f32 v49, v33;
	v17 =	vadd.f32 v9, v17;
	v20 =	vld.idx.msk [tilespmem:v37+s29+$0x0], $0xffff  }
0x2b9: {  	v7 =	vmul.f32 v7, v19;
	v26 =	vadd.f32 v26, v39;
	v33 =	vadd.f32 v4, v28;
	v18 =	vld.idx.msk [tilespmem:v37+s7+$0x0], $0xffff  }
0x2ba: {  	v9 =	vmul.f32 v34, v43;
	v23 =	vadd.f32 v29, v23;
	v29 =	vadd.f32 v5, v17;
	v19 =	vld.idx.msk [tilespmem:v35+s29+$0x0], $0xffff  }
0x2bb: {  	v16 =	vmul.f32 v6, v16;
	v34 =	vadd.f32 v7, v26;
	v28 =	vadd.f32 v10, v33;
	v17 =	vld.idx.msk [tilespmem:v35+s7+$0x0], $0xffff  }
0x2bc: {  	v10 =	vand.u32 $0x7F, v30;
	v4 =	vmovc v36;
	v14 =	vadd.f32 v14, v23;
	v26 =	vadd.f32 v13, v29;
	v6 =	vld.idx.msk [tilespmem:v42+s7+$0x0], $0xffff  }
0x2bd: {  	v23 =	vor.u32 v3, v10;
	v10 =	vadd.s32 s23, v0;
	v5 =	vmovc v44;
	v12 =	vadd.f32 v12, v34;
	v13 =	vld.idx.msk [tilespmem:v32+s29+$0x0], $0xffff  }
0x2be: {  	v30 =	vadd.s32 s0, v0;
	v7 =	vmovc v31;
	v14 =	vadd.f32 v16, v14;
	v29 =	vld.idx.msk [tilespmem:v32+s7+$0x0], $0xffff;
	v32 =	vand.u32 $0x7F, v10  }
0x2bf: {  	v16 =	vand.u32 $0x7F, v30;
	v10 =	vmul.f32 v18, v20;
	v34 =	vadd.f32 v21, v12;
	v30 =	vld.idx.msk [tilespmem:v38+s29+$0x0], $0xffff  }
0x2c0: {  	v16 =	vor.u32 v3, v16;
	v18 =	vor.u32 v3, v32;
	v14 =	vadd.f32 v15, v14;
	v12 =	vld.idx.msk [tilespmem:v38+s7+$0x0], $0xffff  }
0x2c1: {  	v15 =	vadd.s32 s4, v0;
	v17 =	vmul.f32 v17, v19;
	v19 =	vld.idx.msk [tilespmem:v41+s29+$0x0], $0xffff  }
0x2c2: {  	v15 =	vand.u32 $0x7F, v15;
	v21 =	vadd.f32 v22, v14;
	v20 =	vld.idx.msk [tilespmem:v41+s7+$0x0], $0xffff  }
0x2c3: {  	v15 =	vor.u32 v3, v15;
	v22 =	vld.idx.msk [tilespmem:v23+s29+$0x0], $0xffff  }
0x2c4: {  	v14 =	vmul.f32 v29, v13;
	v29 =	vadd.f32 v11, v21;
	v23 =	vld.idx.msk [tilespmem:v23+s7+$0x0], $0xffff  }
0x2c5: {  	v21 =	vld.idx.msk [tilespmem:v18+s7+$0x0], $0xffff  }
0x2c6: {  	v12 =	vmul.f32 v12, v30;
	v32 =	vld.idx.msk [tilespmem:v16+s29+$0x0], $0xffff;
	_ =	sdelay $0x1  }
0x2c7: {  	v13 =	vmul.f32 v20, v19;
	v11 =	vld.idx.msk [tilespmem:v15+s29+$0x0], $0xffff  }
0x2c8: {  	v19 =	vld.idx.msk [tilespmem:v15+s7+$0x0], $0xffff  }
0x2c9: {  	v15 =	vmul.f32 v23, v22;
	_ =	sdelay $0x4  }
0x2ca: {  	v11 =	vmul.f32 v19, v11;
	_ =	sdelay $0x1  }
0x2cb: {  	s0 =	sadd.s32 $0xFFFFFFE1, s12;
	v22 =	vld.idx.msk [tilespmem:v16+s7+$0x0], $0xffff  }
0x2cc: {  	s6 =	sadd.s32 $0xFFFFFFE4, s12;
	s4 =	sadd.s32 $0xFFFFFFE3, s12;
	v30 =	vor.u32 s0, v8;
	s0 =	sadd.s32 $0xFFFFFFE2, s12;
	v23 =	vld.idx.msk [tilespmem:v18+s29+$0x0], $0xffff  }
0x2cd: {  	v35 =	vadd.s32 s6, v8;
	v33 =	vadd.s32 s4, v8;
	v31 =	vadd.s32 s0, v8;
	v16 =	vld.idx.msk [tilespmem:v42+s29+$0x0], $0xffff  }
0x2ce: {  	s0 =	sadd.s32 $0xFFFFFFE5, s12;
	v18 =	vld.idx.msk [tilespmem:v25+s29+$0x0], $0xffff  }
0x2cf: {  	v25 =	vadd.s32 s0, v8;
	v19 =	vld.idx.msk [tilespmem:v27+s29+$0x0], $0xffff  }
0x2d0: {  	v20 =	vld.idx.msk [tilespmem:v24+s29+$0x0], $0xffff  }
0x2d1: {  	v24 =	vld.idx.msk [tilespmem:v30+s29+$0x0], $0xffff  }
0x2d2: {  	v27 =	vld.idx.msk [tilespmem:v30+s7+$0x0], $0xffff  }
0x2d3: {  	v30 =	vld.idx.msk [tilespmem:v35+s7+$0x0], $0xffff  }
0x2d4: {  	s4 =	sadd.s32 $0xFFFFFFE8, s12;
	s0 =	sadd.s32 $0xFFFFFFE7, s12;
	v37 =	vld.idx.msk [tilespmem:v25+s7+$0x0], $0xffff  }
0x2d5: {  	v39 =	vadd.s32 s4, v8;
	v38 =	vadd.s32 s0, v8;
	v36 =	vld.idx.msk [tilespmem:v33+s29+$0x0], $0xffff  }
0x2d6: {  	v25 =	vld.idx.msk [tilespmem:v25+s29+$0x0], $0xffff  }
0x2d7: {  	s4 =	sadd.s32 $0xFFFFFFE9, s12;
	s0 =	sadd.s32 $0xFFFFFFE6, s12;
	v40 =	vld.idx.msk [tilespmem:v31+s7+$0x0], $0xffff  }
0x2d8: {  	v41 =	vadd.s32 s4, v8;
	v24 =	vmul.f32 v27, v24;
	v27 =	vadd.s32 s0, v8;
	v35 =	vld.idx.msk [tilespmem:v35+s29+$0x0], $0xffff  }
0x2d9: {  	v33 =	vld.idx.msk [tilespmem:v33+s7+$0x0], $0xffff  }
0x2da: {  	v42 =	vadd.f32 v24, v28;
	v43 =	vld.idx.msk [tilespmem:v31+s29+$0x0], $0xffff  }
0x2db: {  	s0 =	sadd.s32 $0xFFFFFFEB, s12;
	v45 =	vld.idx.msk [tilespmem:v39+s7+$0x0], $0xffff  }
0x2dc: {  	v46 =	vadd.s32 s0, v8;
	v44 =	vld.idx.msk [tilespmem:v38+s7+$0x0], $0xffff  }
0x2dd: {  	v28 =	vld.idx.msk [tilespmem:v41+s7+$0x0], $0xffff  }
0x2de: {  	s4 =	sadd.s32 $0xFFFFFFED, s12;
	s0 =	sadd.s32 $0xFFFFFFEC, s12;
	v30 =	vmul.f32 v30, v35;
	v24 =	vld.idx.msk [tilespmem:v27+s7+$0x0], $0xffff  }
0x2df: {  	v31 =	vadd.s32 s0, v8;
	s0 =	sadd.s32 $0xFFFFFFEF, s12;
	v35 =	vmul.f32 v33, v36;
	v36 =	vadd.s32 s4, v8;
	v33 =	vld.idx.msk [tilespmem:v41+s29+$0x0], $0xffff  }
0x2e0: {  	v40 =	vmul.f32 v40, v43;
	v41 =	vmul.f32 v37, v25;
	v43 =	vadd.s32 s0, v8;
	v38 =	vld.idx.msk [tilespmem:v38+s29+$0x0], $0xffff  }
0x2e1: {  	v39 =	vld.idx.msk [tilespmem:v39+s29+$0x0], $0xffff  }
0x2e2: {  	v25 =	vadd.f32 v40, v29;
	v40 =	vadd.f32 v35, v34;
	v37 =	vld.idx.msk [tilespmem:v46+s7+$0x0], $0xffff  }
.Ltmp12:
0x2e3: {  	s0 =	sadd.s32 $0xFFFFFFF3, s12;
	v35 =	vadd.f32 v41, v42;
	v41 =	vld.idx.msk [tilespmem:v46+s29+$0x0], $0xffff;
	(pc) =	sbr.rel @p0 .LBB2_21-.Ltmp12, $4  }
0x2e4: {  	s6 =	sadd.s32 $0xFFFFFFF5, s12;
	v22 =	vmul.f32 v22, v32;
	s4 =	sadd.s32 $0xFFFFFFF1, s12;
	v42 =	vadd.f32 v30, v26;
	v26 =	vadd.s32 s0, v0;
	v29 =	vld.idx.msk [tilespmem:v36+s7+$0x0], $0xffff  }
0x2e5: {  	s0 =	sadd.s32 $0xFFFFFFEA, s12;
	v34 =	vor.u32 s4, v8;
	v26 =	vand.u32 $0x7F, v26;
	v46 =	vadd.s32 s6, v0;
	v30 =	vld.idx.msk [tilespmem:v43+s7+$0x0], $0xffff  }
0x2e6: {  	s4 =	sadd.s32 $0xFFFFFFF0, s12;
	v26 =	vor.u32 v3, v26;
	v44 =	vmul.f32 v44, v38;
	v38 =	vand.u32 $0x7F, v46;
	v32 =	vld.idx.msk [tilespmem:v31+s7+$0x0], $0xffff  }
0x2e7: {  	v45 =	vmul.f32 v45, v39;
	v38 =	vor.u32 v3, v38;
	v39 =	vld.idx.msk [tilespmem:v43+s29+$0x0], $0xffff;
	v43 =	vadd.s32 s4, v8  }
0x2e8: {  	_ =	sdelay $0x3  }
0x2e9: {  	v61 =	vld.idx.msk [tilespmem:v36+s29+$0x0], $0xffff  }
0x2ea: {  	v3 =	vadd.s32 s0, v8;
	v27 =	vld.idx.msk [tilespmem:v27+s29+$0x0], $0xffff  }
0x2eb: {  	v31 =	vld.idx.msk [tilespmem:v31+s29+$0x0], $0xffff  }
0x2ec: {  	v62 =	vld.idx.msk [tilespmem:v34+s29+$0x0], $0xffff  }
0x2ed: {  	v46 =	vld.idx.msk [tilespmem:v43+s7+$0x0], $0xffff  }
0x2ee: {  	v63 =	vld.idx.msk [tilespmem:v43+s29+$0x0], $0xffff  }
0x2ef: {  	v47 =	vld.idx.msk [tilespmem:v3+s7+$0x0], $0xffff  }
0x2f0: {  	v3 =	vld.idx.msk [tilespmem:v3+s29+$0x0], $0xffff  }
0x2f1: {  	v48 =	vld.idx.msk [tilespmem:v34+s7+$0x0], $0xffff  }
0x2f2: {  	v28 =	vmul.f32 v28, v33;
	v37 =	vmul.f32 v37, v41;
	v51 =	vld.idx.msk [tilespmem:v26+s29+$0x0], $0xffff  }
0x2f3: {  	v40 =	vadd.f32 v44, v40;
	v53 =	vld.idx.msk [tilespmem:v26+s7+$0x0], $0xffff;
	v6 =	vmul.f32 v6, v16;
	v24 =	vmul.f32 v24, v27  }
0x2f4: {  	v49 =	vld.idx.msk [tilespmem:v38+s29+$0x0], $0xffff;
	v42 =	vadd.f32 v45, v42;
	v28 =	vadd.f32 v28, v35;
	v30 =	vmul.f32 v30, v39  }
0x2f5: {  	v50 =	vld.idx.msk [tilespmem:v38+s7+$0x0], $0xffff;
	v31 =	vmul.f32 v32, v31;
	v24 =	vadd.f32 v24, v25;
	v3 =	vmul.f32 v47, v3  }
0x2f6: {  	v52 =	vadd.f32 v37, v40;
	v8 =	vmul.f32 v29, v61;
	v55 =	vmul.f32 v46, v63  }
0x2f7: {  	v56 =	vmul.f32 v48, v62;
	v54 =	vadd.f32 v31, v42;
	v3 =	vadd.f32 v3, v24  }
0x2f8: {  	v26 =	vmul.f32 v53, v51;
	v29 =	vadd.f32 v30, v52;
	v8 =	vadd.f32 v8, v28  }
0x2f9: {  	v7 =	vmul.f32 v7, v19;
	v57 =	vadd.f32 v55, v54;
	v3 =	vadd.f32 v14, v3  }
0x2fa: {  	v58 =	vmul.f32 v50, v49;
	v60 =	vadd.f32 v26, v29;
	v8 =	vadd.f32 v56, v8  }
0x2fb: {  	v59 =	vadd.f32 v17, v57;
	v3 =	vadd.f32 v6, v3  }
0x2fc: {  	v4 =	vmul.f32 v4, v20;
	v7 =	vadd.f32 v7, v60;
	v8 =	vadd.f32 v58, v8  }
0x2fd: {  	v5 =	vmul.f32 v5, v18;
	v61 =	vadd.f32 v9, v59;
	v3 =	vadd.f32 v15, v3  }
0x2fe: {  	v62 =	vmul.f32 v21, v23;
	v7 =	vadd.f32 v12, v7;
	v4 =	vadd.f32 v4, v8  }
0x2ff: {  	v5 =	vadd.f32 v5, v61;
	v3 =	vadd.f32 v22, v3  }
0x300: {  	v4 =	vadd.f32 v10, v4;
	v6 =	vadd.f32 v62, v7  }
0x301: {  	s20 =	sadd.s32 $0x1, s20;
	v5 =	vadd.f32 v13, v5;
	v3 =	vadd.f32 v11, v3  }
0x302: {  	p0 =	sne.s32 s20, $0x8  }
.Ltmp13:
0x303: {  	v63 =	vadd.f32 v5, v6;
	v3 =	vadd.f32 v3, v4;
	(pc) =	sbr.rel @p0 .LBB2_20-.Ltmp13, $3  }
0x304: {  	_ = 	snop  }
0x305: {  	v3 =	vadd.f32 v63, v3;
	_ =	sdelay $0x1  }
0x306: {  	[tilespmem:s21+$0x18400] =	vst v3  }
0x307: {  	v3 =	vld [tilespmem:$0x18400]  }
0x308: {  	v4 =	vld [tilespmem:$0x18410]  }
0x309: {  	v7 =	vld [tilespmem:$0x18420]  }
0x30a: {  	v8 =	vld [tilespmem:$0x18430]  }
0x30b: {  	p0 =	slt.u32 s2, $0x9C4;
	s0 =	simm.s32 $0x0;
	v10 =	vld [tilespmem:$0x18440]  }
0x30c: {  	v11 =	vld [tilespmem:$0x18450];
	s0 =	simm.s32 @!p0 $0x20000  }
0x30d: {  	v12 =	vld [tilespmem:$0x18460];
	v6 =	vmov s0  }
0x30e: {  	v49 =	vld [tilespmem:$0x18470];
	v35 =	vor.u32 $0x10000, v6;
	v5 =	vshra.s32 v3, $0xF  }
0x30f: {  	vm0 =	vlt.s32 v3, $0x0;
	v36 =	vshra.s32 v4, $0xF;
	vm9 =	vlt.s32 v4, $0x0  }
0x310: {  	v41 =	vshra.s32 v7, $0xF;
	vm10 =	vlt.s32 v7, $0x0;
	v44 =	vshra.s32 v8, $0xF  }
0x311: {  	vm11 =	vlt.s32 v8, $0x0;
	v46 =	vshra.s32 v10, $0xF;
	vm12 =	vlt.s32 v10, $0x0  }
0x312: {  	v13 =	vshra.s32 v11, $0xF;
	vm13 =	vlt.s32 v11, $0x0;
	v50 =	vshra.s32 v12, $0xF  }
0x313: {  	vm14 =	vlt.s32 v12, $0x0;
	v56 =	vshra.s32 v49, $0xF;
	vm15 =	vlt.s32 v49, $0x0  }
0x314: {  	v3 =	vxor.u32 $0xFFFF, v5;
	v37 =	vxor.u32 $0xFFFF, v36;
	v42 =	vxor.u32 $0xFFFF, v41  }
0x315: {  	v45 =	vxor.u32 $0xFFFF, v44;
	v47 =	vxor.u32 $0xFFFF, v46;
	v48 =	vxor.u32 $0xFFFF, v13  }
0x316: {  	v51 =	vxor.u32 $0xFFFF, v50;
	v58 =	vxor.u32 $0xFFFF, v56;
	v3 =	vsel vm0, v3, v5  }
0x317: {  	v5 =	vbroadcast v35, $0x0;
	v4 =	vsel vm9, v37, v36;
	v43 =	vsel vm10, v42, v41  }
0x318: {  	v7 =	vsel vm11, v45, v44;
	v10 =	vsel vm13, v48, v13;
	v12 =	vsel vm14, v51, v50  }
0x319: {  	v59 =	vsel vm15, v58, v56;
	v9 =	vand.u32 $0x7F, v3;
	v39 =	vand.u32 $0x7F, v4  }
0x31a: {  	v8 =	vand.u32 $0x7F, v7;
	v54 =	vand.u32 $0x7F, v10;
	v38 =	vor.u32 $0x40000, v9  }
0x31b: {  	v3 =	vadd.s32 v3, v5;
	v40 =	vor.u32 $0x40000, v39;
	v4 =	vadd.s32 v4, v5  }
0x31c: {  	p6 =	sgt.u32 s2, $0x1387;
	v9 =	vand.u32 $0x7F, v43;
	v6 =	vadd.s32 v43, v5;
	v8 =	vor.u32 $0x40000, v8  }
0x31d: {  	v7 =	vadd.s32 v7, v5;
	v3 =	vpsel p6, v38, v3;
	v9 =	vor.u32 $0x40000, v9  }
0x31e: {  	v4 =	vpsel p6, v40, v4;
	v6 =	vpsel p6, v9, v6;
	v9 =	vsel vm12, v47, v46;
	[tilespmem:$0x18580] =	vst v3  }
0x31f: {  	v60 =	vand.u32 $0x7F, v12;
	v7 =	vpsel p6, v8, v7;
	[tilespmem:$0x18590] =	vst v4;
	v52 =	vand.u32 $0x7F, v9  }
0x320: {  	v55 =	vor.u32 $0x40000, v54;
	[tilespmem:$0x185B0] =	vst v7;
	v53 =	vadd.s32 v9, v5;
	v3 =	vor.u32 $0x40000, v52  }
0x321: {  	v57 =	vadd.s32 v10, v5;
	v61 =	vadd.s32 v12, v5;
	[tilespmem:$0x185A0] =	vst v6;
	v3 =	vpsel p6, v3, v53  }
0x322: {  	s9 =	sadd.s32 $0x1, s9;
	v8 =	vand.u32 $0x7F, v59;
	v4 =	vpsel p6, v55, v57;
	[tilespmem:$0x185C0] =	vst v3;
	v3 =	vor.u32 $0x40000, v60  }
0x323: {  	p0 =	sne.s32 s9, $0x35;
	v62 =	vadd.s32 v59, v5;
	v63 =	vor.u32 $0x40000, v8;
	[tilespmem:$0x185D0] =	vst v4;
	v3 =	vpsel p6, v3, v61  }
.Ltmp14:
0x324: {  	s23 =	rddreg [dreg:$0x4];
	s4 =	simm.s32 $0x18600;
	[tilespmem:$0x185E0] =	vst v3;
	v3 =	vpsel p6, v63, v62;
	(pc) =	sbr.rel @p0 .LBB2_2-.Ltmp14, $4  }
.Ltmp15:
0x325: {  	s6 =	simm.s32 $0x18580;
	s24 =	sshll.u32 s2, $0x4;
	[tilespmem:$0x185F0] =	vst v3;
	(pc) =	sbr.rel @!p0 .LBB2_24-.Ltmp15, $4  }
0x326: {  	[spmem:s23] =	stream.indirect.scatter.add.f32 [tilespmem:s4], [sflag:$0xC], $0x1, s6, s30, $0xb8;
	[tilespmem:$0x1C688] =	vst v63  }
0x327: {  	s31 =	simm.s32 $0x18400;
	s0 =	sadd.s32 s8, s24  }
0x328: {  	[hbm4b:s0+s5] =	stream.linear.scatter [tilespmem:s31], [sflag:$0xF], $0x80, $0x38;
	[tilespmem:$0x1C688] =	vst v63  }
0x329: {  	_ = 	snop  }
.LBB2_4:
.Ltmp16:
0x32a: {  	(pc) =	sbr.rel .LBB2_7-.Ltmp16, $2  }
0x32b: {  	_ =	sdelay $0x2  }
0x32c: {  	p0 =	por $0x1, $0x1  }
.LBB2_25:
0x32d: {  	_ =	sfence.sel $0x180000  }
0x32e: {  	[bflag:$0x0] =	sbarrier.arrive $0xFFFF  }
0x32f: {  	_ =	strace $0x90000047  }
0x330: {  	s0 =	stileid.u32;
	[bflag:$0x2] =	sbarrier.arrive $0xFFFF  }
0x331: {  	p0 =	sne.s32 s0, $0x0;
	s0 =	rddreg [dreg:$0x5]  }
0x332: {  	s0 =	sadd.s32 @!p0 $0x100000, s0  }
0x333: {  	[sflag:s0] =	ssyncadd.tile.s32 @!p0 $0x1;
	_ =	shalt  }
.Lfunc_end2:
_tile_overlayer_lowered:
.L_overlay_start_2:
0x334: {  	(tag) =	ssettag $0x2  }
0x335: {  	s0 =	rddreg [dreg:$0x0];
	s2 =	stileid.u32  }
0x336: {  	s1 =	rddreg [dreg:$0x1];
	p0 =	sne.s32 s2, $0x0  }
0x337: {  	s3 =	rddreg [dreg:$0x2];
	[bflag:$0x3] =	sbarrier.arrive $0xFFFF;
	s2 =	simm.s32 @!p0 $0x1C10  }
0x338: {  	[timem:s3], [sflag:s2] =	dma.local @!p0 [hbm:s0], s1  }
0x339: {  	s0 =	simm.s32 @!p0 $0x10  }
0x33a: {  	_ =	swait.ge @!p0 [sflag:s0], s1  }
0x33b: {  	s1 =	ssub.s32 @!p0 $0x0, s1;
	[sflag:s0] =	ssyncset.done @!p0 $0x0  }
0x33c: {  	[sflag:s0] =	ssyncadd.s32 @!p0 s1  }
0x33d: {  	[bflag:$0x3] =	sbarrier.arrive $0xFFFF  }
0x33e: {  	_ =	shalt  }

</sc_bundles>
